<compile_context>
chip_gen: v7x
topology: tpu7x:2x2x1
jax: 0.10.2.dev20260603
libtpu: 0.0.44.dev20260713+nightly
codegen_flags: <defaults>
</compile_context>

<pallas_src>
import functools

import jax
import jax.numpy as jnp
from jax import lax
from jax.experimental import pallas as pl
from jax.experimental.pallas import tpu as pltpu
from jax.experimental.pallas import tpu_sc as plsc

_F32 = jnp.float32
_K = 8
_INF = 3.0e38



def _knn_body(pt_ref, p_ref, out_ref, s_ref):
    pt = pt_ref[0]
    p = p_ref[0]
    br, hw = s_ref.shape
    cp = pt.shape[0]
    d_j = jnp.sum(pt * pt, axis=0, keepdims=True)
    d_i = jnp.sum(p * p, axis=1, keepdims=True)
    r = jnp.dot(p, pt, preferred_element_type=_F32)
    d2 = jnp.maximum((d_i + d_j) - 2.0 * r, 0.0)
    iota_j = lax.broadcasted_iota(jnp.int32, (br, hw), 1)
    key_i = ((lax.bitcast_convert_type(d2, jnp.int32) & jnp.int32(-4096))
             | iota_j) + jnp.int32(1 << 23)
    kv = lax.bitcast_convert_type(key_i, _F32)
    s_ref[...] = kv
    cols = []
    for t in range(_K):
        if t:
            kv = s_ref[...]
        m = jnp.min(kv, axis=1, keepdims=True)
        mi = lax.bitcast_convert_type(m, jnp.int32) - jnp.int32(1 << 23)
        cols.append(mi & jnp.int32(hw - 1))
        if t + 1 < _K:
            s_ref[...] = jnp.where(kv == m, _INF, kv)
    out_ref[0] = jnp.concatenate(cols, axis=1)


def _knn_topk(mats):
    b, cp, hw = mats.shape
    br = min(1024, hw)
    p = mats.transpose(0, 2, 1)
    return pl.pallas_call(
        _knn_body,
        grid=(b, hw // br),
        in_specs=[
            pl.BlockSpec((1, cp, hw), lambda n, i: (n, 0, 0)),
            pl.BlockSpec((1, br, cp), lambda n, i: (n, i, 0)),
        ],
        out_specs=pl.BlockSpec((1, br, _K), lambda n, i: (n, i, 0)),
        out_shape=jax.ShapeDtypeStruct((b, hw, _K), jnp.int32),
        scratch_shapes=[pltpu.VMEM((br, hw), _F32)],
        compiler_params=pltpu.CompilerParams(
            dimension_semantics=("parallel", "parallel")),
    )(mats, p)



def _feats_body(h_ref, s_ref, wp_ref, bp_ref, wq_ref, bq_ref, p_ref, q_ref):
    hs = h_ref[0] * s_ref[0]
    dot = functools.partial(jnp.dot, preferred_element_type=_F32)
    p_ref[0] = dot(hs, wp_ref[...]) + bp_ref[...]
    q_ref[0] = dot(hs, wq_ref[...]) + bq_ref[...]


def _feat_tables(h, s_scale, wp, bp, wq, bq):
    n, hw, c = h.shape
    bw = min(512, hw)
    blk = pl.BlockSpec((1, bw, 2 * c), lambda i, j: (i, j, 0))
    return pl.pallas_call(
        _feats_body,
        grid=(n, hw // bw),
        in_specs=[
            pl.BlockSpec((1, bw, c), lambda i, j: (i, j, 0)),
            pl.BlockSpec((1, 1, c), lambda i, j: (i, 0, 0)),
            pl.BlockSpec((c, 2 * c), lambda i, j: (0, 0)),
            pl.BlockSpec((1, 2 * c), lambda i, j: (0, 0)),
            pl.BlockSpec((c, 2 * c), lambda i, j: (0, 0)),
            pl.BlockSpec((1, 2 * c), lambda i, j: (0, 0)),
        ],
        out_specs=[blk, blk],
        out_shape=[jax.ShapeDtypeStruct((n, hw, 2 * c), _F32)] * 2,
        compiler_params=pltpu.CompilerParams(
            dimension_semantics=("parallel", "parallel")),
    )(h, s_scale, wp, bp, wq, bq)



_SC_G = 16


def _sc_body(rows_w, c, p_hbm, q_hbm, gir_hbm, gii_hbm, psr_hbm, psi_hbm,
             idx_r, idx_i, rp, rq, psr_v, psi_v, sem):
    g = _SC_G
    wid = lax.axis_index("s") * 2 + lax.axis_index("c")
    base = wid * rows_w
    nsl = c // 16
    zero = jnp.zeros((16,), _F32)
    init = tuple(zero for _ in range(2 * nsl))

    def chunk(ch, acc):
        nb = base + ch * g
        ib = pl.multiple_of(nb * _K, g * _K)
        pltpu.sync_copy(gir_hbm.at[pl.ds(ib, g * _K)], idx_r)
        pltpu.sync_copy(gii_hbm.at[pl.ds(ib, g * _K)], idx_i)
        h1 = pltpu.async_copy(p_hbm.at[idx_r], rp, sem)
        h2 = pltpu.async_copy(q_hbm.at[idx_i], rq, sem)
        h1.wait()
        h2.wait()

        def node(gg, acc2):
            r0 = gg * _K
            accl = list(acc2)
            for c16 in range(nsl):
                sl = pl.ds(c16 * 16, 16)
                sh = pl.ds(c + c16 * 16, 16)
                ar = rp[r0, sl] - rq[r0, sh]
                ai = rq[r0, sl] - rp[r0, sh]
                for kk in range(1, _K):
                    ar = jnp.maximum(ar, rp[r0 + kk, sl] - rq[r0 + kk, sh])
                    ai = jnp.maximum(ai, rq[r0 + kk, sl] - rp[r0 + kk, sh])
                accl[c16] = accl[c16] + jnp.maximum(ar, 0.0)
                accl[nsl + c16] = accl[nsl + c16] + jnp.maximum(ai, 0.0)
            return tuple(accl)

        return lax.fori_loop(0, g, node, acc)

    acc = lax.fori_loop(0, rows_w // g, chunk, init)
    for c16 in range(nsl):
        sl = pl.ds(c16 * 16, 16)
        psr_v[0, sl] = acc[c16]
        psi_v[0, sl] = acc[nsl + c16]
    pltpu.sync_copy(psr_v, psr_hbm.at[pl.ds(wid, 1)])
    pltpu.sync_copy(psi_v, psi_hbm.at[pl.ds(wid, 1)])


def _sc_gather_max(p, q, gidx_rgb, gidx_ir):
    c2 = p.shape[1]
    c = c2 // 2
    info = plsc.get_sparse_core_info()
    nw = info.num_cores * info.num_subcores
    rows_w = (gidx_rgb.shape[0] // _K) // nw
    g = _SC_G
    kern = pl.kernel(
        functools.partial(_sc_body, rows_w, c),
        out_type=[jax.ShapeDtypeStruct((nw, c), _F32)] * 2,
        mesh=plsc.VectorSubcoreMesh(core_axis_name="c", subcore_axis_name="s"),
        scratch_types=[
            pltpu.VMEM((g * _K,), jnp.int32),
            pltpu.VMEM((g * _K,), jnp.int32),
            pltpu.VMEM((g * _K, c2), _F32),
            pltpu.VMEM((g * _K, c2), _F32),
            pltpu.VMEM((1, c), _F32),
            pltpu.VMEM((1, c), _F32),
            pltpu.SemaphoreType.DMA,
        ],
    )
    return kern(p, q, gidx_rgb, gidx_ir)



def _se_body(hw, psr_ref, psi_ref, s_ref, w1t_ref, b1_ref, w2t_ref, b2_ref,
             out_ref):
    sr = jnp.sum(psr_ref[...], axis=0, keepdims=True)
    si = jnp.sum(psi_ref[...], axis=0, keepdims=True)
    t = jnp.concatenate([sr, si], axis=1) * (1.0 / hw)
    dot = functools.partial(jnp.dot, preferred_element_type=_F32)
    z = jnp.maximum(dot(t, w1t_ref[...]) + b1_ref[...], 0.0)
    u = dot(z, w2t_ref[...]) + b2_ref[...]
    sg = 1.0 / (1.0 + jnp.exp(-u))
    out_ref[0] = s_ref[0] * sg


def _se_update(psr, psi, hw, s_scale, w1t, b1, w2t, b2):
    n = s_scale.shape[0]
    nw, c = psr.shape
    tpn = nw // n
    cm = w1t.shape[1]
    return pl.pallas_call(
        functools.partial(_se_body, hw),
        grid=(n,),
        in_specs=[
            pl.BlockSpec((tpn, c), lambda i: (i, 0)),
            pl.BlockSpec((tpn, c), lambda i: (i, 0)),
            pl.BlockSpec((1, 1, c), lambda i: (i, 0, 0)),
            pl.BlockSpec((2 * c, cm), lambda i: (0, 0)),
            pl.BlockSpec((1, cm), lambda i: (0, 0)),
            pl.BlockSpec((cm, c), lambda i: (0, 0)),
            pl.BlockSpec((1, c), lambda i: (0, 0)),
        ],
        out_specs=pl.BlockSpec((1, 1, c), lambda i: (i, 0, 0)),
        out_shape=jax.ShapeDtypeStruct((n, 1, c), _F32),
        compiler_params=pltpu.CompilerParams(
            dimension_semantics=("parallel",)),
    )(psr, psi, s_scale, w1t, b1, w2t, b2)



def _final_body(x_ref, s_ref, g_ref, out_ref):
    c = s_ref.shape[2]
    scale = 1.0 + g_ref[0, 0] * s_ref[0]
    ri = lax.broadcasted_iota(jnp.int32, (c, c), 0)
    ci = lax.broadcasted_iota(jnp.int32, (c, c), 1)
    diag = jnp.where(ri == ci, jnp.broadcast_to(scale, (c, c)), 0.0)
    y = jnp.dot(diag, x_ref[0], preferred_element_type=_F32,
                precision=lax.Precision.HIGHEST)
    out_ref[0] = jnp.maximum(y, 0.0)


def _final_scale(xf, s_scale, gamma):
    n, c, hw = xf.shape
    return pl.pallas_call(
        _final_body,
        grid=(n,),
        in_specs=[
            pl.BlockSpec((1, c, hw), lambda i: (i, 0, 0)),
            pl.BlockSpec((1, 1, c), lambda i: (i, 0, 0)),
            pl.BlockSpec((1, 1), lambda i: (0, 0)),
        ],
        out_specs=pl.BlockSpec((1, c, hw), lambda i: (i, 0, 0)),
        out_shape=jax.ShapeDtypeStruct((n, c, hw), _F32),
        compiler_params=pltpu.CompilerParams(
            dimension_semantics=("parallel",)),
    )(xf, s_scale, gamma)



def kernel(cnn_encoder_output, rgb, ir, gnn_iterations, k,
           rgb_g_W, rgb_g_b, ir_g_W, ir_g_b,
           se_W1, se_b1, se_W2, se_b2, gamma):
    x = cnn_encoder_output
    n, c, h_dim, w_dim = x.shape
    hw = h_dim * w_dim
    xf = x.reshape(n, c, hw)

    rgb_t = rgb.reshape(n, rgb.shape[1], hw)
    ir_t = ir.reshape(n, ir.shape[1], hw)
    ir_pad = jnp.concatenate(
        [ir_t, jnp.zeros((n, rgb.shape[1] - ir.shape[1], hw), _F32)], axis=1)
    mats = jnp.concatenate([rgb_t, ir_pad], axis=0)
    idx_all = _knn_topk(mats)
    idx_rgb, idx_ir = idx_all[:n], idx_all[n:]

    offs = (jnp.arange(n, dtype=jnp.int32) * hw)[:, None, None]
    gidx_rgb = (idx_rgb + offs).reshape(n * hw * _K)
    gidx_ir = (idx_ir + offs).reshape(n * hw * _K)

    h0 = xf.transpose(0, 2, 1)
    wt_rgb = rgb_g_W.T
    wt_ir = ir_g_W.T
    zc = jnp.zeros((1, c), _F32)
    wp = jnp.concatenate([wt_rgb[:c] + wt_rgb[c:], wt_ir[c:]], axis=1)
    bp = jnp.concatenate([rgb_g_b.reshape(1, c), zc], axis=1)
    wq = jnp.concatenate([wt_ir[:c] + wt_ir[c:], wt_rgb[c:]], axis=1)
    bq = jnp.concatenate([ir_g_b.reshape(1, c), zc], axis=1)
    w1t = se_W1.T
    b1 = se_b1.reshape(1, -1)
    w2t = se_W2.T
    b2 = se_b2.reshape(1, c)

    def body(_, s_scale):
        p, q = _feat_tables(h0, s_scale, wp, bp, wq, bq)
        psr, psi = _sc_gather_max(
            p.reshape(n * hw, 2 * c), q.reshape(n * hw, 2 * c),
            gidx_rgb, gidx_ir)
        return _se_update(psr, psi, hw, s_scale, w1t, b1, w2t, b2)

    s_scale = lax.fori_loop(0, gnn_iterations, body,
                            jnp.ones((n, 1, c), _F32))

    out = _final_scale(xf, s_scale, gamma.reshape(1, 1).astype(_F32))
    return out.reshape(n, c, h_dim, w_dim)

# --- scband reference (transcript-rebuilt; emitter-appended) ---
"""Pipeline reference for scband-enet-gnn-69810398429320 (READ-ONLY COPY).

The authoritative reference and input builder live on the scoring server;
editing this copy changes nothing except your own understanding.
"""

import jax, jax.numpy as jnp
import numpy as np


def knn_indices(mat, k, k_static):
    # mat: [N, HW, C]; returns indices of k smallest pairwise distances per row
    r = jnp.einsum('nic,njc->nij', mat, mat)
    diag = jnp.diagonal(r, axis1=1, axis2=2)  # [N, HW]
    D2 = diag[:, :, None] + diag[:, None, :] - 2.0 * r
    D = jnp.sqrt(jnp.maximum(D2, 0.0))
    _, idx = jax.lax.top_k(-D, k_static)  # smallest distances
    idx = idx + 0 * k
    return idx  # [N, HW, k]


def setup_inputs(seed: int = 0):
    key = jax.random.key(seed)
    ks = jax.random.split(key, 12)
    C = 128
    return {
        'cnn_encoder_output': jax.random.normal(ks[0], (2, C, 64, 64), dtype=jnp.float32),
        'rgb': jax.random.uniform(ks[1], (2, 3, 64, 64), dtype=jnp.float32),
        'ir': jax.random.uniform(ks[2], (2, 1, 64, 64), dtype=jnp.float32),
        'gnn_iterations': 1,
        'k': 8,
        'rgb_g_W': jax.random.normal(ks[3], (C, 2 * C), dtype=jnp.float32) * 0.02,
        'rgb_g_b': jnp.zeros((C,), dtype=jnp.float32),
        'ir_g_W': jax.random.normal(ks[4], (C, 2 * C), dtype=jnp.float32) * 0.02,
        'ir_g_b': jnp.zeros((C,), dtype=jnp.float32),
        'se_W1': jax.random.normal(ks[5], (C // 16, 2 * C), dtype=jnp.float32) * 0.02,
        'se_b1': jnp.zeros((C // 16,), dtype=jnp.float32),
        'se_W2': jax.random.normal(ks[6], (C, C // 16), dtype=jnp.float32) * 0.02,
        'se_b2': jnp.zeros((C,), dtype=jnp.float32),
        'gamma': jnp.ones((1,), dtype=jnp.float32),
    }


def reference(cnn_encoder_output, rgb, ir, gnn_iterations, k,
              rgb_g_W, rgb_g_b, ir_g_W, ir_g_b,
              se_W1, se_b1, se_W2, se_b2, gamma):
    N, C, H, W = cnn_encoder_output.shape
    HW = H * W
    K_STATIC = 8
    rgb_m = rgb.reshape(N, rgb.shape[1], HW).transpose(0, 2, 1)
    ir_m = ir.reshape(N, ir.shape[1], HW).transpose(0, 2, 1)
    rgb_knn = knn_indices(rgb_m, k, K_STATIC)  # [N, HW, K]
    ir_knn = knn_indices(ir_m, k, K_STATIC)
    h = cnn_encoder_output.transpose(0, 2, 3, 1).reshape(N, HW, C)
    gather = jax.vmap(lambda hn, idx: hn[idx])  # [HW,C],[HW,K] -> [HW,K,C]

    def body(_, h):
        rgb_nb = gather(h, rgb_knn)  # [N, HW, K, C]
        ir_nb = gather(h, ir_knn)
        rgb_feat = jnp.concatenate([rgb_nb, rgb_nb - ir_nb], axis=-1)
        ir_feat = jnp.concatenate([ir_nb, ir_nb - rgb_nb], axis=-1)
        rgb_feat = jax.nn.relu(rgb_feat @ rgb_g_W.T + rgb_g_b)  # single mlp layer
        ir_feat = jax.nn.relu(ir_feat @ ir_g_W.T + ir_g_b)
        m_rgb = jnp.max(rgb_feat, axis=2)  # [N, HW, C]
        m_ir = jnp.max(ir_feat, axis=2)
        concat = jnp.concatenate([m_rgb, m_ir], axis=2)  # [N, HW, 2C]
        concat = jnp.mean(concat, axis=1, keepdims=True)  # [N, 1, 2C]
        s = jax.nn.relu(concat @ se_W1.T + se_b1)
        s = jax.nn.sigmoid(s @ se_W2.T + se_b2)  # [N, 1, C]
        return s * h

    h = jax.lax.fori_loop(0, gnn_iterations, body, h)
    h = h.reshape(N, H, W, C).transpose(0, 3, 1, 2)
    return jax.nn.relu(gamma[0] * h + cnn_encoder_output)

if __name__ == "__main__":
    import jax
    _d = setup_inputs()
    print(jax.jit(kernel)(*tuple(_d.values())))

</pallas_src>

<mosaic_0001>
#map = affine_map<(d0, d1) -> (0, 0)>
#map1 = affine_map<(d0, d1) -> (0)>
module attributes {stable_mosaic.version = 14 : i64} {
  func.func @_sc_body(%arg0: i32, %arg1: i32, %arg2: memref<8192x256xf32, #tpu.memory_space<hbm>>, %arg3: memref<8192x256xf32, #tpu.memory_space<hbm>>, %arg4: memref<65536xi32, #tpu.memory_space<hbm>>, %arg5: memref<65536xi32, #tpu.memory_space<hbm>>, %arg6: memref<32x128xf32, #tpu.memory_space<hbm>>, %arg7: memref<32x128xf32, #tpu.memory_space<hbm>>, %arg8: memref<128xi32, #tpu.memory_space<vmem>>, %arg9: memref<128xi32, #tpu.memory_space<vmem>>, %arg10: memref<128x256xf32, #tpu.memory_space<vmem>>, %arg11: memref<128x256xf32, #tpu.memory_space<vmem>>, %arg12: memref<1x128xf32, #tpu.memory_space<vmem>>, %arg13: memref<1x128xf32, #tpu.memory_space<vmem>>, %arg14: memref<!tpu.dma_semaphore, #tpu.memory_space<semaphore_mem>>) attributes {dimension_semantics = [#tpu.dimension_semantics<core_parallel>, #tpu.dimension_semantics<subcore_parallel>], iteration_bounds = array<i64: 2, 16>, scalar_prefetch = 0 : i64, scratch_operands = 7 : i64, tpu.core_type = #tpu.core_type<sc_vector_subcore>, window_params = [{transform_indices = #map}, {transform_indices = #map}, {transform_indices = #map1}, {transform_indices = #map1}, {transform_indices = #map}, {transform_indices = #map}]} {
    %mul3A = arith.constant 2 : i32
    %mul3A_0 = arith.muli %arg1, %mul3A : i32
    %add3A = arith.addi %mul3A_0, %arg0 : i32
    %mul3A_1 = arith.constant 256 : i32
    %mul3A_2 = arith.muli %add3A, %mul3A_1 : i32
    %broadcast_in_dim3A = arith.constant 0.000000e+00 : f32
    %broadcast_in_dim3A_3 = vector.broadcast %broadcast_in_dim3A : f32 to vector<16xf32>
    %scan3A = arith.constant 0 : i32
    %scan3A_4 = arith.constant 16 : i32
    %scan3A_5 = arith.addi %scan3A, %scan3A_4 : i32
    %scan3A_6 = arith.constant 1 : i32
    %scan3A_7:16 = scf.for %scan3A_104 = %scan3A to %scan3A_5 step %scan3A_6 iter_args(%scan3A_105 = %broadcast_in_dim3A_3, %scan3A_106 = %broadcast_in_dim3A_3, %scan3A_107 = %broadcast_in_dim3A_3, %scan3A_108 = %broadcast_in_dim3A_3, %scan3A_109 = %broadcast_in_dim3A_3, %scan3A_110 = %broadcast_in_dim3A_3, %scan3A_111 = %broadcast_in_dim3A_3, %scan3A_112 = %broadcast_in_dim3A_3, %scan3A_113 = %broadcast_in_dim3A_3, %scan3A_114 = %broadcast_in_dim3A_3, %scan3A_115 = %broadcast_in_dim3A_3, %scan3A_116 = %broadcast_in_dim3A_3, %scan3A_117 = %broadcast_in_dim3A_3, %scan3A_118 = %broadcast_in_dim3A_3, %scan3A_119 = %broadcast_in_dim3A_3, %scan3A_120 = %broadcast_in_dim3A_3) -> (vector<16xf32>, vector<16xf32>, vector<16xf32>, vector<16xf32>, vector<16xf32>, vector<16xf32>, vector<16xf32>, vector<16xf32>, vector<16xf32>, vector<16xf32>, vector<16xf32>, vector<16xf32>, vector<16xf32>, vector<16xf32>, vector<16xf32>, vector<16xf32>)  : i32 {
      %mul3A_121 = arith.constant 16 : i32
      %mul3A_122 = arith.muli %scan3A_104, %mul3A_121 : i32
      %add3A_123 = arith.addi %mul3A_2, %mul3A_122 : i32
      %mul3A_124 = arith.constant 8 : i32
      %mul3A_125 = arith.muli %add3A_123, %mul3A_124 : i32
      %multiple_of3A = tpu.assume_multiple %mul3A_125, 128 : i32
      "tpu.region"() ({
        %run_scoped3A = tpu.sem_alloc : memref<!tpu.dma_semaphore, #tpu.memory_space<semaphore_mem>>
        %dma_start3A_142 = tpu.memref_slice %arg4[%multiple_of3A] : memref<65536xi32, #tpu.memory_space<hbm>> -> memref<128xi32, #tpu.memory_space<hbm>>
        %dma_start3A_143 = tpu.memref_slice %arg4[%multiple_of3A] : memref<65536xi32, #tpu.memory_space<hbm>> -> memref<128xi32, #tpu.memory_space<hbm>>
        tpu.enqueue_dma source(%dma_start3A_143 : memref<128xi32, #tpu.memory_space<hbm>>) target(%arg8 : memref<128xi32, #tpu.memory_space<vmem>>) target_semaphore(%run_scoped3A : memref<!tpu.dma_semaphore, #tpu.memory_space<semaphore_mem>>)
        %dma_wait3A_144 = tpu.memref_slice %arg4[%multiple_of3A] : memref<65536xi32, #tpu.memory_space<hbm>> -> memref<128xi32, #tpu.memory_space<hbm>>
        %dma_wait3A_145 = tpu.memref_slice %arg4[%multiple_of3A] : memref<65536xi32, #tpu.memory_space<hbm>> -> memref<128xi32, #tpu.memory_space<hbm>>
        tpu.wait_dma2 semaphore(%run_scoped3A : memref<!tpu.dma_semaphore, #tpu.memory_space<semaphore_mem>>) src(%dma_wait3A_145 : memref<128xi32, #tpu.memory_space<hbm>>) dst(%arg8 : memref<128xi32, #tpu.memory_space<vmem>>)
        tpu.yield
      }) : () -> ()
      "tpu.region"() ({
        %run_scoped3A = tpu.sem_alloc : memref<!tpu.dma_semaphore, #tpu.memory_space<semaphore_mem>>
        %dma_start3A_142 = tpu.memref_slice %arg5[%multiple_of3A] : memref<65536xi32, #tpu.memory_space<hbm>> -> memref<128xi32, #tpu.memory_space<hbm>>
        %dma_start3A_143 = tpu.memref_slice %arg5[%multiple_of3A] : memref<65536xi32, #tpu.memory_space<hbm>> -> memref<128xi32, #tpu.memory_space<hbm>>
        tpu.enqueue_dma source(%dma_start3A_143 : memref<128xi32, #tpu.memory_space<hbm>>) target(%arg9 : memref<128xi32, #tpu.memory_space<vmem>>) target_semaphore(%run_scoped3A : memref<!tpu.dma_semaphore, #tpu.memory_space<semaphore_mem>>)
        %dma_wait3A_144 = tpu.memref_slice %arg5[%multiple_of3A] : memref<65536xi32, #tpu.memory_space<hbm>> -> memref<128xi32, #tpu.memory_space<hbm>>
        %dma_wait3A_145 = tpu.memref_slice %arg5[%multiple_of3A] : memref<65536xi32, #tpu.memory_space<hbm>> -> memref<128xi32, #tpu.memory_space<hbm>>
        tpu.wait_dma2 semaphore(%run_scoped3A : memref<!tpu.dma_semaphore, #tpu.memory_space<semaphore_mem>>) src(%dma_wait3A_145 : memref<128xi32, #tpu.memory_space<hbm>>) dst(%arg9 : memref<128xi32, #tpu.memory_space<vmem>>)
        tpu.yield
      }) : () -> ()
      %dma_start3A = arith.constant 0 : i32
      %dma_start3A_126 = arith.constant 0 : i32
      %dma_start3A_127 = tpu.memref_slice %arg2[%dma_start3A, %dma_start3A_126] : memref<8192x256xf32, #tpu.memory_space<hbm>> -> memref<8192x256xf32, #tpu.memory_space<hbm>>
      tpu.enqueue_indirect_dma source(%dma_start3A_127 : memref<8192x256xf32, #tpu.memory_space<hbm>>) target(%arg10 : memref<128x256xf32, #tpu.memory_space<vmem>>) offsets(%arg8 : memref<128xi32, #tpu.memory_space<vmem>>) semaphore(%arg14 : memref<!tpu.dma_semaphore, #tpu.memory_space<semaphore_mem>>)
      %dma_start3A_128 = arith.constant 0 : i32
      %dma_start3A_129 = arith.constant 0 : i32
      %dma_start3A_130 = tpu.memref_slice %arg3[%dma_start3A_128, %dma_start3A_129] : memref<8192x256xf32, #tpu.memory_space<hbm>> -> memref<8192x256xf32, #tpu.memory_space<hbm>>
      tpu.enqueue_indirect_dma source(%dma_start3A_130 : memref<8192x256xf32, #tpu.memory_space<hbm>>) target(%arg11 : memref<128x256xf32, #tpu.memory_space<vmem>>) offsets(%arg9 : memref<128xi32, #tpu.memory_space<vmem>>) semaphore(%arg14 : memref<!tpu.dma_semaphore, #tpu.memory_space<semaphore_mem>>)
      %dma_wait3A = arith.constant 0 : i32
      %dma_wait3A_131 = arith.constant 0 : i32
      %dma_wait3A_132 = tpu.memref_slice %arg2[%dma_wait3A, %dma_wait3A_131] : memref<8192x256xf32, #tpu.memory_space<hbm>> -> memref<8192x256xf32, #tpu.memory_space<hbm>>
      tpu.wait_indirect_dma semaphore(%arg14 : memref<!tpu.dma_semaphore, #tpu.memory_space<semaphore_mem>>) src(%dma_wait3A_132 : memref<8192x256xf32, #tpu.memory_space<hbm>>) dst(%arg10 : memref<128x256xf32, #tpu.memory_space<vmem>>)
      %dma_wait3A_133 = arith.constant 0 : i32
      %dma_wait3A_134 = arith.constant 0 : i32
      %dma_wait3A_135 = tpu.memref_slice %arg3[%dma_wait3A_133, %dma_wait3A_134] : memref<8192x256xf32, #tpu.memory_space<hbm>> -> memref<8192x256xf32, #tpu.memory_space<hbm>>
      tpu.wait_indirect_dma semaphore(%arg14 : memref<!tpu.dma_semaphore, #tpu.memory_space<semaphore_mem>>) src(%dma_wait3A_135 : memref<8192x256xf32, #tpu.memory_space<hbm>>) dst(%arg11 : memref<128x256xf32, #tpu.memory_space<vmem>>)
      %scan3A_136 = arith.constant 0 : i32
      %scan3A_137 = arith.constant 16 : i32
      %scan3A_138 = arith.addi %scan3A_136, %scan3A_137 : i32
      %scan3A_139 = arith.constant 1 : i32
      %scan3A_140:16 = scf.for %scan3A_142 = %scan3A_136 to %scan3A_138 step %scan3A_139 iter_args(%scan3A_143 = %scan3A_105, %scan3A_144 = %scan3A_106, %scan3A_145 = %scan3A_107, %scan3A_146 = %scan3A_108, %scan3A_147 = %scan3A_109, %scan3A_148 = %scan3A_110, %scan3A_149 = %scan3A_111, %scan3A_150 = %scan3A_112, %scan3A_151 = %scan3A_113, %scan3A_152 = %scan3A_114, %scan3A_153 = %scan3A_115, %scan3A_154 = %scan3A_116, %scan3A_155 = %scan3A_117, %scan3A_156 = %scan3A_118, %scan3A_157 = %scan3A_119, %scan3A_158 = %scan3A_120) -> (vector<16xf32>, vector<16xf32>, vector<16xf32>, vector<16xf32>, vector<16xf32>, vector<16xf32>, vector<16xf32>, vector<16xf32>, vector<16xf32>, vector<16xf32>, vector<16xf32>, vector<16xf32>, vector<16xf32>, vector<16xf32>, vector<16xf32>, vector<16xf32>)  : i32 {
        %mul3A_159 = arith.constant 8 : i32
        %mul3A_160 = arith.muli %scan3A_142, %mul3A_159 : i32
        %get3A = arith.index_cast %mul3A_160 : i32 to index
        %get3A_161 = arith.constant 0 : index
        %get3A_162 = tpu.vector_load %arg10[%get3A, %get3A_161] {strides = array<i32>} : memref<128x256xf32, #tpu.memory_space<vmem>>, vector<1x16xf32>,
        %get3A_163 = vector.shape_cast %get3A_162 : vector<1x16xf32> to vector<16xf32>
        %get3A_164 = arith.index_cast %mul3A_160 : i32 to index
        %get3A_165 = arith.constant 128 : index
        %get3A_166 = tpu.vector_load %arg11[%get3A_164, %get3A_165] {strides = array<i32>} : memref<128x256xf32, #tpu.memory_space<vmem>>, vector<1x16xf32>,
        %get3A_167 = vector.shape_cast %get3A_166 : vector<1x16xf32> to vector<16xf32>
        %sub3A = arith.subf %get3A_163, %get3A_167 : vector<16xf32>
        %get3A_168 = arith.index_cast %mul3A_160 : i32 to index
        %get3A_169 = arith.constant 0 : index
        %get3A_170 = tpu.vector_load %arg11[%get3A_168, %get3A_169] {strides = array<i32>} : memref<128x256xf32, #tpu.memory_space<vmem>>, vector<1x16xf32>,
        %get3A_171 = vector.shape_cast %get3A_170 : vector<1x16xf32> to vector<16xf32>
        %get3A_172 = arith.index_cast %mul3A_160 : i32 to index
        %get3A_173 = arith.constant 128 : index
        %get3A_174 = tpu.vector_load %arg10[%get3A_172, %get3A_173] {strides = array<i32>} : memref<128x256xf32, #tpu.memory_space<vmem>>, vector<1x16xf32>,
        %get3A_175 = vector.shape_cast %get3A_174 : vector<1x16xf32> to vector<16xf32>
        %sub3A_176 = arith.subf %get3A_171, %get3A_175 : vector<16xf32>
        %add3A_177 = arith.constant 1 : i32
        %add3A_178 = arith.addi %mul3A_160, %add3A_177 : i32
        %get3A_179 = arith.index_cast %add3A_178 : i32 to index
        %get3A_180 = arith.constant 0 : index
        %get3A_181 = tpu.vector_load %arg10[%get3A_179, %get3A_180] {strides = array<i32>} : memref<128x256xf32, #tpu.memory_space<vmem>>, vector<1x16xf32>,
        %get3A_182 = vector.shape_cast %get3A_181 : vector<1x16xf32> to vector<16xf32>
        %add3A_183 = arith.constant 1 : i32
        %add3A_184 = arith.addi %mul3A_160, %add3A_183 : i32
        %get3A_185 = arith.index_cast %add3A_184 : i32 to index
        %get3A_186 = arith.constant 128 : index
        %get3A_187 = tpu.vector_load %arg11[%get3A_185, %get3A_186] {strides = array<i32>} : memref<128x256xf32, #tpu.memory_space<vmem>>, vector<1x16xf32>,
        %get3A_188 = vector.shape_cast %get3A_187 : vector<1x16xf32> to vector<16xf32>
        %sub3A_189 = arith.subf %get3A_182, %get3A_188 : vector<16xf32>
        %max3A = arith.maximumf %sub3A, %sub3A_189 : vector<16xf32>
        %add3A_190 = arith.constant 1 : i32
        %add3A_191 = arith.addi %mul3A_160, %add3A_190 : i32
        %get3A_192 = arith.index_cast %add3A_191 : i32 to index
        %get3A_193 = arith.constant 0 : index
        %get3A_194 = tpu.vector_load %arg11[%get3A_192, %get3A_193] {strides = array<i32>} : memref<128x256xf32, #tpu.memory_space<vmem>>, vector<1x16xf32>,
        %get3A_195 = vector.shape_cast %get3A_194 : vector<1x16xf32> to vector<16xf32>
        %add3A_196 = arith.constant 1 : i32
        %add3A_197 = arith.addi %mul3A_160, %add3A_196 : i32
        %get3A_198 = arith.index_cast %add3A_197 : i32 to index
        %get3A_199 = arith.constant 128 : index
        %get3A_200 = tpu.vector_load %arg10[%get3A_198, %get3A_199] {strides = array<i32>} : memref<128x256xf32, #tpu.memory_space<vmem>>, vector<1x16xf32>,
        %get3A_201 = vector.shape_cast %get3A_200 : vector<1x16xf32> to vector<16xf32>
        %sub3A_202 = arith.subf %get3A_195, %get3A_201 : vector<16xf32>
        %max3A_203 = arith.maximumf %sub3A_176, %sub3A_202 : vector<16xf32>
        %add3A_204 = arith.constant 2 : i32
        %add3A_205 = arith.addi %mul3A_160, %add3A_204 : i32
        %get3A_206 = arith.index_cast %add3A_205 : i32 to index
        %get3A_207 = arith.constant 0 : index
        %get3A_208 = tpu.vector_load %arg10[%get3A_206, %get3A_207] {strides = array<i32>} : memref<128x256xf32, #tpu.memory_space<vmem>>, vector<1x16xf32>,
        %get3A_209 = vector.shape_cast %get3A_208 : vector<1x16xf32> to vector<16xf32>
        %add3A_210 = arith.constant 2 : i32
        %add3A_211 = arith.addi %mul3A_160, %add3A_210 : i32
        %get3A_212 = arith.index_cast %add3A_211 : i32 to index
        %get3A_213 = arith.constant 128 : index
        %get3A_214 = tpu.vector_load %arg11[%get3A_212, %get3A_213] {strides = array<i32>} : memref<128x256xf32, #tpu.memory_space<vmem>>, vector<1x16xf32>,
        %get3A_215 = vector.shape_cast %get3A_214 : vector<1x16xf32> to vector<16xf32>
        %sub3A_216 = arith.subf %get3A_209, %get3A_215 : vector<16xf32>
        %max3A_217 = arith.maximumf %max3A, %sub3A_216 : vector<16xf32>
        %add3A_218 = arith.constant 2 : i32
        %add3A_219 = arith.addi %mul3A_160, %add3A_218 : i32
        %get3A_220 = arith.index_cast %add3A_219 : i32 to index
        %get3A_221 = arith.constant 0 : index
        %get3A_222 = tpu.vector_load %arg11[%get3A_220, %get3A_221] {strides = array<i32>} : memref<128x256xf32, #tpu.memory_space<vmem>>, vector<1x16xf32>,
        %get3A_223 = vector.shape_cast %get3A_222 : vector<1x16xf32> to vector<16xf32>
        %add3A_224 = arith.constant 2 : i32
        %add3A_225 = arith.addi %mul3A_160, %add3A_224 : i32
        %get3A_226 = arith.index_cast %add3A_225 : i32 to index
        %get3A_227 = arith.constant 128 : index
        %get3A_228 = tpu.vector_load %arg10[%get3A_226, %get3A_227] {strides = array<i32>} : memref<128x256xf32, #tpu.memory_space<vmem>>, vector<1x16xf32>,
        %get3A_229 = vector.shape_cast %get3A_228 : vector<1x16xf32> to vector<16xf32>
        %sub3A_230 = arith.subf %get3A_223, %get3A_229 : vector<16xf32>
        %max3A_231 = arith.maximumf %max3A_203, %sub3A_230 : vector<16xf32>
        %add3A_232 = arith.constant 3 : i32
        %add3A_233 = arith.addi %mul3A_160, %add3A_232 : i32
        %get3A_234 = arith.index_cast %add3A_233 : i32 to index
        %get3A_235 = arith.constant 0 : index
        %get3A_236 = tpu.vector_load %arg10[%get3A_234, %get3A_235] {strides = array<i32>} : memref<128x256xf32, #tpu.memory_space<vmem>>, vector<1x16xf32>,
        %get3A_237 = vector.shape_cast %get3A_236 : vector<1x16xf32> to vector<16xf32>
        %add3A_238 = arith.constant 3 : i32
        %add3A_239 = arith.addi %mul3A_160, %add3A_238 : i32
        %get3A_240 = arith.index_cast %add3A_239 : i32 to index
        %get3A_241 = arith.constant 128 : index
        %get3A_242 = tpu.vector_load %arg11[%get3A_240, %get3A_241] {strides = array<i32>} : memref<128x256xf32, #tpu.memory_space<vmem>>, vector<1x16xf32>,
        %get3A_243 = vector.shape_cast %get3A_242 : vector<1x16xf32> to vector<16xf32>
        %sub3A_244 = arith.subf %get3A_237, %get3A_243 : vector<16xf32>
        %max3A_245 = arith.maximumf %max3A_217, %sub3A_244 : vector<16xf32>
        %add3A_246 = arith.constant 3 : i32
        %add3A_247 = arith.addi %mul3A_160, %add3A_246 : i32
        %get3A_248 = arith.index_cast %add3A_247 : i32 to index
        %get3A_249 = arith.constant 0 : index
        %get3A_250 = tpu.vector_load %arg11[%get3A_248, %get3A_249] {strides = array<i32>} : memref<128x256xf32, #tpu.memory_space<vmem>>, vector<1x16xf32>,
        %get3A_251 = vector.shape_cast %get3A_250 : vector<1x16xf32> to vector<16xf32>
        %add3A_252 = arith.constant 3 : i32
        %add3A_253 = arith.addi %mul3A_160, %add3A_252 : i32
        %get3A_254 = arith.index_cast %add3A_253 : i32 to index
        %get3A_255 = arith.constant 128 : index
        %get3A_256 = tpu.vector_load %arg10[%get3A_254, %get3A_255] {strides = array<i32>} : memref<128x256xf32, #tpu.memory_space<vmem>>, vector<1x16xf32>,
        %get3A_257 = vector.shape_cast %get3A_256 : vector<1x16xf32> to vector<16xf32>
        %sub3A_258 = arith.subf %get3A_251, %get3A_257 : vector<16xf32>
        %max3A_259 = arith.maximumf %max3A_231, %sub3A_258 : vector<16xf32>
        %add3A_260 = arith.constant 4 : i32
        %add3A_261 = arith.addi %mul3A_160, %add3A_260 : i32
        %get3A_262 = arith.index_cast %add3A_261 : i32 to index
        %get3A_263 = arith.constant 0 : index
        %get3A_264 = tpu.vector_load %arg10[%get3A_262, %get3A_263] {strides = array<i32>} : memref<128x256xf32, #tpu.memory_space<vmem>>, vector<1x16xf32>,
        %get3A_265 = vector.shape_cast %get3A_264 : vector<1x16xf32> to vector<16xf32>
        %add3A_266 = arith.constant 4 : i32
        %add3A_267 = arith.addi %mul3A_160, %add3A_266 : i32
        %get3A_268 = arith.index_cast %add3A_267 : i32 to index
        %get3A_269 = arith.constant 128 : index
        %get3A_270 = tpu.vector_load %arg11[%get3A_268, %get3A_269] {strides = array<i32>} : memref<128x256xf32, #tpu.memory_space<vmem>>, vector<1x16xf32>,
        %get3A_271 = vector.shape_cast %get3A_270 : vector<1x16xf32> to vector<16xf32>
        %sub3A_272 = arith.subf %get3A_265, %get3A_271 : vector<16xf32>
        %max3A_273 = arith.maximumf %max3A_245, %sub3A_272 : vector<16xf32>
        %add3A_274 = arith.constant 4 : i32
        %add3A_275 = arith.addi %mul3A_160, %add3A_274 : i32
        %get3A_276 = arith.index_cast %add3A_275 : i32 to index
        %get3A_277 = arith.constant 0 : index
        %get3A_278 = tpu.vector_load %arg11[%get3A_276, %get3A_277] {strides = array<i32>} : memref<128x256xf32, #tpu.memory_space<vmem>>, vector<1x16xf32>,
        %get3A_279 = vector.shape_cast %get3A_278 : vector<1x16xf32> to vector<16xf32>
        %add3A_280 = arith.constant 4 : i32
        %add3A_281 = arith.addi %mul3A_160, %add3A_280 : i32
        %get3A_282 = arith.index_cast %add3A_281 : i32 to index
        %get3A_283 = arith.constant 128 : index
        %get3A_284 = tpu.vector_load %arg10[%get3A_282, %get3A_283] {strides = array<i32>} : memref<128x256xf32, #tpu.memory_space<vmem>>, vector<1x16xf32>,
        %get3A_285 = vector.shape_cast %get3A_284 : vector<1x16xf32> to vector<16xf32>
        %sub3A_286 = arith.subf %get3A_279, %get3A_285 : vector<16xf32>
        %max3A_287 = arith.maximumf %max3A_259, %sub3A_286 : vector<16xf32>
        %add3A_288 = arith.constant 5 : i32
        %add3A_289 = arith.addi %mul3A_160, %add3A_288 : i32
        %get3A_290 = arith.index_cast %add3A_289 : i32 to index
        %get3A_291 = arith.constant 0 : index
        %get3A_292 = tpu.vector_load %arg10[%get3A_290, %get3A_291] {strides = array<i32>} : memref<128x256xf32, #tpu.memory_space<vmem>>, vector<1x16xf32>,
        %get3A_293 = vector.shape_cast %get3A_292 : vector<1x16xf32> to vector<16xf32>
        %add3A_294 = arith.constant 5 : i32
        %add3A_295 = arith.addi %mul3A_160, %add3A_294 : i32
        %get3A_296 = arith.index_cast %add3A_295 : i32 to index
        %get3A_297 = arith.constant 128 : index
        %get3A_298 = tpu.vector_load %arg11[%get3A_296, %get3A_297] {strides = array<i32>} : memref<128x256xf32, #tpu.memory_space<vmem>>, vector<1x16xf32>,
        %get3A_299 = vector.shape_cast %get3A_298 : vector<1x16xf32> to vector<16xf32>
        %sub3A_300 = arith.subf %get3A_293, %get3A_299 : vector<16xf32>
        %max3A_301 = arith.maximumf %max3A_273, %sub3A_300 : vector<16xf32>
        %add3A_302 = arith.constant 5 : i32
        %add3A_303 = arith.addi %mul3A_160, %add3A_302 : i32
        %get3A_304 = arith.index_cast %add3A_303 : i32 to index
        %get3A_305 = arith.constant 0 : index
        %get3A_306 = tpu.vector_load %arg11[%get3A_304, %get3A_305] {strides = array<i32>} : memref<128x256xf32, #tpu.memory_space<vmem>>, vector<1x16xf32>,
        %get3A_307 = vector.shape_cast %get3A_306 : vector<1x16xf32> to vector<16xf32>
        %add3A_308 = arith.constant 5 : i32
        %add3A_309 = arith.addi %mul3A_160, %add3A_308 : i32
        %get3A_310 = arith.index_cast %add3A_309 : i32 to index
        %get3A_311 = arith.constant 128 : index
        %get3A_312 = tpu.vector_load %arg10[%get3A_310, %get3A_311] {strides = array<i32>} : memref<128x256xf32, #tpu.memory_space<vmem>>, vector<1x16xf32>,
        %get3A_313 = vector.shape_cast %get3A_312 : vector<1x16xf32> to vector<16xf32>
        %sub3A_314 = arith.subf %get3A_307, %get3A_313 : vector<16xf32>
        %max3A_315 = arith.maximumf %max3A_287, %sub3A_314 : vector<16xf32>
        %add3A_316 = arith.constant 6 : i32
        %add3A_317 = arith.addi %mul3A_160, %add3A_316 : i32
        %get3A_318 = arith.index_cast %add3A_317 : i32 to index
        %get3A_319 = arith.constant 0 : index
        %get3A_320 = tpu.vector_load %arg10[%get3A_318, %get3A_319] {strides = array<i32>} : memref<128x256xf32, #tpu.memory_space<vmem>>, vector<1x16xf32>,
        %get3A_321 = vector.shape_cast %get3A_320 : vector<1x16xf32> to vector<16xf32>
        %add3A_322 = arith.constant 6 : i32
        %add3A_323 = arith.addi %mul3A_160, %add3A_322 : i32
        %get3A_324 = arith.index_cast %add3A_323 : i32 to index
        %get3A_325 = arith.constant 128 : index
        %get3A_326 = tpu.vector_load %arg11[%get3A_324, %get3A_325] {strides = array<i32>} : memref<128x256xf32, #tpu.memory_space<vmem>>, vector<1x16xf32>,
        %get3A_327 = vector.shape_cast %get3A_326 : vector<1x16xf32> to vector<16xf32>
        %sub3A_328 = arith.subf %get3A_321, %get3A_327 : vector<16xf32>
        %max3A_329 = arith.maximumf %max3A_301, %sub3A_328 : vector<16xf32>
        %add3A_330 = arith.constant 6 : i32
        %add3A_331 = arith.addi %mul3A_160, %add3A_330 : i32
        %get3A_332 = arith.index_cast %add3A_331 : i32 to index
        %get3A_333 = arith.constant 0 : index
        %get3A_334 = tpu.vector_load %arg11[%get3A_332, %get3A_333] {strides = array<i32>} : memref<128x256xf32, #tpu.memory_space<vmem>>, vector<1x16xf32>,
        %get3A_335 = vector.shape_cast %get3A_334 : vector<1x16xf32> to vector<16xf32>
        %add3A_336 = arith.constant 6 : i32
        %add3A_337 = arith.addi %mul3A_160, %add3A_336 : i32
        %get3A_338 = arith.index_cast %add3A_337 : i32 to index
        %get3A_339 = arith.constant 128 : index
        %get3A_340 = tpu.vector_load %arg10[%get3A_338, %get3A_339] {strides = array<i32>} : memref<128x256xf32, #tpu.memory_space<vmem>>, vector<1x16xf32>,
        %get3A_341 = vector.shape_cast %get3A_340 : vector<1x16xf32> to vector<16xf32>
        %sub3A_342 = arith.subf %get3A_335, %get3A_341 : vector<16xf32>
        %max3A_343 = arith.maximumf %max3A_315, %sub3A_342 : vector<16xf32>
        %add3A_344 = arith.constant 7 : i32
        %add3A_345 = arith.addi %mul3A_160, %add3A_344 : i32
        %get3A_346 = arith.index_cast %add3A_345 : i32 to index
        %get3A_347 = arith.constant 0 : index
        %get3A_348 = tpu.vector_load %arg10[%get3A_346, %get3A_347] {strides = array<i32>} : memref<128x256xf32, #tpu.memory_space<vmem>>, vector<1x16xf32>,
        %get3A_349 = vector.shape_cast %get3A_348 : vector<1x16xf32> to vector<16xf32>
        %add3A_350 = arith.constant 7 : i32
        %add3A_351 = arith.addi %mul3A_160, %add3A_350 : i32
        %get3A_352 = arith.index_cast %add3A_351 : i32 to index
        %get3A_353 = arith.constant 128 : index
        %get3A_354 = tpu.vector_load %arg11[%get3A_352, %get3A_353] {strides = array<i32>} : memref<128x256xf32, #tpu.memory_space<vmem>>, vector<1x16xf32>,
        %get3A_355 = vector.shape_cast %get3A_354 : vector<1x16xf32> to vector<16xf32>
        %sub3A_356 = arith.subf %get3A_349, %get3A_355 : vector<16xf32>
        %max3A_357 = arith.maximumf %max3A_329, %sub3A_356 : vector<16xf32>
        %add3A_358 = arith.constant 7 : i32
        %add3A_359 = arith.addi %mul3A_160, %add3A_358 : i32
        %get3A_360 = arith.index_cast %add3A_359 : i32 to index
        %get3A_361 = arith.constant 0 : index
        %get3A_362 = tpu.vector_load %arg11[%get3A_360, %get3A_361] {strides = array<i32>} : memref<128x256xf32, #tpu.memory_space<vmem>>, vector<1x16xf32>,
        %get3A_363 = vector.shape_cast %get3A_362 : vector<1x16xf32> to vector<16xf32>
        %add3A_364 = arith.constant 7 : i32
        %add3A_365 = arith.addi %mul3A_160, %add3A_364 : i32
        %get3A_366 = arith.index_cast %add3A_365 : i32 to index
        %get3A_367 = arith.constant 128 : index
        %get3A_368 = tpu.vector_load %arg10[%get3A_366, %get3A_367] {strides = array<i32>} : memref<128x256xf32, #tpu.memory_space<vmem>>, vector<1x16xf32>,
        %get3A_369 = vector.shape_cast %get3A_368 : vector<1x16xf32> to vector<16xf32>
        %sub3A_370 = arith.subf %get3A_363, %get3A_369 : vector<16xf32>
        %max3A_371 = arith.maximumf %max3A_343, %sub3A_370 : vector<16xf32>
        %max3A_372 = arith.constant 0.000000e+00 : f32
        %max3A_373 = vector.broadcast %max3A_372 : f32 to vector<16xf32>
        %max3A_374 = arith.maximumf %max3A_357, %max3A_373 : vector<16xf32>
        %add3A_375 = arith.addf %scan3A_143, %max3A_374 : vector<16xf32>
        %max3A_376 = arith.constant 0.000000e+00 : f32
        %max3A_377 = vector.broadcast %max3A_376 : f32 to vector<16xf32>
        %max3A_378 = arith.maximumf %max3A_371, %max3A_377 : vector<16xf32>
        %add3A_379 = arith.addf %scan3A_151, %max3A_378 : vector<16xf32>
        %get3A_380 = arith.index_cast %mul3A_160 : i32 to index
        %get3A_381 = arith.constant 16 : index
        %get3A_382 = tpu.vector_load %arg10[%get3A_380, %get3A_381] {strides = array<i32>} : memref<128x256xf32, #tpu.memory_space<vmem>>, vector<1x16xf32>,
        %get3A_383 = vector.shape_cast %get3A_382 : vector<1x16xf32> to vector<16xf32>
        %get3A_384 = arith.index_cast %mul3A_160 : i32 to index
        %get3A_385 = arith.constant 144 : index
        %get3A_386 = tpu.vector_load %arg11[%get3A_384, %get3A_385] {strides = array<i32>} : memref<128x256xf32, #tpu.memory_space<vmem>>, vector<1x16xf32>,
        %get3A_387 = vector.shape_cast %get3A_386 : vector<1x16xf32> to vector<16xf32>
        %sub3A_388 = arith.subf %get3A_383, %get3A_387 : vector<16xf32>
        %get3A_389 = arith.index_cast %mul3A_160 : i32 to index
        %get3A_390 = arith.constant 16 : index
        %get3A_391 = tpu.vector_load %arg11[%get3A_389, %get3A_390] {strides = array<i32>} : memref<128x256xf32, #tpu.memory_space<vmem>>, vector<1x16xf32>,
        %get3A_392 = vector.shape_cast %get3A_391 : vector<1x16xf32> to vector<16xf32>
        %get3A_393 = arith.index_cast %mul3A_160 : i32 to index
        %get3A_394 = arith.constant 144 : index
        %get3A_395 = tpu.vector_load %arg10[%get3A_393, %get3A_394] {strides = array<i32>} : memref<128x256xf32, #tpu.memory_space<vmem>>, vector<1x16xf32>,
        %get3A_396 = vector.shape_cast %get3A_395 : vector<1x16xf32> to vector<16xf32>
        %sub3A_397 = arith.subf %get3A_392, %get3A_396 : vector<16xf32>
        %add3A_398 = arith.constant 1 : i32
        %add3A_399 = arith.addi %mul3A_160, %add3A_398 : i32
        %get3A_400 = arith.index_cast %add3A_399 : i32 to index
        %get3A_401 = arith.constant 16 : index
        %get3A_402 = tpu.vector_load %arg10[%get3A_400, %get3A_401] {strides = array<i32>} : memref<128x256xf32, #tpu.memory_space<vmem>>, vector<1x16xf32>,
        %get3A_403 = vector.shape_cast %get3A_402 : vector<1x16xf32> to vector<16xf32>
        %add3A_404 = arith.constant 1 : i32
        %add3A_405 = arith.addi %mul3A_160, %add3A_404 : i32
        %get3A_406 = arith.index_cast %add3A_405 : i32 to index
        %get3A_407 = arith.constant 144 : index
        %get3A_408 = tpu.vector_load %arg11[%get3A_406, %get3A_407] {strides = array<i32>} : memref<128x256xf32, #tpu.memory_space<vmem>>, vector<1x16xf32>,
        %get3A_409 = vector.shape_cast %get3A_408 : vector<1x16xf32> to vector<16xf32>
        %sub3A_410 = arith.subf %get3A_403, %get3A_409 : vector<16xf32>
        %max3A_411 = arith.maximumf %sub3A_388, %sub3A_410 : vector<16xf32>
        %add3A_412 = arith.constant 1 : i32
        %add3A_413 = arith.addi %mul3A_160, %add3A_412 : i32
        %get3A_414 = arith.index_cast %add3A_413 : i32 to index
        %get3A_415 = arith.constant 16 : index
        %get3A_416 = tpu.vector_load %arg11[%get3A_414, %get3A_415] {strides = array<i32>} : memref<128x256xf32, #tpu.memory_space<vmem>>, vector<1x16xf32>,
        %get3A_417 = vector.shape_cast %get3A_416 : vector<1x16xf32> to vector<16xf32>
        %add3A_418 = arith.constant 1 : i32
        %add3A_419 = arith.addi %mul3A_160, %add3A_418 : i32
        %get3A_420 = arith.index_cast %add3A_419 : i32 to index
        %get3A_421 = arith.constant 144 : index
        %get3A_422 = tpu.vector_load %arg10[%get3A_420, %get3A_421] {strides = array<i32>} : memref<128x256xf32, #tpu.memory_space<vmem>>, vector<1x16xf32>,
        %get3A_423 = vector.shape_cast %get3A_422 : vector<1x16xf32> to vector<16xf32>
        %sub3A_424 = arith.subf %get3A_417, %get3A_423 : vector<16xf32>
        %max3A_425 = arith.maximumf %sub3A_397, %sub3A_424 : vector<16xf32>
        %add3A_426 = arith.constant 2 : i32
        %add3A_427 = arith.addi %mul3A_160, %add3A_426 : i32
        %get3A_428 = arith.index_cast %add3A_427 : i32 to index
        %get3A_429 = arith.constant 16 : index
        %get3A_430 = tpu.vector_load %arg10[%get3A_428, %get3A_429] {strides = array<i32>} : memref<128x256xf32, #tpu.memory_space<vmem>>, vector<1x16xf32>,
        %get3A_431 = vector.shape_cast %get3A_430 : vector<1x16xf32> to vector<16xf32>
        %add3A_432 = arith.constant 2 : i32
        %add3A_433 = arith.addi %mul3A_160, %add3A_432 : i32
        %get3A_434 = arith.index_cast %add3A_433 : i32 to index
        %get3A_435 = arith.constant 144 : index
        %get3A_436 = tpu.vector_load %arg11[%get3A_434, %get3A_435] {strides = array<i32>} : memref<128x256xf32, #tpu.memory_space<vmem>>, vector<1x16xf32>,
        %get3A_437 = vector.shape_cast %get3A_436 : vector<1x16xf32> to vector<16xf32>
        %sub3A_438 = arith.subf %get3A_431, %get3A_437 : vector<16xf32>
        %max3A_439 = arith.maximumf %max3A_411, %sub3A_438 : vector<16xf32>
        %add3A_440 = arith.constant 2 : i32
        %add3A_441 = arith.addi %mul3A_160, %add3A_440 : i32
        %get3A_442 = arith.index_cast %add3A_441 : i32 to index
        %get3A_443 = arith.constant 16 : index
        %get3A_444 = tpu.vector_load %arg11[%get3A_442, %get3A_443] {strides = array<i32>} : memref<128x256xf32, #tpu.memory_space<vmem>>, vector<1x16xf32>,
        %get3A_445 = vector.shape_cast %get3A_444 : vector<1x16xf32> to vector<16xf32>
        %add3A_446 = arith.constant 2 : i32
        %add3A_447 = arith.addi %mul3A_160, %add3A_446 : i32
        %get3A_448 = arith.index_cast %add3A_447 : i32 to index
        %get3A_449 = arith.constant 144 : index
        %get3A_450 = tpu.vector_load %arg10[%get3A_448, %get3A_449] {strides = array<i32>} : memref<128x256xf32, #tpu.memory_space<vmem>>, vector<1x16xf32>,
        %get3A_451 = vector.shape_cast %get3A_450 : vector<1x16xf32> to vector<16xf32>
        %sub3A_452 = arith.subf %get3A_445, %get3A_451 : vector<16xf32>
        %max3A_453 = arith.maximumf %max3A_425, %sub3A_452 : vector<16xf32>
        %add3A_454 = arith.constant 3 : i32
        %add3A_455 = arith.addi %mul3A_160, %add3A_454 : i32
        %get3A_456 = arith.index_cast %add3A_455 : i32 to index
        %get3A_457 = arith.constant 16 : index
        %get3A_458 = tpu.vector_load %arg10[%get3A_456, %get3A_457] {strides = array<i32>} : memref<128x256xf32, #tpu.memory_space<vmem>>, vector<1x16xf32>,
        %get3A_459 = vector.shape_cast %get3A_458 : vector<1x16xf32> to vector<16xf32>
        %add3A_460 = arith.constant 3 : i32
        %add3A_461 = arith.addi %mul3A_160, %add3A_460 : i32
        %get3A_462 = arith.index_cast %add3A_461 : i32 to index
        %get3A_463 = arith.constant 144 : index
        %get3A_464 = tpu.vector_load %arg11[%get3A_462, %get3A_463] {strides = array<i32>} : memref<128x256xf32, #tpu.memory_space<vmem>>, vector<1x16xf32>,
        %get3A_465 = vector.shape_cast %get3A_464 : vector<1x16xf32> to vector<16xf32>
        %sub3A_466 = arith.subf %get3A_459, %get3A_465 : vector<16xf32>
        %max3A_467 = arith.maximumf %max3A_439, %sub3A_466 : vector<16xf32>
        %add3A_468 = arith.constant 3 : i32
        %add3A_469 = arith.addi %mul3A_160, %add3A_468 : i32
        %get3A_470 = arith.index_cast %add3A_469 : i32 to index
        %get3A_471 = arith.constant 16 : index
        %get3A_472 = tpu.vector_load %arg11[%get3A_470, %get3A_471] {strides = array<i32>} : memref<128x256xf32, #tpu.memory_space<vmem>>, vector<1x16xf32>,
        %get3A_473 = vector.shape_cast %get3A_472 : vector<1x16xf32> to vector<16xf32>
        %add3A_474 = arith.constant 3 : i32
        %add3A_475 = arith.addi %mul3A_160, %add3A_474 : i32
        %get3A_476 = arith.index_cast %add3A_475 : i32 to index
        %get3A_477 = arith.constant 144 : index
        %get3A_478 = tpu.vector_load %arg10[%get3A_476, %get3A_477] {strides = array<i32>} : memref<128x256xf32, #tpu.memory_space<vmem>>, vector<1x16xf32>,
        %get3A_479 = vector.shape_cast %get3A_478 : vector<1x16xf32> to vector<16xf32>
        %sub3A_480 = arith.subf %get3A_473, %get3A_479 : vector<16xf32>
        %max3A_481 = arith.maximumf %max3A_453, %sub3A_480 : vector<16xf32>
        %add3A_482 = arith.constant 4 : i32
        %add3A_483 = arith.addi %mul3A_160, %add3A_482 : i32
        %get3A_484 = arith.index_cast %add3A_483 : i32 to index
        %get3A_485 = arith.constant 16 : index
        %get3A_486 = tpu.vector_load %arg10[%get3A_484, %get3A_485] {strides = array<i32>} : memref<128x256xf32, #tpu.memory_space<vmem>>, vector<1x16xf32>,
        %get3A_487 = vector.shape_cast %get3A_486 : vector<1x16xf32> to vector<16xf32>
        %add3A_488 = arith.constant 4 : i32
        %add3A_489 = arith.addi %mul3A_160, %add3A_488 : i32
        %get3A_490 = arith.index_cast %add3A_489 : i32 to index
        %get3A_491 = arith.constant 144 : index
        %get3A_492 = tpu.vector_load %arg11[%get3A_490, %get3A_491] {strides = array<i32>} : memref<128x256xf32, #tpu.memory_space<vmem>>, vector<1x16xf32>,
        %get3A_493 = vector.shape_cast %get3A_492 : vector<1x16xf32> to vector<16xf32>
        %sub3A_494 = arith.subf %get3A_487, %get3A_493 : vector<16xf32>
        %max3A_495 = arith.maximumf %max3A_467, %sub3A_494 : vector<16xf32>
        %add3A_496 = arith.constant 4 : i32
        %add3A_497 = arith.addi %mul3A_160, %add3A_496 : i32
        %get3A_498 = arith.index_cast %add3A_497 : i32 to index
        %get3A_499 = arith.constant 16 : index
        %get3A_500 = tpu.vector_load %arg11[%get3A_498, %get3A_499] {strides = array<i32>} : memref<128x256xf32, #tpu.memory_space<vmem>>, vector<1x16xf32>,
        %get3A_501 = vector.shape_cast %get3A_500 : vector<1x16xf32> to vector<16xf32>
        %add3A_502 = arith.constant 4 : i32
        %add3A_503 = arith.addi %mul3A_160, %add3A_502 : i32
        %get3A_504 = arith.index_cast %add3A_503 : i32 to index
        %get3A_505 = arith.constant 144 : index
        %get3A_506 = tpu.vector_load %arg10[%get3A_504, %get3A_505] {strides = array<i32>} : memref<128x256xf32, #tpu.memory_space<vmem>>, vector<1x16xf32>,
        %get3A_507 = vector.shape_cast %get3A_506 : vector<1x16xf32> to vector<16xf32>
        %sub3A_508 = arith.subf %get3A_501, %get3A_507 : vector<16xf32>
        %max3A_509 = arith.maximumf %max3A_481, %sub3A_508 : vector<16xf32>
        %add3A_510 = arith.constant 5 : i32
        %add3A_511 = arith.addi %mul3A_160, %add3A_510 : i32
        %get3A_512 = arith.index_cast %add3A_511 : i32 to index
        %get3A_513 = arith.constant 16 : index
        %get3A_514 = tpu.vector_load %arg10[%get3A_512, %get3A_513] {strides = array<i32>} : memref<128x256xf32, #tpu.memory_space<vmem>>, vector<1x16xf32>,
        %get3A_515 = vector.shape_cast %get3A_514 : vector<1x16xf32> to vector<16xf32>
        %add3A_516 = arith.constant 5 : i32
        %add3A_517 = arith.addi %mul3A_160, %add3A_516 : i32
        %get3A_518 = arith.index_cast %add3A_517 : i32 to index
        %get3A_519 = arith.constant 144 : index
        %get3A_520 = tpu.vector_load %arg11[%get3A_518, %get3A_519] {strides = array<i32>} : memref<128x256xf32, #tpu.memory_space<vmem>>, vector<1x16xf32>,
        %get3A_521 = vector.shape_cast %get3A_520 : vector<1x16xf32> to vector<16xf32>
        %sub3A_522 = arith.subf %get3A_515, %get3A_521 : vector<16xf32>
        %max3A_523 = arith.maximumf %max3A_495, %sub3A_522 : vector<16xf32>
        %add3A_524 = arith.constant 5 : i32
        %add3A_525 = arith.addi %mul3A_160, %add3A_524 : i32
        %get3A_526 = arith.index_cast %add3A_525 : i32 to index
        %get3A_527 = arith.constant 16 : index
        %get3A_528 = tpu.vector_load %arg11[%get3A_526, %get3A_527] {strides = array<i32>} : memref<128x256xf32, #tpu.memory_space<vmem>>, vector<1x16xf32>,
        %get3A_529 = vector.shape_cast %get3A_528 : vector<1x16xf32> to vector<16xf32>
        %add3A_530 = arith.constant 5 : i32
        %add3A_531 = arith.addi %mul3A_160, %add3A_530 : i32
        %get3A_532 = arith.index_cast %add3A_531 : i32 to index
        %get3A_533 = arith.constant 144 : index
        %get3A_534 = tpu.vector_load %arg10[%get3A_532, %get3A_533] {strides = array<i32>} : memref<128x256xf32, #tpu.memory_space<vmem>>, vector<1x16xf32>,
        %get3A_535 = vector.shape_cast %get3A_534 : vector<1x16xf32> to vector<16xf32>
        %sub3A_536 = arith.subf %get3A_529, %get3A_535 : vector<16xf32>
        %max3A_537 = arith.maximumf %max3A_509, %sub3A_536 : vector<16xf32>
        %add3A_538 = arith.constant 6 : i32
        %add3A_539 = arith.addi %mul3A_160, %add3A_538 : i32
        %get3A_540 = arith.index_cast %add3A_539 : i32 to index
        %get3A_541 = arith.constant 16 : index
        %get3A_542 = tpu.vector_load %arg10[%get3A_540, %get3A_541] {strides = array<i32>} : memref<128x256xf32, #tpu.memory_space<vmem>>, vector<1x16xf32>,
        %get3A_543 = vector.shape_cast %get3A_542 : vector<1x16xf32> to vector<16xf32>
        %add3A_544 = arith.constant 6 : i32
        %add3A_545 = arith.addi %mul3A_160, %add3A_544 : i32
        %get3A_546 = arith.index_cast %add3A_545 : i32 to index
        %get3A_547 = arith.constant 144 : index
        %get3A_548 = tpu.vector_load %arg11[%get3A_546, %get3A_547] {strides = array<i32>} : memref<128x256xf32, #tpu.memory_space<vmem>>, vector<1x16xf32>,
        %get3A_549 = vector.shape_cast %get3A_548 : vector<1x16xf32> to vector<16xf32>
        %sub3A_550 = arith.subf %get3A_543, %get3A_549 : vector<16xf32>
        %max3A_551 = arith.maximumf %max3A_523, %sub3A_550 : vector<16xf32>
        %add3A_552 = arith.constant 6 : i32
        %add3A_553 = arith.addi %mul3A_160, %add3A_552 : i32
        %get3A_554 = arith.index_cast %add3A_553 : i32 to index
        %get3A_555 = arith.constant 16 : index
        %get3A_556 = tpu.vector_load %arg11[%get3A_554, %get3A_555] {strides = array<i32>} : memref<128x256xf32, #tpu.memory_space<vmem>>, vector<1x16xf32>,
        %get3A_557 = vector.shape_cast %get3A_556 : vector<1x16xf32> to vector<16xf32>
        %add3A_558 = arith.constant 6 : i32
        %add3A_559 = arith.addi %mul3A_160, %add3A_558 : i32
        %get3A_560 = arith.index_cast %add3A_559 : i32 to index
        %get3A_561 = arith.constant 144 : index
        %get3A_562 = tpu.vector_load %arg10[%get3A_560, %get3A_561] {strides = array<i32>} : memref<128x256xf32, #tpu.memory_space<vmem>>, vector<1x16xf32>,
        %get3A_563 = vector.shape_cast %get3A_562 : vector<1x16xf32> to vector<16xf32>
        %sub3A_564 = arith.subf %get3A_557, %get3A_563 : vector<16xf32>
        %max3A_565 = arith.maximumf %max3A_537, %sub3A_564 : vector<16xf32>
        %add3A_566 = arith.constant 7 : i32
        %add3A_567 = arith.addi %mul3A_160, %add3A_566 : i32
        %get3A_568 = arith.index_cast %add3A_567 : i32 to index
        %get3A_569 = arith.constant 16 : index
        %get3A_570 = tpu.vector_load %arg10[%get3A_568, %get3A_569] {strides = array<i32>} : memref<128x256xf32, #tpu.memory_space<vmem>>, vector<1x16xf32>,
        %get3A_571 = vector.shape_cast %get3A_570 : vector<1x16xf32> to vector<16xf32>
        %add3A_572 = arith.constant 7 : i32
        %add3A_573 = arith.addi %mul3A_160, %add3A_572 : i32
        %get3A_574 = arith.index_cast %add3A_573 : i32 to index
        %get3A_575 = arith.constant 144 : index
        %get3A_576 = tpu.vector_load %arg11[%get3A_574, %get3A_575] {strides = array<i32>} : memref<128x256xf32, #tpu.memory_space<vmem>>, vector<1x16xf32>,
        %get3A_577 = vector.shape_cast %get3A_576 : vector<1x16xf32> to vector<16xf32>
        %sub3A_578 = arith.subf %get3A_571, %get3A_577 : vector<16xf32>
        %max3A_579 = arith.maximumf %max3A_551, %sub3A_578 : vector<16xf32>
        %add3A_580 = arith.constant 7 : i32
        %add3A_581 = arith.addi %mul3A_160, %add3A_580 : i32
        %get3A_582 = arith.index_cast %add3A_581 : i32 to index
        %get3A_583 = arith.constant 16 : index
        %get3A_584 = tpu.vector_load %arg11[%get3A_582, %get3A_583] {strides = array<i32>} : memref<128x256xf32, #tpu.memory_space<vmem>>, vector<1x16xf32>,
        %get3A_585 = vector.shape_cast %get3A_584 : vector<1x16xf32> to vector<16xf32>
        %add3A_586 = arith.constant 7 : i32
        %add3A_587 = arith.addi %mul3A_160, %add3A_586 : i32
        %get3A_588 = arith.index_cast %add3A_587 : i32 to index
        %get3A_589 = arith.constant 144 : index
        %get3A_590 = tpu.vector_load %arg10[%get3A_588, %get3A_589] {strides = array<i32>} : memref<128x256xf32, #tpu.memory_space<vmem>>, vector<1x16xf32>,
        %get3A_591 = vector.shape_cast %get3A_590 : vector<1x16xf32> to vector<16xf32>
        %sub3A_592 = arith.subf %get3A_585, %get3A_591 : vector<16xf32>
        %max3A_593 = arith.maximumf %max3A_565, %sub3A_592 : vector<16xf32>
        %max3A_594 = arith.constant 0.000000e+00 : f32
        %max3A_595 = vector.broadcast %max3A_594 : f32 to vector<16xf32>
        %max3A_596 = arith.maximumf %max3A_579, %max3A_595 : vector<16xf32>
        %add3A_597 = arith.addf %scan3A_144, %max3A_596 : vector<16xf32>
        %max3A_598 = arith.constant 0.000000e+00 : f32
        %max3A_599 = vector.broadcast %max3A_598 : f32 to vector<16xf32>
        %max3A_600 = arith.maximumf %max3A_593, %max3A_599 : vector<16xf32>
        %add3A_601 = arith.addf %scan3A_152, %max3A_600 : vector<16xf32>
        %get3A_602 = arith.index_cast %mul3A_160 : i32 to index
        %get3A_603 = arith.constant 32 : index
        %get3A_604 = tpu.vector_load %arg10[%get3A_602, %get3A_603] {strides = array<i32>} : memref<128x256xf32, #tpu.memory_space<vmem>>, vector<1x16xf32>,
        %get3A_605 = vector.shape_cast %get3A_604 : vector<1x16xf32> to vector<16xf32>
        %get3A_606 = arith.index_cast %mul3A_160 : i32 to index
        %get3A_607 = arith.constant 160 : index
        %get3A_608 = tpu.vector_load %arg11[%get3A_606, %get3A_607] {strides = array<i32>} : memref<128x256xf32, #tpu.memory_space<vmem>>, vector<1x16xf32>,
        %get3A_609 = vector.shape_cast %get3A_608 : vector<1x16xf32> to vector<16xf32>
        %sub3A_610 = arith.subf %get3A_605, %get3A_609 : vector<16xf32>
        %get3A_611 = arith.index_cast %mul3A_160 : i32 to index
        %get3A_612 = arith.constant 32 : index
        %get3A_613 = tpu.vector_load %arg11[%get3A_611, %get3A_612] {strides = array<i32>} : memref<128x256xf32, #tpu.memory_space<vmem>>, vector<1x16xf32>,
        %get3A_614 = vector.shape_cast %get3A_613 : vector<1x16xf32> to vector<16xf32>
        %get3A_615 = arith.index_cast %mul3A_160 : i32 to index
        %get3A_616 = arith.constant 160 : index
        %get3A_617 = tpu.vector_load %arg10[%get3A_615, %get3A_616] {strides = array<i32>} : memref<128x256xf32, #tpu.memory_space<vmem>>, vector<1x16xf32>,
        %get3A_618 = vector.shape_cast %get3A_617 : vector<1x16xf32> to vector<16xf32>
        %sub3A_619 = arith.subf %get3A_614, %get3A_618 : vector<16xf32>
        %add3A_620 = arith.constant 1 : i32
        %add3A_621 = arith.addi %mul3A_160, %add3A_620 : i32
        %get3A_622 = arith.index_cast %add3A_621 : i32 to index
        %get3A_623 = arith.constant 32 : index
        %get3A_624 = tpu.vector_load %arg10[%get3A_622, %get3A_623] {strides = array<i32>} : memref<128x256xf32, #tpu.memory_space<vmem>>, vector<1x16xf32>,
        %get3A_625 = vector.shape_cast %get3A_624 : vector<1x16xf32> to vector<16xf32>
        %add3A_626 = arith.constant 1 : i32
        %add3A_627 = arith.addi %mul3A_160, %add3A_626 : i32
        %get3A_628 = arith.index_cast %add3A_627 : i32 to index
        %get3A_629 = arith.constant 160 : index
        %get3A_630 = tpu.vector_load %arg11[%get3A_628, %get3A_629] {strides = array<i32>} : memref<128x256xf32, #tpu.memory_space<vmem>>, vector<1x16xf32>,
        %get3A_631 = vector.shape_cast %get3A_630 : vector<1x16xf32> to vector<16xf32>
        %sub3A_632 = arith.subf %get3A_625, %get3A_631 : vector<16xf32>
        %max3A_633 = arith.maximumf %sub3A_610, %sub3A_632 : vector<16xf32>
        %add3A_634 = arith.constant 1 : i32
        %add3A_635 = arith.addi %mul3A_160, %add3A_634 : i32
        %get3A_636 = arith.index_cast %add3A_635 : i32 to index
        %get3A_637 = arith.constant 32 : index
        %get3A_638 = tpu.vector_load %arg11[%get3A_636, %get3A_637] {strides = array<i32>} : memref<128x256xf32, #tpu.memory_space<vmem>>, vector<1x16xf32>,
        %get3A_639 = vector.shape_cast %get3A_638 : vector<1x16xf32> to vector<16xf32>
        %add3A_640 = arith.constant 1 : i32
        %add3A_641 = arith.addi %mul3A_160, %add3A_640 : i32
        %get3A_642 = arith.index_cast %add3A_641 : i32 to index
        %get3A_643 = arith.constant 160 : index
        %get3A_644 = tpu.vector_load %arg10[%get3A_642, %get3A_643] {strides = array<i32>} : memref<128x256xf32, #tpu.memory_space<vmem>>, vector<1x16xf32>,
        %get3A_645 = vector.shape_cast %get3A_644 : vector<1x16xf32> to vector<16xf32>
        %sub3A_646 = arith.subf %get3A_639, %get3A_645 : vector<16xf32>
        %max3A_647 = arith.maximumf %sub3A_619, %sub3A_646 : vector<16xf32>
        %add3A_648 = arith.constant 2 : i32
        %add3A_649 = arith.addi %mul3A_160, %add3A_648 : i32
        %get3A_650 = arith.index_cast %add3A_649 : i32 to index
        %get3A_651 = arith.constant 32 : index
        %get3A_652 = tpu.vector_load %arg10[%get3A_650, %get3A_651] {strides = array<i32>} : memref<128x256xf32, #tpu.memory_space<vmem>>, vector<1x16xf32>,
        %get3A_653 = vector.shape_cast %get3A_652 : vector<1x16xf32> to vector<16xf32>
        %add3A_654 = arith.constant 2 : i32
        %add3A_655 = arith.addi %mul3A_160, %add3A_654 : i32
        %get3A_656 = arith.index_cast %add3A_655 : i32 to index
        %get3A_657 = arith.constant 160 : index
        %get3A_658 = tpu.vector_load %arg11[%get3A_656, %get3A_657] {strides = array<i32>} : memref<128x256xf32, #tpu.memory_space<vmem>>, vector<1x16xf32>,
        %get3A_659 = vector.shape_cast %get3A_658 : vector<1x16xf32> to vector<16xf32>
        %sub3A_660 = arith.subf %get3A_653, %get3A_659 : vector<16xf32>
        %max3A_661 = arith.maximumf %max3A_633, %sub3A_660 : vector<16xf32>
        %add3A_662 = arith.constant 2 : i32
        %add3A_663 = arith.addi %mul3A_160, %add3A_662 : i32
        %get3A_664 = arith.index_cast %add3A_663 : i32 to index
        %get3A_665 = arith.constant 32 : index
        %get3A_666 = tpu.vector_load %arg11[%get3A_664, %get3A_665] {strides = array<i32>} : memref<128x256xf32, #tpu.memory_space<vmem>>, vector<1x16xf32>,
        %get3A_667 = vector.shape_cast %get3A_666 : vector<1x16xf32> to vector<16xf32>
        %add3A_668 = arith.constant 2 : i32
        %add3A_669 = arith.addi %mul3A_160, %add3A_668 : i32
        %get3A_670 = arith.index_cast %add3A_669 : i32 to index
        %get3A_671 = arith.constant 160 : index
        %get3A_672 = tpu.vector_load %arg10[%get3A_670, %get3A_671] {strides = array<i32>} : memref<128x256xf32, #tpu.memory_space<vmem>>, vector<1x16xf32>,
        %get3A_673 = vector.shape_cast %get3A_672 : vector<1x16xf32> to vector<16xf32>
        %sub3A_674 = arith.subf %get3A_667, %get3A_673 : vector<16xf32>
        %max3A_675 = arith.maximumf %max3A_647, %sub3A_674 : vector<16xf32>
        %add3A_676 = arith.constant 3 : i32
        %add3A_677 = arith.addi %mul3A_160, %add3A_676 : i32
        %get3A_678 = arith.index_cast %add3A_677 : i32 to index
        %get3A_679 = arith.constant 32 : index
        %get3A_680 = tpu.vector_load %arg10[%get3A_678, %get3A_679] {strides = array<i32>} : memref<128x256xf32, #tpu.memory_space<vmem>>, vector<1x16xf32>,
        %get3A_681 = vector.shape_cast %get3A_680 : vector<1x16xf32> to vector<16xf32>
        %add3A_682 = arith.constant 3 : i32
        %add3A_683 = arith.addi %mul3A_160, %add3A_682 : i32
        %get3A_684 = arith.index_cast %add3A_683 : i32 to index
        %get3A_685 = arith.constant 160 : index
        %get3A_686 = tpu.vector_load %arg11[%get3A_684, %get3A_685] {strides = array<i32>} : memref<128x256xf32, #tpu.memory_space<vmem>>, vector<1x16xf32>,
        %get3A_687 = vector.shape_cast %get3A_686 : vector<1x16xf32> to vector<16xf32>
        %sub3A_688 = arith.subf %get3A_681, %get3A_687 : vector<16xf32>
        %max3A_689 = arith.maximumf %max3A_661, %sub3A_688 : vector<16xf32>
        %add3A_690 = arith.constant 3 : i32
        %add3A_691 = arith.addi %mul3A_160, %add3A_690 : i32
        %get3A_692 = arith.index_cast %add3A_691 : i32 to index
        %get3A_693 = arith.constant 32 : index
        %get3A_694 = tpu.vector_load %arg11[%get3A_692, %get3A_693] {strides = array<i32>} : memref<128x256xf32, #tpu.memory_space<vmem>>, vector<1x16xf32>,
        %get3A_695 = vector.shape_cast %get3A_694 : vector<1x16xf32> to vector<16xf32>
        %add3A_696 = arith.constant 3 : i32
        %add3A_697 = arith.addi %mul3A_160, %add3A_696 : i32
        %get3A_698 = arith.index_cast %add3A_697 : i32 to index
        %get3A_699 = arith.constant 160 : index
        %get3A_700 = tpu.vector_load %arg10[%get3A_698, %get3A_699] {strides = array<i32>} : memref<128x256xf32, #tpu.memory_space<vmem>>, vector<1x16xf32>,
        %get3A_701 = vector.shape_cast %get3A_700 : vector<1x16xf32> to vector<16xf32>
        %sub3A_702 = arith.subf %get3A_695, %get3A_701 : vector<16xf32>
        %max3A_703 = arith.maximumf %max3A_675, %sub3A_702 : vector<16xf32>
        %add3A_704 = arith.constant 4 : i32
        %add3A_705 = arith.addi %mul3A_160, %add3A_704 : i32
        %get3A_706 = arith.index_cast %add3A_705 : i32 to index
        %get3A_707 = arith.constant 32 : index
        %get3A_708 = tpu.vector_load %arg10[%get3A_706, %get3A_707] {strides = array<i32>} : memref<128x256xf32, #tpu.memory_space<vmem>>, vector<1x16xf32>,
        %get3A_709 = vector.shape_cast %get3A_708 : vector<1x16xf32> to vector<16xf32>
        %add3A_710 = arith.constant 4 : i32
        %add3A_711 = arith.addi %mul3A_160, %add3A_710 : i32
        %get3A_712 = arith.index_cast %add3A_711 : i32 to index
        %get3A_713 = arith.constant 160 : index
        %get3A_714 = tpu.vector_load %arg11[%get3A_712, %get3A_713] {strides = array<i32>} : memref<128x256xf32, #tpu.memory_space<vmem>>, vector<1x16xf32>,
        %get3A_715 = vector.shape_cast %get3A_714 : vector<1x16xf32> to vector<16xf32>
        %sub3A_716 = arith.subf %get3A_709, %get3A_715 : vector<16xf32>
        %max3A_717 = arith.maximumf %max3A_689, %sub3A_716 : vector<16xf32>
        %add3A_718 = arith.constant 4 : i32
        %add3A_719 = arith.addi %mul3A_160, %add3A_718 : i32
        %get3A_720 = arith.index_cast %add3A_719 : i32 to index
        %get3A_721 = arith.constant 32 : index
        %get3A_722 = tpu.vector_load %arg11[%get3A_720, %get3A_721] {strides = array<i32>} : memref<128x256xf32, #tpu.memory_space<vmem>>, vector<1x16xf32>,
        %get3A_723 = vector.shape_cast %get3A_722 : vector<1x16xf32> to vector<16xf32>
        %add3A_724 = arith.constant 4 : i32
        %add3A_725 = arith.addi %mul3A_160, %add3A_724 : i32
        %get3A_726 = arith.index_cast %add3A_725 : i32 to index
        %get3A_727 = arith.constant 160 : index
        %get3A_728 = tpu.vector_load %arg10[%get3A_726, %get3A_727] {strides = array<i32>} : memref<128x256xf32, #tpu.memory_space<vmem>>, vector<1x16xf32>,
        %get3A_729 = vector.shape_cast %get3A_728 : vector<1x16xf32> to vector<16xf32>
        %sub3A_730 = arith.subf %get3A_723, %get3A_729 : vector<16xf32>
        %max3A_731 = arith.maximumf %max3A_703, %sub3A_730 : vector<16xf32>
        %add3A_732 = arith.constant 5 : i32
        %add3A_733 = arith.addi %mul3A_160, %add3A_732 : i32
        %get3A_734 = arith.index_cast %add3A_733 : i32 to index
        %get3A_735 = arith.constant 32 : index
        %get3A_736 = tpu.vector_load %arg10[%get3A_734, %get3A_735] {strides = array<i32>} : memref<128x256xf32, #tpu.memory_space<vmem>>, vector<1x16xf32>,
        %get3A_737 = vector.shape_cast %get3A_736 : vector<1x16xf32> to vector<16xf32>
        %add3A_738 = arith.constant 5 : i32
        %add3A_739 = arith.addi %mul3A_160, %add3A_738 : i32
        %get3A_740 = arith.index_cast %add3A_739 : i32 to index
        %get3A_741 = arith.constant 160 : index
        %get3A_742 = tpu.vector_load %arg11[%get3A_740, %get3A_741] {strides = array<i32>} : memref<128x256xf32, #tpu.memory_space<vmem>>, vector<1x16xf32>,
        %get3A_743 = vector.shape_cast %get3A_742 : vector<1x16xf32> to vector<16xf32>
        %sub3A_744 = arith.subf %get3A_737, %get3A_743 : vector<16xf32>
        %max3A_745 = arith.maximumf %max3A_717, %sub3A_744 : vector<16xf32>
        %add3A_746 = arith.constant 5 : i32
        %add3A_747 = arith.addi %mul3A_160, %add3A_746 : i32
        %get3A_748 = arith.index_cast %add3A_747 : i32 to index
        %get3A_749 = arith.constant 32 : index
        %get3A_750 = tpu.vector_load %arg11[%get3A_748, %get3A_749] {strides = array<i32>} : memref<128x256xf32, #tpu.memory_space<vmem>>, vector<1x16xf32>,
        %get3A_751 = vector.shape_cast %get3A_750 : vector<1x16xf32> to vector<16xf32>
        %add3A_752 = arith.constant 5 : i32
        %add3A_753 = arith.addi %mul3A_160, %add3A_752 : i32
        %get3A_754 = arith.index_cast %add3A_753 : i32 to index
        %get3A_755 = arith.constant 160 : index
        %get3A_756 = tpu.vector_load %arg10[%get3A_754, %get3A_755] {strides = array<i32>} : memref<128x256xf32, #tpu.memory_space<vmem>>, vector<1x16xf32>,
        %get3A_757 = vector.shape_cast %get3A_756 : vector<1x16xf32> to vector<16xf32>
        %sub3A_758 = arith.subf %get3A_751, %get3A_757 : vector<16xf32>
        %max3A_759 = arith.maximumf %max3A_731, %sub3A_758 : vector<16xf32>
        %add3A_760 = arith.constant 6 : i32
        %add3A_761 = arith.addi %mul3A_160, %add3A_760 : i32
        %get3A_762 = arith.index_cast %add3A_761 : i32 to index
        %get3A_763 = arith.constant 32 : index
        %get3A_764 = tpu.vector_load %arg10[%get3A_762, %get3A_763] {strides = array<i32>} : memref<128x256xf32, #tpu.memory_space<vmem>>, vector<1x16xf32>,
        %get3A_765 = vector.shape_cast %get3A_764 : vector<1x16xf32> to vector<16xf32>
        %add3A_766 = arith.constant 6 : i32
        %add3A_767 = arith.addi %mul3A_160, %add3A_766 : i32
        %get3A_768 = arith.index_cast %add3A_767 : i32 to index
        %get3A_769 = arith.constant 160 : index
        %get3A_770 = tpu.vector_load %arg11[%get3A_768, %get3A_769] {strides = array<i32>} : memref<128x256xf32, #tpu.memory_space<vmem>>, vector<1x16xf32>,
        %get3A_771 = vector.shape_cast %get3A_770 : vector<1x16xf32> to vector<16xf32>
        %sub3A_772 = arith.subf %get3A_765, %get3A_771 : vector<16xf32>
        %max3A_773 = arith.maximumf %max3A_745, %sub3A_772 : vector<16xf32>
        %add3A_774 = arith.constant 6 : i32
        %add3A_775 = arith.addi %mul3A_160, %add3A_774 : i32
        %get3A_776 = arith.index_cast %add3A_775 : i32 to index
        %get3A_777 = arith.constant 32 : index
        %get3A_778 = tpu.vector_load %arg11[%get3A_776, %get3A_777] {strides = array<i32>} : memref<128x256xf32, #tpu.memory_space<vmem>>, vector<1x16xf32>,
        %get3A_779 = vector.shape_cast %get3A_778 : vector<1x16xf32> to vector<16xf32>
        %add3A_780 = arith.constant 6 : i32
        %add3A_781 = arith.addi %mul3A_160, %add3A_780 : i32
        %get3A_782 = arith.index_cast %add3A_781 : i32 to index
        %get3A_783 = arith.constant 160 : index
        %get3A_784 = tpu.vector_load %arg10[%get3A_782, %get3A_783] {strides = array<i32>} : memref<128x256xf32, #tpu.memory_space<vmem>>, vector<1x16xf32>,
        %get3A_785 = vector.shape_cast %get3A_784 : vector<1x16xf32> to vector<16xf32>
        %sub3A_786 = arith.subf %get3A_779, %get3A_785 : vector<16xf32>
        %max3A_787 = arith.maximumf %max3A_759, %sub3A_786 : vector<16xf32>
        %add3A_788 = arith.constant 7 : i32
        %add3A_789 = arith.addi %mul3A_160, %add3A_788 : i32
        %get3A_790 = arith.index_cast %add3A_789 : i32 to index
        %get3A_791 = arith.constant 32 : index
        %get3A_792 = tpu.vector_load %arg10[%get3A_790, %get3A_791] {strides = array<i32>} : memref<128x256xf32, #tpu.memory_space<vmem>>, vector<1x16xf32>,
        %get3A_793 = vector.shape_cast %get3A_792 : vector<1x16xf32> to vector<16xf32>
        %add3A_794 = arith.constant 7 : i32
        %add3A_795 = arith.addi %mul3A_160, %add3A_794 : i32
        %get3A_796 = arith.index_cast %add3A_795 : i32 to index
        %get3A_797 = arith.constant 160 : index
        %get3A_798 = tpu.vector_load %arg11[%get3A_796, %get3A_797] {strides = array<i32>} : memref<128x256xf32, #tpu.memory_space<vmem>>, vector<1x16xf32>,
        %get3A_799 = vector.shape_cast %get3A_798 : vector<1x16xf32> to vector<16xf32>
        %sub3A_800 = arith.subf %get3A_793, %get3A_799 : vector<16xf32>
        %max3A_801 = arith.maximumf %max3A_773, %sub3A_800 : vector<16xf32>
        %add3A_802 = arith.constant 7 : i32
        %add3A_803 = arith.addi %mul3A_160, %add3A_802 : i32
        %get3A_804 = arith.index_cast %add3A_803 : i32 to index
        %get3A_805 = arith.constant 32 : index
        %get3A_806 = tpu.vector_load %arg11[%get3A_804, %get3A_805] {strides = array<i32>} : memref<128x256xf32, #tpu.memory_space<vmem>>, vector<1x16xf32>,
        %get3A_807 = vector.shape_cast %get3A_806 : vector<1x16xf32> to vector<16xf32>
        %add3A_808 = arith.constant 7 : i32
        %add3A_809 = arith.addi %mul3A_160, %add3A_808 : i32
        %get3A_810 = arith.index_cast %add3A_809 : i32 to index
        %get3A_811 = arith.constant 160 : index
        %get3A_812 = tpu.vector_load %arg10[%get3A_810, %get3A_811] {strides = array<i32>} : memref<128x256xf32, #tpu.memory_space<vmem>>, vector<1x16xf32>,
        %get3A_813 = vector.shape_cast %get3A_812 : vector<1x16xf32> to vector<16xf32>
        %sub3A_814 = arith.subf %get3A_807, %get3A_813 : vector<16xf32>
        %max3A_815 = arith.maximumf %max3A_787, %sub3A_814 : vector<16xf32>
        %max3A_816 = arith.constant 0.000000e+00 : f32
        %max3A_817 = vector.broadcast %max3A_816 : f32 to vector<16xf32>
        %max3A_818 = arith.maximumf %max3A_801, %max3A_817 : vector<16xf32>
        %add3A_819 = arith.addf %scan3A_145, %max3A_818 : vector<16xf32>
        %max3A_820 = arith.constant 0.000000e+00 : f32
        %max3A_821 = vector.broadcast %max3A_820 : f32 to vector<16xf32>
        %max3A_822 = arith.maximumf %max3A_815, %max3A_821 : vector<16xf32>
        %add3A_823 = arith.addf %scan3A_153, %max3A_822 : vector<16xf32>
        %get3A_824 = arith.index_cast %mul3A_160 : i32 to index
        %get3A_825 = arith.constant 48 : index
        %get3A_826 = tpu.vector_load %arg10[%get3A_824, %get3A_825] {strides = array<i32>} : memref<128x256xf32, #tpu.memory_space<vmem>>, vector<1x16xf32>,
        %get3A_827 = vector.shape_cast %get3A_826 : vector<1x16xf32> to vector<16xf32>
        %get3A_828 = arith.index_cast %mul3A_160 : i32 to index
        %get3A_829 = arith.constant 176 : index
        %get3A_830 = tpu.vector_load %arg11[%get3A_828, %get3A_829] {strides = array<i32>} : memref<128x256xf32, #tpu.memory_space<vmem>>, vector<1x16xf32>,
        %get3A_831 = vector.shape_cast %get3A_830 : vector<1x16xf32> to vector<16xf32>
        %sub3A_832 = arith.subf %get3A_827, %get3A_831 : vector<16xf32>
        %get3A_833 = arith.index_cast %mul3A_160 : i32 to index
        %get3A_834 = arith.constant 48 : index
        %get3A_835 = tpu.vector_load %arg11[%get3A_833, %get3A_834] {strides = array<i32>} : memref<128x256xf32, #tpu.memory_space<vmem>>, vector<1x16xf32>,
        %get3A_836 = vector.shape_cast %get3A_835 : vector<1x16xf32> to vector<16xf32>
        %get3A_837 = arith.index_cast %mul3A_160 : i32 to index
        %get3A_838 = arith.constant 176 : index
        %get3A_839 = tpu.vector_load %arg10[%get3A_837, %get3A_838] {strides = array<i32>} : memref<128x256xf32, #tpu.memory_space<vmem>>, vector<1x16xf32>,
        %get3A_840 = vector.shape_cast %get3A_839 : vector<1x16xf32> to vector<16xf32>
        %sub3A_841 = arith.subf %get3A_836, %get3A_840 : vector<16xf32>
        %add3A_842 = arith.constant 1 : i32
        %add3A_843 = arith.addi %mul3A_160, %add3A_842 : i32
        %get3A_844 = arith.index_cast %add3A_843 : i32 to index
        %get3A_845 = arith.constant 48 : index
        %get3A_846 = tpu.vector_load %arg10[%get3A_844, %get3A_845] {strides = array<i32>} : memref<128x256xf32, #tpu.memory_space<vmem>>, vector<1x16xf32>,
        %get3A_847 = vector.shape_cast %get3A_846 : vector<1x16xf32> to vector<16xf32>
        %add3A_848 = arith.constant 1 : i32
        %add3A_849 = arith.addi %mul3A_160, %add3A_848 : i32
        %get3A_850 = arith.index_cast %add3A_849 : i32 to index
        %get3A_851 = arith.constant 176 : index
        %get3A_852 = tpu.vector_load %arg11[%get3A_850, %get3A_851] {strides = array<i32>} : memref<128x256xf32, #tpu.memory_space<vmem>>, vector<1x16xf32>,
        %get3A_853 = vector.shape_cast %get3A_852 : vector<1x16xf32> to vector<16xf32>
        %sub3A_854 = arith.subf %get3A_847, %get3A_853 : vector<16xf32>
        %max3A_855 = arith.maximumf %sub3A_832, %sub3A_854 : vector<16xf32>
        %add3A_856 = arith.constant 1 : i32
        %add3A_857 = arith.addi %mul3A_160, %add3A_856 : i32
        %get3A_858 = arith.index_cast %add3A_857 : i32 to index
        %get3A_859 = arith.constant 48 : index
        %get3A_860 = tpu.vector_load %arg11[%get3A_858, %get3A_859] {strides = array<i32>} : memref<128x256xf32, #tpu.memory_space<vmem>>, vector<1x16xf32>,
        %get3A_861 = vector.shape_cast %get3A_860 : vector<1x16xf32> to vector<16xf32>
        %add3A_862 = arith.constant 1 : i32
        %add3A_863 = arith.addi %mul3A_160, %add3A_862 : i32
        %get3A_864 = arith.index_cast %add3A_863 : i32 to index
        %get3A_865 = arith.constant 176 : index
        %get3A_866 = tpu.vector_load %arg10[%get3A_864, %get3A_865] {strides = array<i32>} : memref<128x256xf32, #tpu.memory_space<vmem>>, vector<1x16xf32>,
        %get3A_867 = vector.shape_cast %get3A_866 : vector<1x16xf32> to vector<16xf32>
        %sub3A_868 = arith.subf %get3A_861, %get3A_867 : vector<16xf32>
        %max3A_869 = arith.maximumf %sub3A_841, %sub3A_868 : vector<16xf32>
        %add3A_870 = arith.constant 2 : i32
        %add3A_871 = arith.addi %mul3A_160, %add3A_870 : i32
        %get3A_872 = arith.index_cast %add3A_871 : i32 to index
        %get3A_873 = arith.constant 48 : index
        %get3A_874 = tpu.vector_load %arg10[%get3A_872, %get3A_873] {strides = array<i32>} : memref<128x256xf32, #tpu.memory_space<vmem>>, vector<1x16xf32>,
        %get3A_875 = vector.shape_cast %get3A_874 : vector<1x16xf32> to vector<16xf32>
        %add3A_876 = arith.constant 2 : i32
        %add3A_877 = arith.addi %mul3A_160, %add3A_876 : i32
        %get3A_878 = arith.index_cast %add3A_877 : i32 to index
        %get3A_879 = arith.constant 176 : index
        %get3A_880 = tpu.vector_load %arg11[%get3A_878, %get3A_879] {strides = array<i32>} : memref<128x256xf32, #tpu.memory_space<vmem>>, vector<1x16xf32>,
        %get3A_881 = vector.shape_cast %get3A_880 : vector<1x16xf32> to vector<16xf32>
        %sub3A_882 = arith.subf %get3A_875, %get3A_881 : vector<16xf32>
        %max3A_883 = arith.maximumf %max3A_855, %sub3A_882 : vector<16xf32>
        %add3A_884 = arith.constant 2 : i32
        %add3A_885 = arith.addi %mul3A_160, %add3A_884 : i32
        %get3A_886 = arith.index_cast %add3A_885 : i32 to index
        %get3A_887 = arith.constant 48 : index
        %get3A_888 = tpu.vector_load %arg11[%get3A_886, %get3A_887] {strides = array<i32>} : memref<128x256xf32, #tpu.memory_space<vmem>>, vector<1x16xf32>,
        %get3A_889 = vector.shape_cast %get3A_888 : vector<1x16xf32> to vector<16xf32>
        %add3A_890 = arith.constant 2 : i32
        %add3A_891 = arith.addi %mul3A_160, %add3A_890 : i32
        %get3A_892 = arith.index_cast %add3A_891 : i32 to index
        %get3A_893 = arith.constant 176 : index
        %get3A_894 = tpu.vector_load %arg10[%get3A_892, %get3A_893] {strides = array<i32>} : memref<128x256xf32, #tpu.memory_space<vmem>>, vector<1x16xf32>,
        %get3A_895 = vector.shape_cast %get3A_894 : vector<1x16xf32> to vector<16xf32>
        %sub3A_896 = arith.subf %get3A_889, %get3A_895 : vector<16xf32>
        %max3A_897 = arith.maximumf %max3A_869, %sub3A_896 : vector<16xf32>
        %add3A_898 = arith.constant 3 : i32
        %add3A_899 = arith.addi %mul3A_160, %add3A_898 : i32
        %get3A_900 = arith.index_cast %add3A_899 : i32 to index
        %get3A_901 = arith.constant 48 : index
        %get3A_902 = tpu.vector_load %arg10[%get3A_900, %get3A_901] {strides = array<i32>} : memref<128x256xf32, #tpu.memory_space<vmem>>, vector<1x16xf32>,
        %get3A_903 = vector.shape_cast %get3A_902 : vector<1x16xf32> to vector<16xf32>
        %add3A_904 = arith.constant 3 : i32
        %add3A_905 = arith.addi %mul3A_160, %add3A_904 : i32
        %get3A_906 = arith.index_cast %add3A_905 : i32 to index
        %get3A_907 = arith.constant 176 : index
        %get3A_908 = tpu.vector_load %arg11[%get3A_906, %get3A_907] {strides = array<i32>} : memref<128x256xf32, #tpu.memory_space<vmem>>, vector<1x16xf32>,
        %get3A_909 = vector.shape_cast %get3A_908 : vector<1x16xf32> to vector<16xf32>
        %sub3A_910 = arith.subf %get3A_903, %get3A_909 : vector<16xf32>
        %max3A_911 = arith.maximumf %max3A_883, %sub3A_910 : vector<16xf32>
        %add3A_912 = arith.constant 3 : i32
        %add3A_913 = arith.addi %mul3A_160, %add3A_912 : i32
        %get3A_914 = arith.index_cast %add3A_913 : i32 to index
        %get3A_915 = arith.constant 48 : index
        %get3A_916 = tpu.vector_load %arg11[%get3A_914, %get3A_915] {strides = array<i32>} : memref<128x256xf32, #tpu.memory_space<vmem>>, vector<1x16xf32>,
        %get3A_917 = vector.shape_cast %get3A_916 : vector<1x16xf32> to vector<16xf32>
        %add3A_918 = arith.constant 3 : i32
        %add3A_919 = arith.addi %mul3A_160, %add3A_918 : i32
        %get3A_920 = arith.index_cast %add3A_919 : i32 to index
        %get3A_921 = arith.constant 176 : index
        %get3A_922 = tpu.vector_load %arg10[%get3A_920, %get3A_921] {strides = array<i32>} : memref<128x256xf32, #tpu.memory_space<vmem>>, vector<1x16xf32>,
        %get3A_923 = vector.shape_cast %get3A_922 : vector<1x16xf32> to vector<16xf32>
        %sub3A_924 = arith.subf %get3A_917, %get3A_923 : vector<16xf32>
        %max3A_925 = arith.maximumf %max3A_897, %sub3A_924 : vector<16xf32>
        %add3A_926 = arith.constant 4 : i32
        %add3A_927 = arith.addi %mul3A_160, %add3A_926 : i32
        %get3A_928 = arith.index_cast %add3A_927 : i32 to index
        %get3A_929 = arith.constant 48 : index
        %get3A_930 = tpu.vector_load %arg10[%get3A_928, %get3A_929] {strides = array<i32>} : memref<128x256xf32, #tpu.memory_space<vmem>>, vector<1x16xf32>,
        %get3A_931 = vector.shape_cast %get3A_930 : vector<1x16xf32> to vector<16xf32>
        %add3A_932 = arith.constant 4 : i32
        %add3A_933 = arith.addi %mul3A_160, %add3A_932 : i32
        %get3A_934 = arith.index_cast %add3A_933 : i32 to index
        %get3A_935 = arith.constant 176 : index
        %get3A_936 = tpu.vector_load %arg11[%get3A_934, %get3A_935] {strides = array<i32>} : memref<128x256xf32, #tpu.memory_space<vmem>>, vector<1x16xf32>,
        %get3A_937 = vector.shape_cast %get3A_936 : vector<1x16xf32> to vector<16xf32>
        %sub3A_938 = arith.subf %get3A_931, %get3A_937 : vector<16xf32>
        %max3A_939 = arith.maximumf %max3A_911, %sub3A_938 : vector<16xf32>
        %add3A_940 = arith.constant 4 : i32
        %add3A_941 = arith.addi %mul3A_160, %add3A_940 : i32
        %get3A_942 = arith.index_cast %add3A_941 : i32 to index
        %get3A_943 = arith.constant 48 : index
        %get3A_944 = tpu.vector_load %arg11[%get3A_942, %get3A_943] {strides = array<i32>} : memref<128x256xf32, #tpu.memory_space<vmem>>, vector<1x16xf32>,
        %get3A_945 = vector.shape_cast %get3A_944 : vector<1x16xf32> to vector<16xf32>
        %add3A_946 = arith.constant 4 : i32
        %add3A_947 = arith.addi %mul3A_160, %add3A_946 : i32
        %get3A_948 = arith.index_cast %add3A_947 : i32 to index
        %get3A_949 = arith.constant 176 : index
        %get3A_950 = tpu.vector_load %arg10[%get3A_948, %get3A_949] {strides = array<i32>} : memref<128x256xf32, #tpu.memory_space<vmem>>, vector<1x16xf32>,
        %get3A_951 = vector.shape_cast %get3A_950 : vector<1x16xf32> to vector<16xf32>
        %sub3A_952 = arith.subf %get3A_945, %get3A_951 : vector<16xf32>
        %max3A_953 = arith.maximumf %max3A_925, %sub3A_952 : vector<16xf32>
        %add3A_954 = arith.constant 5 : i32
        %add3A_955 = arith.addi %mul3A_160, %add3A_954 : i32
        %get3A_956 = arith.index_cast %add3A_955 : i32 to index
        %get3A_957 = arith.constant 48 : index
        %get3A_958 = tpu.vector_load %arg10[%get3A_956, %get3A_957] {strides = array<i32>} : memref<128x256xf32, #tpu.memory_space<vmem>>, vector<1x16xf32>,
        %get3A_959 = vector.shape_cast %get3A_958 : vector<1x16xf32> to vector<16xf32>
        %add3A_960 = arith.constant 5 : i32
        %add3A_961 = arith.addi %mul3A_160, %add3A_960 : i32
        %get3A_962 = arith.index_cast %add3A_961 : i32 to index
        %get3A_963 = arith.constant 176 : index
        %get3A_964 = tpu.vector_load %arg11[%get3A_962, %get3A_963] {strides = array<i32>} : memref<128x256xf32, #tpu.memory_space<vmem>>, vector<1x16xf32>,
        %get3A_965 = vector.shape_cast %get3A_964 : vector<1x16xf32> to vector<16xf32>
        %sub3A_966 = arith.subf %get3A_959, %get3A_965 : vector<16xf32>
        %max3A_967 = arith.maximumf %max3A_939, %sub3A_966 : vector<16xf32>
        %add3A_968 = arith.constant 5 : i32
        %add3A_969 = arith.addi %mul3A_160, %add3A_968 : i32
        %get3A_970 = arith.index_cast %add3A_969 : i32 to index
        %get3A_971 = arith.constant 48 : index
        %get3A_972 = tpu.vector_load %arg11[%get3A_970, %get3A_971] {strides = array<i32>} : memref<128x256xf32, #tpu.memory_space<vmem>>, vector<1x16xf32>,
        %get3A_973 = vector.shape_cast %get3A_972 : vector<1x16xf32> to vector<16xf32>
        %add3A_974 = arith.constant 5 : i32
        %add3A_975 = arith.addi %mul3A_160, %add3A_974 : i32
        %get3A_976 = arith.index_cast %add3A_975 : i32 to index
        %get3A_977 = arith.constant 176 : index
        %get3A_978 = tpu.vector_load %arg10[%get3A_976, %get3A_977] {strides = array<i32>} : memref<128x256xf32, #tpu.memory_space<vmem>>, vector<1x16xf32>,
        %get3A_979 = vector.shape_cast %get3A_978 : vector<1x16xf32> to vector<16xf32>
        %sub3A_980 = arith.subf %get3A_973, %get3A_979 : vector<16xf32>
        %max3A_981 = arith.maximumf %max3A_953, %sub3A_980 : vector<16xf32>
        %add3A_982 = arith.constant 6 : i32
        %add3A_983 = arith.addi %mul3A_160, %add3A_982 : i32
        %get3A_984 = arith.index_cast %add3A_983 : i32 to index
        %get3A_985 = arith.constant 48 : index
        %get3A_986 = tpu.vector_load %arg10[%get3A_984, %get3A_985] {strides = array<i32>} : memref<128x256xf32, #tpu.memory_space<vmem>>, vector<1x16xf32>,
        %get3A_987 = vector.shape_cast %get3A_986 : vector<1x16xf32> to vector<16xf32>
        %add3A_988 = arith.constant 6 : i32
        %add3A_989 = arith.addi %mul3A_160, %add3A_988 : i32
        %get3A_990 = arith.index_cast %add3A_989 : i32 to index
        %get3A_991 = arith.constant 176 : index
        %get3A_992 = tpu.vector_load %arg11[%get3A_990, %get3A_991] {strides = array<i32>} : memref<128x256xf32, #tpu.memory_space<vmem>>, vector<1x16xf32>,
        %get3A_993 = vector.shape_cast %get3A_992 : vector<1x16xf32> to vector<16xf32>
        %sub3A_994 = arith.subf %get3A_987, %get3A_993 : vector<16xf32>
        %max3A_995 = arith.maximumf %max3A_967, %sub3A_994 : vector<16xf32>
        %add3A_996 = arith.constant 6 : i32
        %add3A_997 = arith.addi %mul3A_160, %add3A_996 : i32
        %get3A_998 = arith.index_cast %add3A_997 : i32 to index
        %get3A_999 = arith.constant 48 : index
        %get3A_1000 = tpu.vector_load %arg11[%get3A_998, %get3A_999] {strides = array<i32>} : memref<128x256xf32, #tpu.memory_space<vmem>>, vector<1x16xf32>,
        %get3A_1001 = vector.shape_cast %get3A_1000 : vector<1x16xf32> to vector<16xf32>
        %add3A_1002 = arith.constant 6 : i32
        %add3A_1003 = arith.addi %mul3A_160, %add3A_1002 : i32
        %get3A_1004 = arith.index_cast %add3A_1003 : i32 to index
        %get3A_1005 = arith.constant 176 : index
        %get3A_1006 = tpu.vector_load %arg10[%get3A_1004, %get3A_1005] {strides = array<i32>} : memref<128x256xf32, #tpu.memory_space<vmem>>, vector<1x16xf32>,
        %get3A_1007 = vector.shape_cast %get3A_1006 : vector<1x16xf32> to vector<16xf32>
        %sub3A_1008 = arith.subf %get3A_1001, %get3A_1007 : vector<16xf32>
        %max3A_1009 = arith.maximumf %max3A_981, %sub3A_1008 : vector<16xf32>
        %add3A_1010 = arith.constant 7 : i32
        %add3A_1011 = arith.addi %mul3A_160, %add3A_1010 : i32
        %get3A_1012 = arith.index_cast %add3A_1011 : i32 to index
        %get3A_1013 = arith.constant 48 : index
        %get3A_1014 = tpu.vector_load %arg10[%get3A_1012, %get3A_1013] {strides = array<i32>} : memref<128x256xf32, #tpu.memory_space<vmem>>, vector<1x16xf32>,
        %get3A_1015 = vector.shape_cast %get3A_1014 : vector<1x16xf32> to vector<16xf32>
        %add3A_1016 = arith.constant 7 : i32
        %add3A_1017 = arith.addi %mul3A_160, %add3A_1016 : i32
        %get3A_1018 = arith.index_cast %add3A_1017 : i32 to index
        %get3A_1019 = arith.constant 176 : index
        %get3A_1020 = tpu.vector_load %arg11[%get3A_1018, %get3A_1019] {strides = array<i32>} : memref<128x256xf32, #tpu.memory_space<vmem>>, vector<1x16xf32>,
        %get3A_1021 = vector.shape_cast %get3A_1020 : vector<1x16xf32> to vector<16xf32>
        %sub3A_1022 = arith.subf %get3A_1015, %get3A_1021 : vector<16xf32>
        %max3A_1023 = arith.maximumf %max3A_995, %sub3A_1022 : vector<16xf32>
        %add3A_1024 = arith.constant 7 : i32
        %add3A_1025 = arith.addi %mul3A_160, %add3A_1024 : i32
        %get3A_1026 = arith.index_cast %add3A_1025 : i32 to index
        %get3A_1027 = arith.constant 48 : index
        %get3A_1028 = tpu.vector_load %arg11[%get3A_1026, %get3A_1027] {strides = array<i32>} : memref<128x256xf32, #tpu.memory_space<vmem>>, vector<1x16xf32>,
        %get3A_1029 = vector.shape_cast %get3A_1028 : vector<1x16xf32> to vector<16xf32>
        %add3A_1030 = arith.constant 7 : i32
        %add3A_1031 = arith.addi %mul3A_160, %add3A_1030 : i32
        %get3A_1032 = arith.index_cast %add3A_1031 : i32 to index
        %get3A_1033 = arith.constant 176 : index
        %get3A_1034 = tpu.vector_load %arg10[%get3A_1032, %get3A_1033] {strides = array<i32>} : memref<128x256xf32, #tpu.memory_space<vmem>>, vector<1x16xf32>,
        %get3A_1035 = vector.shape_cast %get3A_1034 : vector<1x16xf32> to vector<16xf32>
        %sub3A_1036 = arith.subf %get3A_1029, %get3A_1035 : vector<16xf32>
        %max3A_1037 = arith.maximumf %max3A_1009, %sub3A_1036 : vector<16xf32>
        %max3A_1038 = arith.constant 0.000000e+00 : f32
        %max3A_1039 = vector.broadcast %max3A_1038 : f32 to vector<16xf32>
        %max3A_1040 = arith.maximumf %max3A_1023, %max3A_1039 : vector<16xf32>
        %add3A_1041 = arith.addf %scan3A_146, %max3A_1040 : vector<16xf32>
        %max3A_1042 = arith.constant 0.000000e+00 : f32
        %max3A_1043 = vector.broadcast %max3A_1042 : f32 to vector<16xf32>
        %max3A_1044 = arith.maximumf %max3A_1037, %max3A_1043 : vector<16xf32>
        %add3A_1045 = arith.addf %scan3A_154, %max3A_1044 : vector<16xf32>
        %get3A_1046 = arith.index_cast %mul3A_160 : i32 to index
        %get3A_1047 = arith.constant 64 : index
        %get3A_1048 = tpu.vector_load %arg10[%get3A_1046, %get3A_1047] {strides = array<i32>} : memref<128x256xf32, #tpu.memory_space<vmem>>, vector<1x16xf32>,
        %get3A_1049 = vector.shape_cast %get3A_1048 : vector<1x16xf32> to vector<16xf32>
        %get3A_1050 = arith.index_cast %mul3A_160 : i32 to index
        %get3A_1051 = arith.constant 192 : index
        %get3A_1052 = tpu.vector_load %arg11[%get3A_1050, %get3A_1051] {strides = array<i32>} : memref<128x256xf32, #tpu.memory_space<vmem>>, vector<1x16xf32>,
        %get3A_1053 = vector.shape_cast %get3A_1052 : vector<1x16xf32> to vector<16xf32>
        %sub3A_1054 = arith.subf %get3A_1049, %get3A_1053 : vector<16xf32>
        %get3A_1055 = arith.index_cast %mul3A_160 : i32 to index
        %get3A_1056 = arith.constant 64 : index
        %get3A_1057 = tpu.vector_load %arg11[%get3A_1055, %get3A_1056] {strides = array<i32>} : memref<128x256xf32, #tpu.memory_space<vmem>>, vector<1x16xf32>,
        %get3A_1058 = vector.shape_cast %get3A_1057 : vector<1x16xf32> to vector<16xf32>
        %get3A_1059 = arith.index_cast %mul3A_160 : i32 to index
        %get3A_1060 = arith.constant 192 : index
        %get3A_1061 = tpu.vector_load %arg10[%get3A_1059, %get3A_1060] {strides = array<i32>} : memref<128x256xf32, #tpu.memory_space<vmem>>, vector<1x16xf32>,
        %get3A_1062 = vector.shape_cast %get3A_1061 : vector<1x16xf32> to vector<16xf32>
        %sub3A_1063 = arith.subf %get3A_1058, %get3A_1062 : vector<16xf32>
        %add3A_1064 = arith.constant 1 : i32
        %add3A_1065 = arith.addi %mul3A_160, %add3A_1064 : i32
        %get3A_1066 = arith.index_cast %add3A_1065 : i32 to index
        %get3A_1067 = arith.constant 64 : index
        %get3A_1068 = tpu.vector_load %arg10[%get3A_1066, %get3A_1067] {strides = array<i32>} : memref<128x256xf32, #tpu.memory_space<vmem>>, vector<1x16xf32>,
        %get3A_1069 = vector.shape_cast %get3A_1068 : vector<1x16xf32> to vector<16xf32>
        %add3A_1070 = arith.constant 1 : i32
        %add3A_1071 = arith.addi %mul3A_160, %add3A_1070 : i32
        %get3A_1072 = arith.index_cast %add3A_1071 : i32 to index
        %get3A_1073 = arith.constant 192 : index
        %get3A_1074 = tpu.vector_load %arg11[%get3A_1072, %get3A_1073] {strides = array<i32>} : memref<128x256xf32, #tpu.memory_space<vmem>>, vector<1x16xf32>,
        %get3A_1075 = vector.shape_cast %get3A_1074 : vector<1x16xf32> to vector<16xf32>
        %sub3A_1076 = arith.subf %get3A_1069, %get3A_1075 : vector<16xf32>
        %max3A_1077 = arith.maximumf %sub3A_1054, %sub3A_1076 : vector<16xf32>
        %add3A_1078 = arith.constant 1 : i32
        %add3A_1079 = arith.addi %mul3A_160, %add3A_1078 : i32
        %get3A_1080 = arith.index_cast %add3A_1079 : i32 to index
        %get3A_1081 = arith.constant 64 : index
        %get3A_1082 = tpu.vector_load %arg11[%get3A_1080, %get3A_1081] {strides = array<i32>} : memref<128x256xf32, #tpu.memory_space<vmem>>, vector<1x16xf32>,
        %get3A_1083 = vector.shape_cast %get3A_1082 : vector<1x16xf32> to vector<16xf32>
        %add3A_1084 = arith.constant 1 : i32
        %add3A_1085 = arith.addi %mul3A_160, %add3A_1084 : i32
        %get3A_1086 = arith.index_cast %add3A_1085 : i32 to index
        %get3A_1087 = arith.constant 192 : index
        %get3A_1088 = tpu.vector_load %arg10[%get3A_1086, %get3A_1087] {strides = array<i32>} : memref<128x256xf32, #tpu.memory_space<vmem>>, vector<1x16xf32>,
        %get3A_1089 = vector.shape_cast %get3A_1088 : vector<1x16xf32> to vector<16xf32>
        %sub3A_1090 = arith.subf %get3A_1083, %get3A_1089 : vector<16xf32>
        %max3A_1091 = arith.maximumf %sub3A_1063, %sub3A_1090 : vector<16xf32>
        %add3A_1092 = arith.constant 2 : i32
        %add3A_1093 = arith.addi %mul3A_160, %add3A_1092 : i32
        %get3A_1094 = arith.index_cast %add3A_1093 : i32 to index
        %get3A_1095 = arith.constant 64 : index
        %get3A_1096 = tpu.vector_load %arg10[%get3A_1094, %get3A_1095] {strides = array<i32>} : memref<128x256xf32, #tpu.memory_space<vmem>>, vector<1x16xf32>,
        %get3A_1097 = vector.shape_cast %get3A_1096 : vector<1x16xf32> to vector<16xf32>
        %add3A_1098 = arith.constant 2 : i32
        %add3A_1099 = arith.addi %mul3A_160, %add3A_1098 : i32
        %get3A_1100 = arith.index_cast %add3A_1099 : i32 to index
        %get3A_1101 = arith.constant 192 : index
        %get3A_1102 = tpu.vector_load %arg11[%get3A_1100, %get3A_1101] {strides = array<i32>} : memref<128x256xf32, #tpu.memory_space<vmem>>, vector<1x16xf32>,
        %get3A_1103 = vector.shape_cast %get3A_1102 : vector<1x16xf32> to vector<16xf32>
        %sub3A_1104 = arith.subf %get3A_1097, %get3A_1103 : vector<16xf32>
        %max3A_1105 = arith.maximumf %max3A_1077, %sub3A_1104 : vector<16xf32>
        %add3A_1106 = arith.constant 2 : i32
        %add3A_1107 = arith.addi %mul3A_160, %add3A_1106 : i32
        %get3A_1108 = arith.index_cast %add3A_1107 : i32 to index
        %get3A_1109 = arith.constant 64 : index
        %get3A_1110 = tpu.vector_load %arg11[%get3A_1108, %get3A_1109] {strides = array<i32>} : memref<128x256xf32, #tpu.memory_space<vmem>>, vector<1x16xf32>,
        %get3A_1111 = vector.shape_cast %get3A_1110 : vector<1x16xf32> to vector<16xf32>
        %add3A_1112 = arith.constant 2 : i32
        %add3A_1113 = arith.addi %mul3A_160, %add3A_1112 : i32
        %get3A_1114 = arith.index_cast %add3A_1113 : i32 to index
        %get3A_1115 = arith.constant 192 : index
        %get3A_1116 = tpu.vector_load %arg10[%get3A_1114, %get3A_1115] {strides = array<i32>} : memref<128x256xf32, #tpu.memory_space<vmem>>, vector<1x16xf32>,
        %get3A_1117 = vector.shape_cast %get3A_1116 : vector<1x16xf32> to vector<16xf32>
        %sub3A_1118 = arith.subf %get3A_1111, %get3A_1117 : vector<16xf32>
        %max3A_1119 = arith.maximumf %max3A_1091, %sub3A_1118 : vector<16xf32>
        %add3A_1120 = arith.constant 3 : i32
        %add3A_1121 = arith.addi %mul3A_160, %add3A_1120 : i32
        %get3A_1122 = arith.index_cast %add3A_1121 : i32 to index
        %get3A_1123 = arith.constant 64 : index
        %get3A_1124 = tpu.vector_load %arg10[%get3A_1122, %get3A_1123] {strides = array<i32>} : memref<128x256xf32, #tpu.memory_space<vmem>>, vector<1x16xf32>,
        %get3A_1125 = vector.shape_cast %get3A_1124 : vector<1x16xf32> to vector<16xf32>
        %add3A_1126 = arith.constant 3 : i32
        %add3A_1127 = arith.addi %mul3A_160, %add3A_1126 : i32
        %get3A_1128 = arith.index_cast %add3A_1127 : i32 to index
        %get3A_1129 = arith.constant 192 : index
        %get3A_1130 = tpu.vector_load %arg11[%get3A_1128, %get3A_1129] {strides = array<i32>} : memref<128x256xf32, #tpu.memory_space<vmem>>, vector<1x16xf32>,
        %get3A_1131 = vector.shape_cast %get3A_1130 : vector<1x16xf32> to vector<16xf32>
        %sub3A_1132 = arith.subf %get3A_1125, %get3A_1131 : vector<16xf32>
        %max3A_1133 = arith.maximumf %max3A_1105, %sub3A_1132 : vector<16xf32>
        %add3A_1134 = arith.constant 3 : i32
        %add3A_1135 = arith.addi %mul3A_160, %add3A_1134 : i32
        %get3A_1136 = arith.index_cast %add3A_1135 : i32 to index
        %get3A_1137 = arith.constant 64 : index
        %get3A_1138 = tpu.vector_load %arg11[%get3A_1136, %get3A_1137] {strides = array<i32>} : memref<128x256xf32, #tpu.memory_space<vmem>>, vector<1x16xf32>,
        %get3A_1139 = vector.shape_cast %get3A_1138 : vector<1x16xf32> to vector<16xf32>
        %add3A_1140 = arith.constant 3 : i32
        %add3A_1141 = arith.addi %mul3A_160, %add3A_1140 : i32
        %get3A_1142 = arith.index_cast %add3A_1141 : i32 to index
        %get3A_1143 = arith.constant 192 : index
        %get3A_1144 = tpu.vector_load %arg10[%get3A_1142, %get3A_1143] {strides = array<i32>} : memref<128x256xf32, #tpu.memory_space<vmem>>, vector<1x16xf32>,
        %get3A_1145 = vector.shape_cast %get3A_1144 : vector<1x16xf32> to vector<16xf32>
        %sub3A_1146 = arith.subf %get3A_1139, %get3A_1145 : vector<16xf32>
        %max3A_1147 = arith.maximumf %max3A_1119, %sub3A_1146 : vector<16xf32>
        %add3A_1148 = arith.constant 4 : i32
        %add3A_1149 = arith.addi %mul3A_160, %add3A_1148 : i32
        %get3A_1150 = arith.index_cast %add3A_1149 : i32 to index
        %get3A_1151 = arith.constant 64 : index
        %get3A_1152 = tpu.vector_load %arg10[%get3A_1150, %get3A_1151] {strides = array<i32>} : memref<128x256xf32, #tpu.memory_space<vmem>>, vector<1x16xf32>,
        %get3A_1153 = vector.shape_cast %get3A_1152 : vector<1x16xf32> to vector<16xf32>
        %add3A_1154 = arith.constant 4 : i32
        %add3A_1155 = arith.addi %mul3A_160, %add3A_1154 : i32
        %get3A_1156 = arith.index_cast %add3A_1155 : i32 to index
        %get3A_1157 = arith.constant 192 : index
        %get3A_1158 = tpu.vector_load %arg11[%get3A_1156, %get3A_1157] {strides = array<i32>} : memref<128x256xf32, #tpu.memory_space<vmem>>, vector<1x16xf32>,
        %get3A_1159 = vector.shape_cast %get3A_1158 : vector<1x16xf32> to vector<16xf32>
        %sub3A_1160 = arith.subf %get3A_1153, %get3A_1159 : vector<16xf32>
        %max3A_1161 = arith.maximumf %max3A_1133, %sub3A_1160 : vector<16xf32>
        %add3A_1162 = arith.constant 4 : i32
        %add3A_1163 = arith.addi %mul3A_160, %add3A_1162 : i32
        %get3A_1164 = arith.index_cast %add3A_1163 : i32 to index
        %get3A_1165 = arith.constant 64 : index
        %get3A_1166 = tpu.vector_load %arg11[%get3A_1164, %get3A_1165] {strides = array<i32>} : memref<128x256xf32, #tpu.memory_space<vmem>>, vector<1x16xf32>,
        %get3A_1167 = vector.shape_cast %get3A_1166 : vector<1x16xf32> to vector<16xf32>
        %add3A_1168 = arith.constant 4 : i32
        %add3A_1169 = arith.addi %mul3A_160, %add3A_1168 : i32
        %get3A_1170 = arith.index_cast %add3A_1169 : i32 to index
        %get3A_1171 = arith.constant 192 : index
        %get3A_1172 = tpu.vector_load %arg10[%get3A_1170, %get3A_1171] {strides = array<i32>} : memref<128x256xf32, #tpu.memory_space<vmem>>, vector<1x16xf32>,
        %get3A_1173 = vector.shape_cast %get3A_1172 : vector<1x16xf32> to vector<16xf32>
        %sub3A_1174 = arith.subf %get3A_1167, %get3A_1173 : vector<16xf32>
        %max3A_1175 = arith.maximumf %max3A_1147, %sub3A_1174 : vector<16xf32>
        %add3A_1176 = arith.constant 5 : i32
        %add3A_1177 = arith.addi %mul3A_160, %add3A_1176 : i32
        %get3A_1178 = arith.index_cast %add3A_1177 : i32 to index
        %get3A_1179 = arith.constant 64 : index
        %get3A_1180 = tpu.vector_load %arg10[%get3A_1178, %get3A_1179] {strides = array<i32>} : memref<128x256xf32, #tpu.memory_space<vmem>>, vector<1x16xf32>,
        %get3A_1181 = vector.shape_cast %get3A_1180 : vector<1x16xf32> to vector<16xf32>
        %add3A_1182 = arith.constant 5 : i32
        %add3A_1183 = arith.addi %mul3A_160, %add3A_1182 : i32
        %get3A_1184 = arith.index_cast %add3A_1183 : i32 to index
        %get3A_1185 = arith.constant 192 : index
        %get3A_1186 = tpu.vector_load %arg11[%get3A_1184, %get3A_1185] {strides = array<i32>} : memref<128x256xf32, #tpu.memory_space<vmem>>, vector<1x16xf32>,
        %get3A_1187 = vector.shape_cast %get3A_1186 : vector<1x16xf32> to vector<16xf32>
        %sub3A_1188 = arith.subf %get3A_1181, %get3A_1187 : vector<16xf32>
        %max3A_1189 = arith.maximumf %max3A_1161, %sub3A_1188 : vector<16xf32>
        %add3A_1190 = arith.constant 5 : i32
        %add3A_1191 = arith.addi %mul3A_160, %add3A_1190 : i32
        %get3A_1192 = arith.index_cast %add3A_1191 : i32 to index
        %get3A_1193 = arith.constant 64 : index
        %get3A_1194 = tpu.vector_load %arg11[%get3A_1192, %get3A_1193] {strides = array<i32>} : memref<128x256xf32, #tpu.memory_space<vmem>>, vector<1x16xf32>,
        %get3A_1195 = vector.shape_cast %get3A_1194 : vector<1x16xf32> to vector<16xf32>
        %add3A_1196 = arith.constant 5 : i32
        %add3A_1197 = arith.addi %mul3A_160, %add3A_1196 : i32
        %get3A_1198 = arith.index_cast %add3A_1197 : i32 to index
        %get3A_1199 = arith.constant 192 : index
        %get3A_1200 = tpu.vector_load %arg10[%get3A_1198, %get3A_1199] {strides = array<i32>} : memref<128x256xf32, #tpu.memory_space<vmem>>, vector<1x16xf32>,
        %get3A_1201 = vector.shape_cast %get3A_1200 : vector<1x16xf32> to vector<16xf32>
        %sub3A_1202 = arith.subf %get3A_1195, %get3A_1201 : vector<16xf32>
        %max3A_1203 = arith.maximumf %max3A_1175, %sub3A_1202 : vector<16xf32>
        %add3A_1204 = arith.constant 6 : i32
        %add3A_1205 = arith.addi %mul3A_160, %add3A_1204 : i32
        %get3A_1206 = arith.index_cast %add3A_1205 : i32 to index
        %get3A_1207 = arith.constant 64 : index
        %get3A_1208 = tpu.vector_load %arg10[%get3A_1206, %get3A_1207] {strides = array<i32>} : memref<128x256xf32, #tpu.memory_space<vmem>>, vector<1x16xf32>,
        %get3A_1209 = vector.shape_cast %get3A_1208 : vector<1x16xf32> to vector<16xf32>
        %add3A_1210 = arith.constant 6 : i32
        %add3A_1211 = arith.addi %mul3A_160, %add3A_1210 : i32
        %get3A_1212 = arith.index_cast %add3A_1211 : i32 to index
        %get3A_1213 = arith.constant 192 : index
        %get3A_1214 = tpu.vector_load %arg11[%get3A_1212, %get3A_1213] {strides = array<i32>} : memref<128x256xf32, #tpu.memory_space<vmem>>, vector<1x16xf32>,
        %get3A_1215 = vector.shape_cast %get3A_1214 : vector<1x16xf32> to vector<16xf32>
        %sub3A_1216 = arith.subf %get3A_1209, %get3A_1215 : vector<16xf32>
        %max3A_1217 = arith.maximumf %max3A_1189, %sub3A_1216 : vector<16xf32>
        %add3A_1218 = arith.constant 6 : i32
        %add3A_1219 = arith.addi %mul3A_160, %add3A_1218 : i32
        %get3A_1220 = arith.index_cast %add3A_1219 : i32 to index
        %get3A_1221 = arith.constant 64 : index
        %get3A_1222 = tpu.vector_load %arg11[%get3A_1220, %get3A_1221] {strides = array<i32>} : memref<128x256xf32, #tpu.memory_space<vmem>>, vector<1x16xf32>,
        %get3A_1223 = vector.shape_cast %get3A_1222 : vector<1x16xf32> to vector<16xf32>
        %add3A_1224 = arith.constant 6 : i32
        %add3A_1225 = arith.addi %mul3A_160, %add3A_1224 : i32
        %get3A_1226 = arith.index_cast %add3A_1225 : i32 to index
        %get3A_1227 = arith.constant 192 : index
        %get3A_1228 = tpu.vector_load %arg10[%get3A_1226, %get3A_1227] {strides = array<i32>} : memref<128x256xf32, #tpu.memory_space<vmem>>, vector<1x16xf32>,
        %get3A_1229 = vector.shape_cast %get3A_1228 : vector<1x16xf32> to vector<16xf32>
        %sub3A_1230 = arith.subf %get3A_1223, %get3A_1229 : vector<16xf32>
        %max3A_1231 = arith.maximumf %max3A_1203, %sub3A_1230 : vector<16xf32>
        %add3A_1232 = arith.constant 7 : i32
        %add3A_1233 = arith.addi %mul3A_160, %add3A_1232 : i32
        %get3A_1234 = arith.index_cast %add3A_1233 : i32 to index
        %get3A_1235 = arith.constant 64 : index
        %get3A_1236 = tpu.vector_load %arg10[%get3A_1234, %get3A_1235] {strides = array<i32>} : memref<128x256xf32, #tpu.memory_space<vmem>>, vector<1x16xf32>,
        %get3A_1237 = vector.shape_cast %get3A_1236 : vector<1x16xf32> to vector<16xf32>
        %add3A_1238 = arith.constant 7 : i32
        %add3A_1239 = arith.addi %mul3A_160, %add3A_1238 : i32
        %get3A_1240 = arith.index_cast %add3A_1239 : i32 to index
        %get3A_1241 = arith.constant 192 : index
        %get3A_1242 = tpu.vector_load %arg11[%get3A_1240, %get3A_1241] {strides = array<i32>} : memref<128x256xf32, #tpu.memory_space<vmem>>, vector<1x16xf32>,
        %get3A_1243 = vector.shape_cast %get3A_1242 : vector<1x16xf32> to vector<16xf32>
        %sub3A_1244 = arith.subf %get3A_1237, %get3A_1243 : vector<16xf32>
        %max3A_1245 = arith.maximumf %max3A_1217, %sub3A_1244 : vector<16xf32>
        %add3A_1246 = arith.constant 7 : i32
        %add3A_1247 = arith.addi %mul3A_160, %add3A_1246 : i32
        %get3A_1248 = arith.index_cast %add3A_1247 : i32 to index
        %get3A_1249 = arith.constant 64 : index
        %get3A_1250 = tpu.vector_load %arg11[%get3A_1248, %get3A_1249] {strides = array<i32>} : memref<128x256xf32, #tpu.memory_space<vmem>>, vector<1x16xf32>,
        %get3A_1251 = vector.shape_cast %get3A_1250 : vector<1x16xf32> to vector<16xf32>
        %add3A_1252 = arith.constant 7 : i32
        %add3A_1253 = arith.addi %mul3A_160, %add3A_1252 : i32
        %get3A_1254 = arith.index_cast %add3A_1253 : i32 to index
        %get3A_1255 = arith.constant 192 : index
        %get3A_1256 = tpu.vector_load %arg10[%get3A_1254, %get3A_1255] {strides = array<i32>} : memref<128x256xf32, #tpu.memory_space<vmem>>, vector<1x16xf32>,
        %get3A_1257 = vector.shape_cast %get3A_1256 : vector<1x16xf32> to vector<16xf32>
        %sub3A_1258 = arith.subf %get3A_1251, %get3A_1257 : vector<16xf32>
        %max3A_1259 = arith.maximumf %max3A_1231, %sub3A_1258 : vector<16xf32>
        %max3A_1260 = arith.constant 0.000000e+00 : f32
        %max3A_1261 = vector.broadcast %max3A_1260 : f32 to vector<16xf32>
        %max3A_1262 = arith.maximumf %max3A_1245, %max3A_1261 : vector<16xf32>
        %add3A_1263 = arith.addf %scan3A_147, %max3A_1262 : vector<16xf32>
        %max3A_1264 = arith.constant 0.000000e+00 : f32
        %max3A_1265 = vector.broadcast %max3A_1264 : f32 to vector<16xf32>
        %max3A_1266 = arith.maximumf %max3A_1259, %max3A_1265 : vector<16xf32>
        %add3A_1267 = arith.addf %scan3A_155, %max3A_1266 : vector<16xf32>
        %get3A_1268 = arith.index_cast %mul3A_160 : i32 to index
        %get3A_1269 = arith.constant 80 : index
        %get3A_1270 = tpu.vector_load %arg10[%get3A_1268, %get3A_1269] {strides = array<i32>} : memref<128x256xf32, #tpu.memory_space<vmem>>, vector<1x16xf32>,
        %get3A_1271 = vector.shape_cast %get3A_1270 : vector<1x16xf32> to vector<16xf32>
        %get3A_1272 = arith.index_cast %mul3A_160 : i32 to index
        %get3A_1273 = arith.constant 208 : index
        %get3A_1274 = tpu.vector_load %arg11[%get3A_1272, %get3A_1273] {strides = array<i32>} : memref<128x256xf32, #tpu.memory_space<vmem>>, vector<1x16xf32>,
        %get3A_1275 = vector.shape_cast %get3A_1274 : vector<1x16xf32> to vector<16xf32>
        %sub3A_1276 = arith.subf %get3A_1271, %get3A_1275 : vector<16xf32>
        %get3A_1277 = arith.index_cast %mul3A_160 : i32 to index
        %get3A_1278 = arith.constant 80 : index
        %get3A_1279 = tpu.vector_load %arg11[%get3A_1277, %get3A_1278] {strides = array<i32>} : memref<128x256xf32, #tpu.memory_space<vmem>>, vector<1x16xf32>,
        %get3A_1280 = vector.shape_cast %get3A_1279 : vector<1x16xf32> to vector<16xf32>
        %get3A_1281 = arith.index_cast %mul3A_160 : i32 to index
        %get3A_1282 = arith.constant 208 : index
        %get3A_1283 = tpu.vector_load %arg10[%get3A_1281, %get3A_1282] {strides = array<i32>} : memref<128x256xf32, #tpu.memory_space<vmem>>, vector<1x16xf32>,
        %get3A_1284 = vector.shape_cast %get3A_1283 : vector<1x16xf32> to vector<16xf32>
        %sub3A_1285 = arith.subf %get3A_1280, %get3A_1284 : vector<16xf32>
        %add3A_1286 = arith.constant 1 : i32
        %add3A_1287 = arith.addi %mul3A_160, %add3A_1286 : i32
        %get3A_1288 = arith.index_cast %add3A_1287 : i32 to index
        %get3A_1289 = arith.constant 80 : index
        %get3A_1290 = tpu.vector_load %arg10[%get3A_1288, %get3A_1289] {strides = array<i32>} : memref<128x256xf32, #tpu.memory_space<vmem>>, vector<1x16xf32>,
        %get3A_1291 = vector.shape_cast %get3A_1290 : vector<1x16xf32> to vector<16xf32>
        %add3A_1292 = arith.constant 1 : i32
        %add3A_1293 = arith.addi %mul3A_160, %add3A_1292 : i32
        %get3A_1294 = arith.index_cast %add3A_1293 : i32 to index
        %get3A_1295 = arith.constant 208 : index
        %get3A_1296 = tpu.vector_load %arg11[%get3A_1294, %get3A_1295] {strides = array<i32>} : memref<128x256xf32, #tpu.memory_space<vmem>>, vector<1x16xf32>,
        %get3A_1297 = vector.shape_cast %get3A_1296 : vector<1x16xf32> to vector<16xf32>
        %sub3A_1298 = arith.subf %get3A_1291, %get3A_1297 : vector<16xf32>
        %max3A_1299 = arith.maximumf %sub3A_1276, %sub3A_1298 : vector<16xf32>
        %add3A_1300 = arith.constant 1 : i32
        %add3A_1301 = arith.addi %mul3A_160, %add3A_1300 : i32
        %get3A_1302 = arith.index_cast %add3A_1301 : i32 to index
        %get3A_1303 = arith.constant 80 : index
        %get3A_1304 = tpu.vector_load %arg11[%get3A_1302, %get3A_1303] {strides = array<i32>} : memref<128x256xf32, #tpu.memory_space<vmem>>, vector<1x16xf32>,
        %get3A_1305 = vector.shape_cast %get3A_1304 : vector<1x16xf32> to vector<16xf32>
        %add3A_1306 = arith.constant 1 : i32
        %add3A_1307 = arith.addi %mul3A_160, %add3A_1306 : i32
        %get3A_1308 = arith.index_cast %add3A_1307 : i32 to index
        %get3A_1309 = arith.constant 208 : index
        %get3A_1310 = tpu.vector_load %arg10[%get3A_1308, %get3A_1309] {strides = array<i32>} : memref<128x256xf32, #tpu.memory_space<vmem>>, vector<1x16xf32>,
        %get3A_1311 = vector.shape_cast %get3A_1310 : vector<1x16xf32> to vector<16xf32>
        %sub3A_1312 = arith.subf %get3A_1305, %get3A_1311 : vector<16xf32>
        %max3A_1313 = arith.maximumf %sub3A_1285, %sub3A_1312 : vector<16xf32>
        %add3A_1314 = arith.constant 2 : i32
        %add3A_1315 = arith.addi %mul3A_160, %add3A_1314 : i32
        %get3A_1316 = arith.index_cast %add3A_1315 : i32 to index
        %get3A_1317 = arith.constant 80 : index
        %get3A_1318 = tpu.vector_load %arg10[%get3A_1316, %get3A_1317] {strides = array<i32>} : memref<128x256xf32, #tpu.memory_space<vmem>>, vector<1x16xf32>,
        %get3A_1319 = vector.shape_cast %get3A_1318 : vector<1x16xf32> to vector<16xf32>
        %add3A_1320 = arith.constant 2 : i32
        %add3A_1321 = arith.addi %mul3A_160, %add3A_1320 : i32
        %get3A_1322 = arith.index_cast %add3A_1321 : i32 to index
        %get3A_1323 = arith.constant 208 : index
        %get3A_1324 = tpu.vector_load %arg11[%get3A_1322, %get3A_1323] {strides = array<i32>} : memref<128x256xf32, #tpu.memory_space<vmem>>, vector<1x16xf32>,
        %get3A_1325 = vector.shape_cast %get3A_1324 : vector<1x16xf32> to vector<16xf32>
        %sub3A_1326 = arith.subf %get3A_1319, %get3A_1325 : vector<16xf32>
        %max3A_1327 = arith.maximumf %max3A_1299, %sub3A_1326 : vector<16xf32>
        %add3A_1328 = arith.constant 2 : i32
        %add3A_1329 = arith.addi %mul3A_160, %add3A_1328 : i32
        %get3A_1330 = arith.index_cast %add3A_1329 : i32 to index
        %get3A_1331 = arith.constant 80 : index
        %get3A_1332 = tpu.vector_load %arg11[%get3A_1330, %get3A_1331] {strides = array<i32>} : memref<128x256xf32, #tpu.memory_space<vmem>>, vector<1x16xf32>,
        %get3A_1333 = vector.shape_cast %get3A_1332 : vector<1x16xf32> to vector<16xf32>
        %add3A_1334 = arith.constant 2 : i32
        %add3A_1335 = arith.addi %mul3A_160, %add3A_1334 : i32
        %get3A_1336 = arith.index_cast %add3A_1335 : i32 to index
        %get3A_1337 = arith.constant 208 : index
        %get3A_1338 = tpu.vector_load %arg10[%get3A_1336, %get3A_1337] {strides = array<i32>} : memref<128x256xf32, #tpu.memory_space<vmem>>, vector<1x16xf32>,
        %get3A_1339 = vector.shape_cast %get3A_1338 : vector<1x16xf32> to vector<16xf32>
        %sub3A_1340 = arith.subf %get3A_1333, %get3A_1339 : vector<16xf32>
        %max3A_1341 = arith.maximumf %max3A_1313, %sub3A_1340 : vector<16xf32>
        %add3A_1342 = arith.constant 3 : i32
        %add3A_1343 = arith.addi %mul3A_160, %add3A_1342 : i32
        %get3A_1344 = arith.index_cast %add3A_1343 : i32 to index
        %get3A_1345 = arith.constant 80 : index
        %get3A_1346 = tpu.vector_load %arg10[%get3A_1344, %get3A_1345] {strides = array<i32>} : memref<128x256xf32, #tpu.memory_space<vmem>>, vector<1x16xf32>,
        %get3A_1347 = vector.shape_cast %get3A_1346 : vector<1x16xf32> to vector<16xf32>
        %add3A_1348 = arith.constant 3 : i32
        %add3A_1349 = arith.addi %mul3A_160, %add3A_1348 : i32
        %get3A_1350 = arith.index_cast %add3A_1349 : i32 to index
        %get3A_1351 = arith.constant 208 : index
        %get3A_1352 = tpu.vector_load %arg11[%get3A_1350, %get3A_1351] {strides = array<i32>} : memref<128x256xf32, #tpu.memory_space<vmem>>, vector<1x16xf32>,
        %get3A_1353 = vector.shape_cast %get3A_1352 : vector<1x16xf32> to vector<16xf32>
        %sub3A_1354 = arith.subf %get3A_1347, %get3A_1353 : vector<16xf32>
        %max3A_1355 = arith.maximumf %max3A_1327, %sub3A_1354 : vector<16xf32>
        %add3A_1356 = arith.constant 3 : i32
        %add3A_1357 = arith.addi %mul3A_160, %add3A_1356 : i32
        %get3A_1358 = arith.index_cast %add3A_1357 : i32 to index
        %get3A_1359 = arith.constant 80 : index
        %get3A_1360 = tpu.vector_load %arg11[%get3A_1358, %get3A_1359] {strides = array<i32>} : memref<128x256xf32, #tpu.memory_space<vmem>>, vector<1x16xf32>,
        %get3A_1361 = vector.shape_cast %get3A_1360 : vector<1x16xf32> to vector<16xf32>
        %add3A_1362 = arith.constant 3 : i32
        %add3A_1363 = arith.addi %mul3A_160, %add3A_1362 : i32
        %get3A_1364 = arith.index_cast %add3A_1363 : i32 to index
        %get3A_1365 = arith.constant 208 : index
        %get3A_1366 = tpu.vector_load %arg10[%get3A_1364, %get3A_1365] {strides = array<i32>} : memref<128x256xf32, #tpu.memory_space<vmem>>, vector<1x16xf32>,
        %get3A_1367 = vector.shape_cast %get3A_1366 : vector<1x16xf32> to vector<16xf32>
        %sub3A_1368 = arith.subf %get3A_1361, %get3A_1367 : vector<16xf32>
        %max3A_1369 = arith.maximumf %max3A_1341, %sub3A_1368 : vector<16xf32>
        %add3A_1370 = arith.constant 4 : i32
        %add3A_1371 = arith.addi %mul3A_160, %add3A_1370 : i32
        %get3A_1372 = arith.index_cast %add3A_1371 : i32 to index
        %get3A_1373 = arith.constant 80 : index
        %get3A_1374 = tpu.vector_load %arg10[%get3A_1372, %get3A_1373] {strides = array<i32>} : memref<128x256xf32, #tpu.memory_space<vmem>>, vector<1x16xf32>,
        %get3A_1375 = vector.shape_cast %get3A_1374 : vector<1x16xf32> to vector<16xf32>
        %add3A_1376 = arith.constant 4 : i32
        %add3A_1377 = arith.addi %mul3A_160, %add3A_1376 : i32
        %get3A_1378 = arith.index_cast %add3A_1377 : i32 to index
        %get3A_1379 = arith.constant 208 : index
        %get3A_1380 = tpu.vector_load %arg11[%get3A_1378, %get3A_1379] {strides = array<i32>} : memref<128x256xf32, #tpu.memory_space<vmem>>, vector<1x16xf32>,
        %get3A_1381 = vector.shape_cast %get3A_1380 : vector<1x16xf32> to vector<16xf32>
        %sub3A_1382 = arith.subf %get3A_1375, %get3A_1381 : vector<16xf32>
        %max3A_1383 = arith.maximumf %max3A_1355, %sub3A_1382 : vector<16xf32>
        %add3A_1384 = arith.constant 4 : i32
        %add3A_1385 = arith.addi %mul3A_160, %add3A_1384 : i32
        %get3A_1386 = arith.index_cast %add3A_1385 : i32 to index
        %get3A_1387 = arith.constant 80 : index
        %get3A_1388 = tpu.vector_load %arg11[%get3A_1386, %get3A_1387] {strides = array<i32>} : memref<128x256xf32, #tpu.memory_space<vmem>>, vector<1x16xf32>,
        %get3A_1389 = vector.shape_cast %get3A_1388 : vector<1x16xf32> to vector<16xf32>
        %add3A_1390 = arith.constant 4 : i32
        %add3A_1391 = arith.addi %mul3A_160, %add3A_1390 : i32
        %get3A_1392 = arith.index_cast %add3A_1391 : i32 to index
        %get3A_1393 = arith.constant 208 : index
        %get3A_1394 = tpu.vector_load %arg10[%get3A_1392, %get3A_1393] {strides = array<i32>} : memref<128x256xf32, #tpu.memory_space<vmem>>, vector<1x16xf32>,
        %get3A_1395 = vector.shape_cast %get3A_1394 : vector<1x16xf32> to vector<16xf32>
        %sub3A_1396 = arith.subf %get3A_1389, %get3A_1395 : vector<16xf32>
        %max3A_1397 = arith.maximumf %max3A_1369, %sub3A_1396 : vector<16xf32>
        %add3A_1398 = arith.constant 5 : i32
        %add3A_1399 = arith.addi %mul3A_160, %add3A_1398 : i32
        %get3A_1400 = arith.index_cast %add3A_1399 : i32 to index
        %get3A_1401 = arith.constant 80 : index
        %get3A_1402 = tpu.vector_load %arg10[%get3A_1400, %get3A_1401] {strides = array<i32>} : memref<128x256xf32, #tpu.memory_space<vmem>>, vector<1x16xf32>,
        %get3A_1403 = vector.shape_cast %get3A_1402 : vector<1x16xf32> to vector<16xf32>
        %add3A_1404 = arith.constant 5 : i32
        %add3A_1405 = arith.addi %mul3A_160, %add3A_1404 : i32
        %get3A_1406 = arith.index_cast %add3A_1405 : i32 to index
        %get3A_1407 = arith.constant 208 : index
        %get3A_1408 = tpu.vector_load %arg11[%get3A_1406, %get3A_1407] {strides = array<i32>} : memref<128x256xf32, #tpu.memory_space<vmem>>, vector<1x16xf32>,
        %get3A_1409 = vector.shape_cast %get3A_1408 : vector<1x16xf32> to vector<16xf32>
        %sub3A_1410 = arith.subf %get3A_1403, %get3A_1409 : vector<16xf32>
        %max3A_1411 = arith.maximumf %max3A_1383, %sub3A_1410 : vector<16xf32>
        %add3A_1412 = arith.constant 5 : i32
        %add3A_1413 = arith.addi %mul3A_160, %add3A_1412 : i32
        %get3A_1414 = arith.index_cast %add3A_1413 : i32 to index
        %get3A_1415 = arith.constant 80 : index
        %get3A_1416 = tpu.vector_load %arg11[%get3A_1414, %get3A_1415] {strides = array<i32>} : memref<128x256xf32, #tpu.memory_space<vmem>>, vector<1x16xf32>,
        %get3A_1417 = vector.shape_cast %get3A_1416 : vector<1x16xf32> to vector<16xf32>
        %add3A_1418 = arith.constant 5 : i32
        %add3A_1419 = arith.addi %mul3A_160, %add3A_1418 : i32
        %get3A_1420 = arith.index_cast %add3A_1419 : i32 to index
        %get3A_1421 = arith.constant 208 : index
        %get3A_1422 = tpu.vector_load %arg10[%get3A_1420, %get3A_1421] {strides = array<i32>} : memref<128x256xf32, #tpu.memory_space<vmem>>, vector<1x16xf32>,
        %get3A_1423 = vector.shape_cast %get3A_1422 : vector<1x16xf32> to vector<16xf32>
        %sub3A_1424 = arith.subf %get3A_1417, %get3A_1423 : vector<16xf32>
        %max3A_1425 = arith.maximumf %max3A_1397, %sub3A_1424 : vector<16xf32>
        %add3A_1426 = arith.constant 6 : i32
        %add3A_1427 = arith.addi %mul3A_160, %add3A_1426 : i32
        %get3A_1428 = arith.index_cast %add3A_1427 : i32 to index
        %get3A_1429 = arith.constant 80 : index
        %get3A_1430 = tpu.vector_load %arg10[%get3A_1428, %get3A_1429] {strides = array<i32>} : memref<128x256xf32, #tpu.memory_space<vmem>>, vector<1x16xf32>,
        %get3A_1431 = vector.shape_cast %get3A_1430 : vector<1x16xf32> to vector<16xf32>
        %add3A_1432 = arith.constant 6 : i32
        %add3A_1433 = arith.addi %mul3A_160, %add3A_1432 : i32
        %get3A_1434 = arith.index_cast %add3A_1433 : i32 to index
        %get3A_1435 = arith.constant 208 : index
        %get3A_1436 = tpu.vector_load %arg11[%get3A_1434, %get3A_1435] {strides = array<i32>} : memref<128x256xf32, #tpu.memory_space<vmem>>, vector<1x16xf32>,
        %get3A_1437 = vector.shape_cast %get3A_1436 : vector<1x16xf32> to vector<16xf32>
        %sub3A_1438 = arith.subf %get3A_1431, %get3A_1437 : vector<16xf32>
        %max3A_1439 = arith.maximumf %max3A_1411, %sub3A_1438 : vector<16xf32>
        %add3A_1440 = arith.constant 6 : i32
        %add3A_1441 = arith.addi %mul3A_160, %add3A_1440 : i32
        %get3A_1442 = arith.index_cast %add3A_1441 : i32 to index
        %get3A_1443 = arith.constant 80 : index
        %get3A_1444 = tpu.vector_load %arg11[%get3A_1442, %get3A_1443] {strides = array<i32>} : memref<128x256xf32, #tpu.memory_space<vmem>>, vector<1x16xf32>,
        %get3A_1445 = vector.shape_cast %get3A_1444 : vector<1x16xf32> to vector<16xf32>
        %add3A_1446 = arith.constant 6 : i32
        %add3A_1447 = arith.addi %mul3A_160, %add3A_1446 : i32
        %get3A_1448 = arith.index_cast %add3A_1447 : i32 to index
        %get3A_1449 = arith.constant 208 : index
        %get3A_1450 = tpu.vector_load %arg10[%get3A_1448, %get3A_1449] {strides = array<i32>} : memref<128x256xf32, #tpu.memory_space<vmem>>, vector<1x16xf32>,
        %get3A_1451 = vector.shape_cast %get3A_1450 : vector<1x16xf32> to vector<16xf32>
        %sub3A_1452 = arith.subf %get3A_1445, %get3A_1451 : vector<16xf32>
        %max3A_1453 = arith.maximumf %max3A_1425, %sub3A_1452 : vector<16xf32>
        %add3A_1454 = arith.constant 7 : i32
        %add3A_1455 = arith.addi %mul3A_160, %add3A_1454 : i32
        %get3A_1456 = arith.index_cast %add3A_1455 : i32 to index
        %get3A_1457 = arith.constant 80 : index
        %get3A_1458 = tpu.vector_load %arg10[%get3A_1456, %get3A_1457] {strides = array<i32>} : memref<128x256xf32, #tpu.memory_space<vmem>>, vector<1x16xf32>,
        %get3A_1459 = vector.shape_cast %get3A_1458 : vector<1x16xf32> to vector<16xf32>
        %add3A_1460 = arith.constant 7 : i32
        %add3A_1461 = arith.addi %mul3A_160, %add3A_1460 : i32
        %get3A_1462 = arith.index_cast %add3A_1461 : i32 to index
        %get3A_1463 = arith.constant 208 : index
        %get3A_1464 = tpu.vector_load %arg11[%get3A_1462, %get3A_1463] {strides = array<i32>} : memref<128x256xf32, #tpu.memory_space<vmem>>, vector<1x16xf32>,
        %get3A_1465 = vector.shape_cast %get3A_1464 : vector<1x16xf32> to vector<16xf32>
        %sub3A_1466 = arith.subf %get3A_1459, %get3A_1465 : vector<16xf32>
        %max3A_1467 = arith.maximumf %max3A_1439, %sub3A_1466 : vector<16xf32>
        %add3A_1468 = arith.constant 7 : i32
        %add3A_1469 = arith.addi %mul3A_160, %add3A_1468 : i32
        %get3A_1470 = arith.index_cast %add3A_1469 : i32 to index
        %get3A_1471 = arith.constant 80 : index
        %get3A_1472 = tpu.vector_load %arg11[%get3A_1470, %get3A_1471] {strides = array<i32>} : memref<128x256xf32, #tpu.memory_space<vmem>>, vector<1x16xf32>,
        %get3A_1473 = vector.shape_cast %get3A_1472 : vector<1x16xf32> to vector<16xf32>
        %add3A_1474 = arith.constant 7 : i32
        %add3A_1475 = arith.addi %mul3A_160, %add3A_1474 : i32
        %get3A_1476 = arith.index_cast %add3A_1475 : i32 to index
        %get3A_1477 = arith.constant 208 : index
        %get3A_1478 = tpu.vector_load %arg10[%get3A_1476, %get3A_1477] {strides = array<i32>} : memref<128x256xf32, #tpu.memory_space<vmem>>, vector<1x16xf32>,
        %get3A_1479 = vector.shape_cast %get3A_1478 : vector<1x16xf32> to vector<16xf32>
        %sub3A_1480 = arith.subf %get3A_1473, %get3A_1479 : vector<16xf32>
        %max3A_1481 = arith.maximumf %max3A_1453, %sub3A_1480 : vector<16xf32>
        %max3A_1482 = arith.constant 0.000000e+00 : f32
        %max3A_1483 = vector.broadcast %max3A_1482 : f32 to vector<16xf32>
        %max3A_1484 = arith.maximumf %max3A_1467, %max3A_1483 : vector<16xf32>
        %add3A_1485 = arith.addf %scan3A_148, %max3A_1484 : vector<16xf32>
        %max3A_1486 = arith.constant 0.000000e+00 : f32
        %max3A_1487 = vector.broadcast %max3A_1486 : f32 to vector<16xf32>
        %max3A_1488 = arith.maximumf %max3A_1481, %max3A_1487 : vector<16xf32>
        %add3A_1489 = arith.addf %scan3A_156, %max3A_1488 : vector<16xf32>
        %get3A_1490 = arith.index_cast %mul3A_160 : i32 to index
        %get3A_1491 = arith.constant 96 : index
        %get3A_1492 = tpu.vector_load %arg10[%get3A_1490, %get3A_1491] {strides = array<i32>} : memref<128x256xf32, #tpu.memory_space<vmem>>, vector<1x16xf32>,
        %get3A_1493 = vector.shape_cast %get3A_1492 : vector<1x16xf32> to vector<16xf32>
        %get3A_1494 = arith.index_cast %mul3A_160 : i32 to index
        %get3A_1495 = arith.constant 224 : index
        %get3A_1496 = tpu.vector_load %arg11[%get3A_1494, %get3A_1495] {strides = array<i32>} : memref<128x256xf32, #tpu.memory_space<vmem>>, vector<1x16xf32>,
        %get3A_1497 = vector.shape_cast %get3A_1496 : vector<1x16xf32> to vector<16xf32>
        %sub3A_1498 = arith.subf %get3A_1493, %get3A_1497 : vector<16xf32>
        %get3A_1499 = arith.index_cast %mul3A_160 : i32 to index
        %get3A_1500 = arith.constant 96 : index
        %get3A_1501 = tpu.vector_load %arg11[%get3A_1499, %get3A_1500] {strides = array<i32>} : memref<128x256xf32, #tpu.memory_space<vmem>>, vector<1x16xf32>,
        %get3A_1502 = vector.shape_cast %get3A_1501 : vector<1x16xf32> to vector<16xf32>
        %get3A_1503 = arith.index_cast %mul3A_160 : i32 to index
        %get3A_1504 = arith.constant 224 : index
        %get3A_1505 = tpu.vector_load %arg10[%get3A_1503, %get3A_1504] {strides = array<i32>} : memref<128x256xf32, #tpu.memory_space<vmem>>, vector<1x16xf32>,
        %get3A_1506 = vector.shape_cast %get3A_1505 : vector<1x16xf32> to vector<16xf32>
        %sub3A_1507 = arith.subf %get3A_1502, %get3A_1506 : vector<16xf32>
        %add3A_1508 = arith.constant 1 : i32
        %add3A_1509 = arith.addi %mul3A_160, %add3A_1508 : i32
        %get3A_1510 = arith.index_cast %add3A_1509 : i32 to index
        %get3A_1511 = arith.constant 96 : index
        %get3A_1512 = tpu.vector_load %arg10[%get3A_1510, %get3A_1511] {strides = array<i32>} : memref<128x256xf32, #tpu.memory_space<vmem>>, vector<1x16xf32>,
        %get3A_1513 = vector.shape_cast %get3A_1512 : vector<1x16xf32> to vector<16xf32>
        %add3A_1514 = arith.constant 1 : i32
        %add3A_1515 = arith.addi %mul3A_160, %add3A_1514 : i32
        %get3A_1516 = arith.index_cast %add3A_1515 : i32 to index
        %get3A_1517 = arith.constant 224 : index
        %get3A_1518 = tpu.vector_load %arg11[%get3A_1516, %get3A_1517] {strides = array<i32>} : memref<128x256xf32, #tpu.memory_space<vmem>>, vector<1x16xf32>,
        %get3A_1519 = vector.shape_cast %get3A_1518 : vector<1x16xf32> to vector<16xf32>
        %sub3A_1520 = arith.subf %get3A_1513, %get3A_1519 : vector<16xf32>
        %max3A_1521 = arith.maximumf %sub3A_1498, %sub3A_1520 : vector<16xf32>
        %add3A_1522 = arith.constant 1 : i32
        %add3A_1523 = arith.addi %mul3A_160, %add3A_1522 : i32
        %get3A_1524 = arith.index_cast %add3A_1523 : i32 to index
        %get3A_1525 = arith.constant 96 : index
        %get3A_1526 = tpu.vector_load %arg11[%get3A_1524, %get3A_1525] {strides = array<i32>} : memref<128x256xf32, #tpu.memory_space<vmem>>, vector<1x16xf32>,
        %get3A_1527 = vector.shape_cast %get3A_1526 : vector<1x16xf32> to vector<16xf32>
        %add3A_1528 = arith.constant 1 : i32
        %add3A_1529 = arith.addi %mul3A_160, %add3A_1528 : i32
        %get3A_1530 = arith.index_cast %add3A_1529 : i32 to index
        %get3A_1531 = arith.constant 224 : index
        %get3A_1532 = tpu.vector_load %arg10[%get3A_1530, %get3A_1531] {strides = array<i32>} : memref<128x256xf32, #tpu.memory_space<vmem>>, vector<1x16xf32>,
        %get3A_1533 = vector.shape_cast %get3A_1532 : vector<1x16xf32> to vector<16xf32>
        %sub3A_1534 = arith.subf %get3A_1527, %get3A_1533 : vector<16xf32>
        %max3A_1535 = arith.maximumf %sub3A_1507, %sub3A_1534 : vector<16xf32>
        %add3A_1536 = arith.constant 2 : i32
        %add3A_1537 = arith.addi %mul3A_160, %add3A_1536 : i32
        %get3A_1538 = arith.index_cast %add3A_1537 : i32 to index
        %get3A_1539 = arith.constant 96 : index
        %get3A_1540 = tpu.vector_load %arg10[%get3A_1538, %get3A_1539] {strides = array<i32>} : memref<128x256xf32, #tpu.memory_space<vmem>>, vector<1x16xf32>,
        %get3A_1541 = vector.shape_cast %get3A_1540 : vector<1x16xf32> to vector<16xf32>
        %add3A_1542 = arith.constant 2 : i32
        %add3A_1543 = arith.addi %mul3A_160, %add3A_1542 : i32
        %get3A_1544 = arith.index_cast %add3A_1543 : i32 to index
        %get3A_1545 = arith.constant 224 : index
        %get3A_1546 = tpu.vector_load %arg11[%get3A_1544, %get3A_1545] {strides = array<i32>} : memref<128x256xf32, #tpu.memory_space<vmem>>, vector<1x16xf32>,
        %get3A_1547 = vector.shape_cast %get3A_1546 : vector<1x16xf32> to vector<16xf32>
        %sub3A_1548 = arith.subf %get3A_1541, %get3A_1547 : vector<16xf32>
        %max3A_1549 = arith.maximumf %max3A_1521, %sub3A_1548 : vector<16xf32>
        %add3A_1550 = arith.constant 2 : i32
        %add3A_1551 = arith.addi %mul3A_160, %add3A_1550 : i32
        %get3A_1552 = arith.index_cast %add3A_1551 : i32 to index
        %get3A_1553 = arith.constant 96 : index
        %get3A_1554 = tpu.vector_load %arg11[%get3A_1552, %get3A_1553] {strides = array<i32>} : memref<128x256xf32, #tpu.memory_space<vmem>>, vector<1x16xf32>,
        %get3A_1555 = vector.shape_cast %get3A_1554 : vector<1x16xf32> to vector<16xf32>
        %add3A_1556 = arith.constant 2 : i32
        %add3A_1557 = arith.addi %mul3A_160, %add3A_1556 : i32
        %get3A_1558 = arith.index_cast %add3A_1557 : i32 to index
        %get3A_1559 = arith.constant 224 : index
        %get3A_1560 = tpu.vector_load %arg10[%get3A_1558, %get3A_1559] {strides = array<i32>} : memref<128x256xf32, #tpu.memory_space<vmem>>, vector<1x16xf32>,
        %get3A_1561 = vector.shape_cast %get3A_1560 : vector<1x16xf32> to vector<16xf32>
        %sub3A_1562 = arith.subf %get3A_1555, %get3A_1561 : vector<16xf32>
        %max3A_1563 = arith.maximumf %max3A_1535, %sub3A_1562 : vector<16xf32>
        %add3A_1564 = arith.constant 3 : i32
        %add3A_1565 = arith.addi %mul3A_160, %add3A_1564 : i32
        %get3A_1566 = arith.index_cast %add3A_1565 : i32 to index
        %get3A_1567 = arith.constant 96 : index
        %get3A_1568 = tpu.vector_load %arg10[%get3A_1566, %get3A_1567] {strides = array<i32>} : memref<128x256xf32, #tpu.memory_space<vmem>>, vector<1x16xf32>,
        %get3A_1569 = vector.shape_cast %get3A_1568 : vector<1x16xf32> to vector<16xf32>
        %add3A_1570 = arith.constant 3 : i32
        %add3A_1571 = arith.addi %mul3A_160, %add3A_1570 : i32
        %get3A_1572 = arith.index_cast %add3A_1571 : i32 to index
        %get3A_1573 = arith.constant 224 : index
        %get3A_1574 = tpu.vector_load %arg11[%get3A_1572, %get3A_1573] {strides = array<i32>} : memref<128x256xf32, #tpu.memory_space<vmem>>, vector<1x16xf32>,
        %get3A_1575 = vector.shape_cast %get3A_1574 : vector<1x16xf32> to vector<16xf32>
        %sub3A_1576 = arith.subf %get3A_1569, %get3A_1575 : vector<16xf32>
        %max3A_1577 = arith.maximumf %max3A_1549, %sub3A_1576 : vector<16xf32>
        %add3A_1578 = arith.constant 3 : i32
        %add3A_1579 = arith.addi %mul3A_160, %add3A_1578 : i32
        %get3A_1580 = arith.index_cast %add3A_1579 : i32 to index
        %get3A_1581 = arith.constant 96 : index
        %get3A_1582 = tpu.vector_load %arg11[%get3A_1580, %get3A_1581] {strides = array<i32>} : memref<128x256xf32, #tpu.memory_space<vmem>>, vector<1x16xf32>,
        %get3A_1583 = vector.shape_cast %get3A_1582 : vector<1x16xf32> to vector<16xf32>
        %add3A_1584 = arith.constant 3 : i32
        %add3A_1585 = arith.addi %mul3A_160, %add3A_1584 : i32
        %get3A_1586 = arith.index_cast %add3A_1585 : i32 to index
        %get3A_1587 = arith.constant 224 : index
        %get3A_1588 = tpu.vector_load %arg10[%get3A_1586, %get3A_1587] {strides = array<i32>} : memref<128x256xf32, #tpu.memory_space<vmem>>, vector<1x16xf32>,
        %get3A_1589 = vector.shape_cast %get3A_1588 : vector<1x16xf32> to vector<16xf32>
        %sub3A_1590 = arith.subf %get3A_1583, %get3A_1589 : vector<16xf32>
        %max3A_1591 = arith.maximumf %max3A_1563, %sub3A_1590 : vector<16xf32>
        %add3A_1592 = arith.constant 4 : i32
        %add3A_1593 = arith.addi %mul3A_160, %add3A_1592 : i32
        %get3A_1594 = arith.index_cast %add3A_1593 : i32 to index
        %get3A_1595 = arith.constant 96 : index
        %get3A_1596 = tpu.vector_load %arg10[%get3A_1594, %get3A_1595] {strides = array<i32>} : memref<128x256xf32, #tpu.memory_space<vmem>>, vector<1x16xf32>,
        %get3A_1597 = vector.shape_cast %get3A_1596 : vector<1x16xf32> to vector<16xf32>
        %add3A_1598 = arith.constant 4 : i32
        %add3A_1599 = arith.addi %mul3A_160, %add3A_1598 : i32
        %get3A_1600 = arith.index_cast %add3A_1599 : i32 to index
        %get3A_1601 = arith.constant 224 : index
        %get3A_1602 = tpu.vector_load %arg11[%get3A_1600, %get3A_1601] {strides = array<i32>} : memref<128x256xf32, #tpu.memory_space<vmem>>, vector<1x16xf32>,
        %get3A_1603 = vector.shape_cast %get3A_1602 : vector<1x16xf32> to vector<16xf32>
        %sub3A_1604 = arith.subf %get3A_1597, %get3A_1603 : vector<16xf32>
        %max3A_1605 = arith.maximumf %max3A_1577, %sub3A_1604 : vector<16xf32>
        %add3A_1606 = arith.constant 4 : i32
        %add3A_1607 = arith.addi %mul3A_160, %add3A_1606 : i32
        %get3A_1608 = arith.index_cast %add3A_1607 : i32 to index
        %get3A_1609 = arith.constant 96 : index
        %get3A_1610 = tpu.vector_load %arg11[%get3A_1608, %get3A_1609] {strides = array<i32>} : memref<128x256xf32, #tpu.memory_space<vmem>>, vector<1x16xf32>,
        %get3A_1611 = vector.shape_cast %get3A_1610 : vector<1x16xf32> to vector<16xf32>
        %add3A_1612 = arith.constant 4 : i32
        %add3A_1613 = arith.addi %mul3A_160, %add3A_1612 : i32
        %get3A_1614 = arith.index_cast %add3A_1613 : i32 to index
        %get3A_1615 = arith.constant 224 : index
        %get3A_1616 = tpu.vector_load %arg10[%get3A_1614, %get3A_1615] {strides = array<i32>} : memref<128x256xf32, #tpu.memory_space<vmem>>, vector<1x16xf32>,
        %get3A_1617 = vector.shape_cast %get3A_1616 : vector<1x16xf32> to vector<16xf32>
        %sub3A_1618 = arith.subf %get3A_1611, %get3A_1617 : vector<16xf32>
        %max3A_1619 = arith.maximumf %max3A_1591, %sub3A_1618 : vector<16xf32>
        %add3A_1620 = arith.constant 5 : i32
        %add3A_1621 = arith.addi %mul3A_160, %add3A_1620 : i32
        %get3A_1622 = arith.index_cast %add3A_1621 : i32 to index
        %get3A_1623 = arith.constant 96 : index
        %get3A_1624 = tpu.vector_load %arg10[%get3A_1622, %get3A_1623] {strides = array<i32>} : memref<128x256xf32, #tpu.memory_space<vmem>>, vector<1x16xf32>,
        %get3A_1625 = vector.shape_cast %get3A_1624 : vector<1x16xf32> to vector<16xf32>
        %add3A_1626 = arith.constant 5 : i32
        %add3A_1627 = arith.addi %mul3A_160, %add3A_1626 : i32
        %get3A_1628 = arith.index_cast %add3A_1627 : i32 to index
        %get3A_1629 = arith.constant 224 : index
        %get3A_1630 = tpu.vector_load %arg11[%get3A_1628, %get3A_1629] {strides = array<i32>} : memref<128x256xf32, #tpu.memory_space<vmem>>, vector<1x16xf32>,
        %get3A_1631 = vector.shape_cast %get3A_1630 : vector<1x16xf32> to vector<16xf32>
        %sub3A_1632 = arith.subf %get3A_1625, %get3A_1631 : vector<16xf32>
        %max3A_1633 = arith.maximumf %max3A_1605, %sub3A_1632 : vector<16xf32>
        %add3A_1634 = arith.constant 5 : i32
        %add3A_1635 = arith.addi %mul3A_160, %add3A_1634 : i32
        %get3A_1636 = arith.index_cast %add3A_1635 : i32 to index
        %get3A_1637 = arith.constant 96 : index
        %get3A_1638 = tpu.vector_load %arg11[%get3A_1636, %get3A_1637] {strides = array<i32>} : memref<128x256xf32, #tpu.memory_space<vmem>>, vector<1x16xf32>,
        %get3A_1639 = vector.shape_cast %get3A_1638 : vector<1x16xf32> to vector<16xf32>
        %add3A_1640 = arith.constant 5 : i32
        %add3A_1641 = arith.addi %mul3A_160, %add3A_1640 : i32
        %get3A_1642 = arith.index_cast %add3A_1641 : i32 to index
        %get3A_1643 = arith.constant 224 : index
        %get3A_1644 = tpu.vector_load %arg10[%get3A_1642, %get3A_1643] {strides = array<i32>} : memref<128x256xf32, #tpu.memory_space<vmem>>, vector<1x16xf32>,
        %get3A_1645 = vector.shape_cast %get3A_1644 : vector<1x16xf32> to vector<16xf32>
        %sub3A_1646 = arith.subf %get3A_1639, %get3A_1645 : vector<16xf32>
        %max3A_1647 = arith.maximumf %max3A_1619, %sub3A_1646 : vector<16xf32>
        %add3A_1648 = arith.constant 6 : i32
        %add3A_1649 = arith.addi %mul3A_160, %add3A_1648 : i32
        %get3A_1650 = arith.index_cast %add3A_1649 : i32 to index
        %get3A_1651 = arith.constant 96 : index
        %get3A_1652 = tpu.vector_load %arg10[%get3A_1650, %get3A_1651] {strides = array<i32>} : memref<128x256xf32, #tpu.memory_space<vmem>>, vector<1x16xf32>,
        %get3A_1653 = vector.shape_cast %get3A_1652 : vector<1x16xf32> to vector<16xf32>
        %add3A_1654 = arith.constant 6 : i32
        %add3A_1655 = arith.addi %mul3A_160, %add3A_1654 : i32
        %get3A_1656 = arith.index_cast %add3A_1655 : i32 to index
        %get3A_1657 = arith.constant 224 : index
        %get3A_1658 = tpu.vector_load %arg11[%get3A_1656, %get3A_1657] {strides = array<i32>} : memref<128x256xf32, #tpu.memory_space<vmem>>, vector<1x16xf32>,
        %get3A_1659 = vector.shape_cast %get3A_1658 : vector<1x16xf32> to vector<16xf32>
        %sub3A_1660 = arith.subf %get3A_1653, %get3A_1659 : vector<16xf32>
        %max3A_1661 = arith.maximumf %max3A_1633, %sub3A_1660 : vector<16xf32>
        %add3A_1662 = arith.constant 6 : i32
        %add3A_1663 = arith.addi %mul3A_160, %add3A_1662 : i32
        %get3A_1664 = arith.index_cast %add3A_1663 : i32 to index
        %get3A_1665 = arith.constant 96 : index
        %get3A_1666 = tpu.vector_load %arg11[%get3A_1664, %get3A_1665] {strides = array<i32>} : memref<128x256xf32, #tpu.memory_space<vmem>>, vector<1x16xf32>,
        %get3A_1667 = vector.shape_cast %get3A_1666 : vector<1x16xf32> to vector<16xf32>
        %add3A_1668 = arith.constant 6 : i32
        %add3A_1669 = arith.addi %mul3A_160, %add3A_1668 : i32
        %get3A_1670 = arith.index_cast %add3A_1669 : i32 to index
        %get3A_1671 = arith.constant 224 : index
        %get3A_1672 = tpu.vector_load %arg10[%get3A_1670, %get3A_1671] {strides = array<i32>} : memref<128x256xf32, #tpu.memory_space<vmem>>, vector<1x16xf32>,
        %get3A_1673 = vector.shape_cast %get3A_1672 : vector<1x16xf32> to vector<16xf32>
        %sub3A_1674 = arith.subf %get3A_1667, %get3A_1673 : vector<16xf32>
        %max3A_1675 = arith.maximumf %max3A_1647, %sub3A_1674 : vector<16xf32>
        %add3A_1676 = arith.constant 7 : i32
        %add3A_1677 = arith.addi %mul3A_160, %add3A_1676 : i32
        %get3A_1678 = arith.index_cast %add3A_1677 : i32 to index
        %get3A_1679 = arith.constant 96 : index
        %get3A_1680 = tpu.vector_load %arg10[%get3A_1678, %get3A_1679] {strides = array<i32>} : memref<128x256xf32, #tpu.memory_space<vmem>>, vector<1x16xf32>,
        %get3A_1681 = vector.shape_cast %get3A_1680 : vector<1x16xf32> to vector<16xf32>
        %add3A_1682 = arith.constant 7 : i32
        %add3A_1683 = arith.addi %mul3A_160, %add3A_1682 : i32
        %get3A_1684 = arith.index_cast %add3A_1683 : i32 to index
        %get3A_1685 = arith.constant 224 : index
        %get3A_1686 = tpu.vector_load %arg11[%get3A_1684, %get3A_1685] {strides = array<i32>} : memref<128x256xf32, #tpu.memory_space<vmem>>, vector<1x16xf32>,
        %get3A_1687 = vector.shape_cast %get3A_1686 : vector<1x16xf32> to vector<16xf32>
        %sub3A_1688 = arith.subf %get3A_1681, %get3A_1687 : vector<16xf32>
        %max3A_1689 = arith.maximumf %max3A_1661, %sub3A_1688 : vector<16xf32>
        %add3A_1690 = arith.constant 7 : i32
        %add3A_1691 = arith.addi %mul3A_160, %add3A_1690 : i32
        %get3A_1692 = arith.index_cast %add3A_1691 : i32 to index
        %get3A_1693 = arith.constant 96 : index
        %get3A_1694 = tpu.vector_load %arg11[%get3A_1692, %get3A_1693] {strides = array<i32>} : memref<128x256xf32, #tpu.memory_space<vmem>>, vector<1x16xf32>,
        %get3A_1695 = vector.shape_cast %get3A_1694 : vector<1x16xf32> to vector<16xf32>
        %add3A_1696 = arith.constant 7 : i32
        %add3A_1697 = arith.addi %mul3A_160, %add3A_1696 : i32
        %get3A_1698 = arith.index_cast %add3A_1697 : i32 to index
        %get3A_1699 = arith.constant 224 : index
        %get3A_1700 = tpu.vector_load %arg10[%get3A_1698, %get3A_1699] {strides = array<i32>} : memref<128x256xf32, #tpu.memory_space<vmem>>, vector<1x16xf32>,
        %get3A_1701 = vector.shape_cast %get3A_1700 : vector<1x16xf32> to vector<16xf32>
        %sub3A_1702 = arith.subf %get3A_1695, %get3A_1701 : vector<16xf32>
        %max3A_1703 = arith.maximumf %max3A_1675, %sub3A_1702 : vector<16xf32>
        %max3A_1704 = arith.constant 0.000000e+00 : f32
        %max3A_1705 = vector.broadcast %max3A_1704 : f32 to vector<16xf32>
        %max3A_1706 = arith.maximumf %max3A_1689, %max3A_1705 : vector<16xf32>
        %add3A_1707 = arith.addf %scan3A_149, %max3A_1706 : vector<16xf32>
        %max3A_1708 = arith.constant 0.000000e+00 : f32
        %max3A_1709 = vector.broadcast %max3A_1708 : f32 to vector<16xf32>
        %max3A_1710 = arith.maximumf %max3A_1703, %max3A_1709 : vector<16xf32>
        %add3A_1711 = arith.addf %scan3A_157, %max3A_1710 : vector<16xf32>
        %get3A_1712 = arith.index_cast %mul3A_160 : i32 to index
        %get3A_1713 = arith.constant 112 : index
        %get3A_1714 = tpu.vector_load %arg10[%get3A_1712, %get3A_1713] {strides = array<i32>} : memref<128x256xf32, #tpu.memory_space<vmem>>, vector<1x16xf32>,
        %get3A_1715 = vector.shape_cast %get3A_1714 : vector<1x16xf32> to vector<16xf32>
        %get3A_1716 = arith.index_cast %mul3A_160 : i32 to index
        %get3A_1717 = arith.constant 240 : index
        %get3A_1718 = tpu.vector_load %arg11[%get3A_1716, %get3A_1717] {strides = array<i32>} : memref<128x256xf32, #tpu.memory_space<vmem>>, vector<1x16xf32>,
        %get3A_1719 = vector.shape_cast %get3A_1718 : vector<1x16xf32> to vector<16xf32>
        %sub3A_1720 = arith.subf %get3A_1715, %get3A_1719 : vector<16xf32>
        %get3A_1721 = arith.index_cast %mul3A_160 : i32 to index
        %get3A_1722 = arith.constant 112 : index
        %get3A_1723 = tpu.vector_load %arg11[%get3A_1721, %get3A_1722] {strides = array<i32>} : memref<128x256xf32, #tpu.memory_space<vmem>>, vector<1x16xf32>,
        %get3A_1724 = vector.shape_cast %get3A_1723 : vector<1x16xf32> to vector<16xf32>
        %get3A_1725 = arith.index_cast %mul3A_160 : i32 to index
        %get3A_1726 = arith.constant 240 : index
        %get3A_1727 = tpu.vector_load %arg10[%get3A_1725, %get3A_1726] {strides = array<i32>} : memref<128x256xf32, #tpu.memory_space<vmem>>, vector<1x16xf32>,
        %get3A_1728 = vector.shape_cast %get3A_1727 : vector<1x16xf32> to vector<16xf32>
        %sub3A_1729 = arith.subf %get3A_1724, %get3A_1728 : vector<16xf32>
        %add3A_1730 = arith.constant 1 : i32
        %add3A_1731 = arith.addi %mul3A_160, %add3A_1730 : i32
        %get3A_1732 = arith.index_cast %add3A_1731 : i32 to index
        %get3A_1733 = arith.constant 112 : index
        %get3A_1734 = tpu.vector_load %arg10[%get3A_1732, %get3A_1733] {strides = array<i32>} : memref<128x256xf32, #tpu.memory_space<vmem>>, vector<1x16xf32>,
        %get3A_1735 = vector.shape_cast %get3A_1734 : vector<1x16xf32> to vector<16xf32>
        %add3A_1736 = arith.constant 1 : i32
        %add3A_1737 = arith.addi %mul3A_160, %add3A_1736 : i32
        %get3A_1738 = arith.index_cast %add3A_1737 : i32 to index
        %get3A_1739 = arith.constant 240 : index
        %get3A_1740 = tpu.vector_load %arg11[%get3A_1738, %get3A_1739] {strides = array<i32>} : memref<128x256xf32, #tpu.memory_space<vmem>>, vector<1x16xf32>,
        %get3A_1741 = vector.shape_cast %get3A_1740 : vector<1x16xf32> to vector<16xf32>
        %sub3A_1742 = arith.subf %get3A_1735, %get3A_1741 : vector<16xf32>
        %max3A_1743 = arith.maximumf %sub3A_1720, %sub3A_1742 : vector<16xf32>
        %add3A_1744 = arith.constant 1 : i32
        %add3A_1745 = arith.addi %mul3A_160, %add3A_1744 : i32
        %get3A_1746 = arith.index_cast %add3A_1745 : i32 to index
        %get3A_1747 = arith.constant 112 : index
        %get3A_1748 = tpu.vector_load %arg11[%get3A_1746, %get3A_1747] {strides = array<i32>} : memref<128x256xf32, #tpu.memory_space<vmem>>, vector<1x16xf32>,
        %get3A_1749 = vector.shape_cast %get3A_1748 : vector<1x16xf32> to vector<16xf32>
        %add3A_1750 = arith.constant 1 : i32
        %add3A_1751 = arith.addi %mul3A_160, %add3A_1750 : i32
        %get3A_1752 = arith.index_cast %add3A_1751 : i32 to index
        %get3A_1753 = arith.constant 240 : index
        %get3A_1754 = tpu.vector_load %arg10[%get3A_1752, %get3A_1753] {strides = array<i32>} : memref<128x256xf32, #tpu.memory_space<vmem>>, vector<1x16xf32>,
        %get3A_1755 = vector.shape_cast %get3A_1754 : vector<1x16xf32> to vector<16xf32>
        %sub3A_1756 = arith.subf %get3A_1749, %get3A_1755 : vector<16xf32>
        %max3A_1757 = arith.maximumf %sub3A_1729, %sub3A_1756 : vector<16xf32>
        %add3A_1758 = arith.constant 2 : i32
        %add3A_1759 = arith.addi %mul3A_160, %add3A_1758 : i32
        %get3A_1760 = arith.index_cast %add3A_1759 : i32 to index
        %get3A_1761 = arith.constant 112 : index
        %get3A_1762 = tpu.vector_load %arg10[%get3A_1760, %get3A_1761] {strides = array<i32>} : memref<128x256xf32, #tpu.memory_space<vmem>>, vector<1x16xf32>,
        %get3A_1763 = vector.shape_cast %get3A_1762 : vector<1x16xf32> to vector<16xf32>
        %add3A_1764 = arith.constant 2 : i32
        %add3A_1765 = arith.addi %mul3A_160, %add3A_1764 : i32
        %get3A_1766 = arith.index_cast %add3A_1765 : i32 to index
        %get3A_1767 = arith.constant 240 : index
        %get3A_1768 = tpu.vector_load %arg11[%get3A_1766, %get3A_1767] {strides = array<i32>} : memref<128x256xf32, #tpu.memory_space<vmem>>, vector<1x16xf32>,
        %get3A_1769 = vector.shape_cast %get3A_1768 : vector<1x16xf32> to vector<16xf32>
        %sub3A_1770 = arith.subf %get3A_1763, %get3A_1769 : vector<16xf32>
        %max3A_1771 = arith.maximumf %max3A_1743, %sub3A_1770 : vector<16xf32>
        %add3A_1772 = arith.constant 2 : i32
        %add3A_1773 = arith.addi %mul3A_160, %add3A_1772 : i32
        %get3A_1774 = arith.index_cast %add3A_1773 : i32 to index
        %get3A_1775 = arith.constant 112 : index
        %get3A_1776 = tpu.vector_load %arg11[%get3A_1774, %get3A_1775] {strides = array<i32>} : memref<128x256xf32, #tpu.memory_space<vmem>>, vector<1x16xf32>,
        %get3A_1777 = vector.shape_cast %get3A_1776 : vector<1x16xf32> to vector<16xf32>
        %add3A_1778 = arith.constant 2 : i32
        %add3A_1779 = arith.addi %mul3A_160, %add3A_1778 : i32
        %get3A_1780 = arith.index_cast %add3A_1779 : i32 to index
        %get3A_1781 = arith.constant 240 : index
        %get3A_1782 = tpu.vector_load %arg10[%get3A_1780, %get3A_1781] {strides = array<i32>} : memref<128x256xf32, #tpu.memory_space<vmem>>, vector<1x16xf32>,
        %get3A_1783 = vector.shape_cast %get3A_1782 : vector<1x16xf32> to vector<16xf32>
        %sub3A_1784 = arith.subf %get3A_1777, %get3A_1783 : vector<16xf32>
        %max3A_1785 = arith.maximumf %max3A_1757, %sub3A_1784 : vector<16xf32>
        %add3A_1786 = arith.constant 3 : i32
        %add3A_1787 = arith.addi %mul3A_160, %add3A_1786 : i32
        %get3A_1788 = arith.index_cast %add3A_1787 : i32 to index
        %get3A_1789 = arith.constant 112 : index
        %get3A_1790 = tpu.vector_load %arg10[%get3A_1788, %get3A_1789] {strides = array<i32>} : memref<128x256xf32, #tpu.memory_space<vmem>>, vector<1x16xf32>,
        %get3A_1791 = vector.shape_cast %get3A_1790 : vector<1x16xf32> to vector<16xf32>
        %add3A_1792 = arith.constant 3 : i32
        %add3A_1793 = arith.addi %mul3A_160, %add3A_1792 : i32
        %get3A_1794 = arith.index_cast %add3A_1793 : i32 to index
        %get3A_1795 = arith.constant 240 : index
        %get3A_1796 = tpu.vector_load %arg11[%get3A_1794, %get3A_1795] {strides = array<i32>} : memref<128x256xf32, #tpu.memory_space<vmem>>, vector<1x16xf32>,
        %get3A_1797 = vector.shape_cast %get3A_1796 : vector<1x16xf32> to vector<16xf32>
        %sub3A_1798 = arith.subf %get3A_1791, %get3A_1797 : vector<16xf32>
        %max3A_1799 = arith.maximumf %max3A_1771, %sub3A_1798 : vector<16xf32>
        %add3A_1800 = arith.constant 3 : i32
        %add3A_1801 = arith.addi %mul3A_160, %add3A_1800 : i32
        %get3A_1802 = arith.index_cast %add3A_1801 : i32 to index
        %get3A_1803 = arith.constant 112 : index
        %get3A_1804 = tpu.vector_load %arg11[%get3A_1802, %get3A_1803] {strides = array<i32>} : memref<128x256xf32, #tpu.memory_space<vmem>>, vector<1x16xf32>,
        %get3A_1805 = vector.shape_cast %get3A_1804 : vector<1x16xf32> to vector<16xf32>
        %add3A_1806 = arith.constant 3 : i32
        %add3A_1807 = arith.addi %mul3A_160, %add3A_1806 : i32
        %get3A_1808 = arith.index_cast %add3A_1807 : i32 to index
        %get3A_1809 = arith.constant 240 : index
        %get3A_1810 = tpu.vector_load %arg10[%get3A_1808, %get3A_1809] {strides = array<i32>} : memref<128x256xf32, #tpu.memory_space<vmem>>, vector<1x16xf32>,
        %get3A_1811 = vector.shape_cast %get3A_1810 : vector<1x16xf32> to vector<16xf32>
        %sub3A_1812 = arith.subf %get3A_1805, %get3A_1811 : vector<16xf32>
        %max3A_1813 = arith.maximumf %max3A_1785, %sub3A_1812 : vector<16xf32>
        %add3A_1814 = arith.constant 4 : i32
        %add3A_1815 = arith.addi %mul3A_160, %add3A_1814 : i32
        %get3A_1816 = arith.index_cast %add3A_1815 : i32 to index
        %get3A_1817 = arith.constant 112 : index
        %get3A_1818 = tpu.vector_load %arg10[%get3A_1816, %get3A_1817] {strides = array<i32>} : memref<128x256xf32, #tpu.memory_space<vmem>>, vector<1x16xf32>,
        %get3A_1819 = vector.shape_cast %get3A_1818 : vector<1x16xf32> to vector<16xf32>
        %add3A_1820 = arith.constant 4 : i32
        %add3A_1821 = arith.addi %mul3A_160, %add3A_1820 : i32
        %get3A_1822 = arith.index_cast %add3A_1821 : i32 to index
        %get3A_1823 = arith.constant 240 : index
        %get3A_1824 = tpu.vector_load %arg11[%get3A_1822, %get3A_1823] {strides = array<i32>} : memref<128x256xf32, #tpu.memory_space<vmem>>, vector<1x16xf32>,
        %get3A_1825 = vector.shape_cast %get3A_1824 : vector<1x16xf32> to vector<16xf32>
        %sub3A_1826 = arith.subf %get3A_1819, %get3A_1825 : vector<16xf32>
        %max3A_1827 = arith.maximumf %max3A_1799, %sub3A_1826 : vector<16xf32>
        %add3A_1828 = arith.constant 4 : i32
        %add3A_1829 = arith.addi %mul3A_160, %add3A_1828 : i32
        %get3A_1830 = arith.index_cast %add3A_1829 : i32 to index
        %get3A_1831 = arith.constant 112 : index
        %get3A_1832 = tpu.vector_load %arg11[%get3A_1830, %get3A_1831] {strides = array<i32>} : memref<128x256xf32, #tpu.memory_space<vmem>>, vector<1x16xf32>,
        %get3A_1833 = vector.shape_cast %get3A_1832 : vector<1x16xf32> to vector<16xf32>
        %add3A_1834 = arith.constant 4 : i32
        %add3A_1835 = arith.addi %mul3A_160, %add3A_1834 : i32
        %get3A_1836 = arith.index_cast %add3A_1835 : i32 to index
        %get3A_1837 = arith.constant 240 : index
        %get3A_1838 = tpu.vector_load %arg10[%get3A_1836, %get3A_1837] {strides = array<i32>} : memref<128x256xf32, #tpu.memory_space<vmem>>, vector<1x16xf32>,
        %get3A_1839 = vector.shape_cast %get3A_1838 : vector<1x16xf32> to vector<16xf32>
        %sub3A_1840 = arith.subf %get3A_1833, %get3A_1839 : vector<16xf32>
        %max3A_1841 = arith.maximumf %max3A_1813, %sub3A_1840 : vector<16xf32>
        %add3A_1842 = arith.constant 5 : i32
        %add3A_1843 = arith.addi %mul3A_160, %add3A_1842 : i32
        %get3A_1844 = arith.index_cast %add3A_1843 : i32 to index
        %get3A_1845 = arith.constant 112 : index
        %get3A_1846 = tpu.vector_load %arg10[%get3A_1844, %get3A_1845] {strides = array<i32>} : memref<128x256xf32, #tpu.memory_space<vmem>>, vector<1x16xf32>,
        %get3A_1847 = vector.shape_cast %get3A_1846 : vector<1x16xf32> to vector<16xf32>
        %add3A_1848 = arith.constant 5 : i32
        %add3A_1849 = arith.addi %mul3A_160, %add3A_1848 : i32
        %get3A_1850 = arith.index_cast %add3A_1849 : i32 to index
        %get3A_1851 = arith.constant 240 : index
        %get3A_1852 = tpu.vector_load %arg11[%get3A_1850, %get3A_1851] {strides = array<i32>} : memref<128x256xf32, #tpu.memory_space<vmem>>, vector<1x16xf32>,
        %get3A_1853 = vector.shape_cast %get3A_1852 : vector<1x16xf32> to vector<16xf32>
        %sub3A_1854 = arith.subf %get3A_1847, %get3A_1853 : vector<16xf32>
        %max3A_1855 = arith.maximumf %max3A_1827, %sub3A_1854 : vector<16xf32>
        %add3A_1856 = arith.constant 5 : i32
        %add3A_1857 = arith.addi %mul3A_160, %add3A_1856 : i32
        %get3A_1858 = arith.index_cast %add3A_1857 : i32 to index
        %get3A_1859 = arith.constant 112 : index
        %get3A_1860 = tpu.vector_load %arg11[%get3A_1858, %get3A_1859] {strides = array<i32>} : memref<128x256xf32, #tpu.memory_space<vmem>>, vector<1x16xf32>,
        %get3A_1861 = vector.shape_cast %get3A_1860 : vector<1x16xf32> to vector<16xf32>
        %add3A_1862 = arith.constant 5 : i32
        %add3A_1863 = arith.addi %mul3A_160, %add3A_1862 : i32
        %get3A_1864 = arith.index_cast %add3A_1863 : i32 to index
        %get3A_1865 = arith.constant 240 : index
        %get3A_1866 = tpu.vector_load %arg10[%get3A_1864, %get3A_1865] {strides = array<i32>} : memref<128x256xf32, #tpu.memory_space<vmem>>, vector<1x16xf32>,
        %get3A_1867 = vector.shape_cast %get3A_1866 : vector<1x16xf32> to vector<16xf32>
        %sub3A_1868 = arith.subf %get3A_1861, %get3A_1867 : vector<16xf32>
        %max3A_1869 = arith.maximumf %max3A_1841, %sub3A_1868 : vector<16xf32>
        %add3A_1870 = arith.constant 6 : i32
        %add3A_1871 = arith.addi %mul3A_160, %add3A_1870 : i32
        %get3A_1872 = arith.index_cast %add3A_1871 : i32 to index
        %get3A_1873 = arith.constant 112 : index
        %get3A_1874 = tpu.vector_load %arg10[%get3A_1872, %get3A_1873] {strides = array<i32>} : memref<128x256xf32, #tpu.memory_space<vmem>>, vector<1x16xf32>,
        %get3A_1875 = vector.shape_cast %get3A_1874 : vector<1x16xf32> to vector<16xf32>
        %add3A_1876 = arith.constant 6 : i32
        %add3A_1877 = arith.addi %mul3A_160, %add3A_1876 : i32
        %get3A_1878 = arith.index_cast %add3A_1877 : i32 to index
        %get3A_1879 = arith.constant 240 : index
        %get3A_1880 = tpu.vector_load %arg11[%get3A_1878, %get3A_1879] {strides = array<i32>} : memref<128x256xf32, #tpu.memory_space<vmem>>, vector<1x16xf32>,
        %get3A_1881 = vector.shape_cast %get3A_1880 : vector<1x16xf32> to vector<16xf32>
        %sub3A_1882 = arith.subf %get3A_1875, %get3A_1881 : vector<16xf32>
        %max3A_1883 = arith.maximumf %max3A_1855, %sub3A_1882 : vector<16xf32>
        %add3A_1884 = arith.constant 6 : i32
        %add3A_1885 = arith.addi %mul3A_160, %add3A_1884 : i32
        %get3A_1886 = arith.index_cast %add3A_1885 : i32 to index
        %get3A_1887 = arith.constant 112 : index
        %get3A_1888 = tpu.vector_load %arg11[%get3A_1886, %get3A_1887] {strides = array<i32>} : memref<128x256xf32, #tpu.memory_space<vmem>>, vector<1x16xf32>,
        %get3A_1889 = vector.shape_cast %get3A_1888 : vector<1x16xf32> to vector<16xf32>
        %add3A_1890 = arith.constant 6 : i32
        %add3A_1891 = arith.addi %mul3A_160, %add3A_1890 : i32
        %get3A_1892 = arith.index_cast %add3A_1891 : i32 to index
        %get3A_1893 = arith.constant 240 : index
        %get3A_1894 = tpu.vector_load %arg10[%get3A_1892, %get3A_1893] {strides = array<i32>} : memref<128x256xf32, #tpu.memory_space<vmem>>, vector<1x16xf32>,
        %get3A_1895 = vector.shape_cast %get3A_1894 : vector<1x16xf32> to vector<16xf32>
        %sub3A_1896 = arith.subf %get3A_1889, %get3A_1895 : vector<16xf32>
        %max3A_1897 = arith.maximumf %max3A_1869, %sub3A_1896 : vector<16xf32>
        %add3A_1898 = arith.constant 7 : i32
        %add3A_1899 = arith.addi %mul3A_160, %add3A_1898 : i32
        %get3A_1900 = arith.index_cast %add3A_1899 : i32 to index
        %get3A_1901 = arith.constant 112 : index
        %get3A_1902 = tpu.vector_load %arg10[%get3A_1900, %get3A_1901] {strides = array<i32>} : memref<128x256xf32, #tpu.memory_space<vmem>>, vector<1x16xf32>,
        %get3A_1903 = vector.shape_cast %get3A_1902 : vector<1x16xf32> to vector<16xf32>
        %add3A_1904 = arith.constant 7 : i32
        %add3A_1905 = arith.addi %mul3A_160, %add3A_1904 : i32
        %get3A_1906 = arith.index_cast %add3A_1905 : i32 to index
        %get3A_1907 = arith.constant 240 : index
        %get3A_1908 = tpu.vector_load %arg11[%get3A_1906, %get3A_1907] {strides = array<i32>} : memref<128x256xf32, #tpu.memory_space<vmem>>, vector<1x16xf32>,
        %get3A_1909 = vector.shape_cast %get3A_1908 : vector<1x16xf32> to vector<16xf32>
        %sub3A_1910 = arith.subf %get3A_1903, %get3A_1909 : vector<16xf32>
        %max3A_1911 = arith.maximumf %max3A_1883, %sub3A_1910 : vector<16xf32>
        %add3A_1912 = arith.constant 7 : i32
        %add3A_1913 = arith.addi %mul3A_160, %add3A_1912 : i32
        %get3A_1914 = arith.index_cast %add3A_1913 : i32 to index
        %get3A_1915 = arith.constant 112 : index
        %get3A_1916 = tpu.vector_load %arg11[%get3A_1914, %get3A_1915] {strides = array<i32>} : memref<128x256xf32, #tpu.memory_space<vmem>>, vector<1x16xf32>,
        %get3A_1917 = vector.shape_cast %get3A_1916 : vector<1x16xf32> to vector<16xf32>
        %add3A_1918 = arith.constant 7 : i32
        %add3A_1919 = arith.addi %mul3A_160, %add3A_1918 : i32
        %get3A_1920 = arith.index_cast %add3A_1919 : i32 to index
        %get3A_1921 = arith.constant 240 : index
        %get3A_1922 = tpu.vector_load %arg10[%get3A_1920, %get3A_1921] {strides = array<i32>} : memref<128x256xf32, #tpu.memory_space<vmem>>, vector<1x16xf32>,
        %get3A_1923 = vector.shape_cast %get3A_1922 : vector<1x16xf32> to vector<16xf32>
        %sub3A_1924 = arith.subf %get3A_1917, %get3A_1923 : vector<16xf32>
        %max3A_1925 = arith.maximumf %max3A_1897, %sub3A_1924 : vector<16xf32>
        %max3A_1926 = arith.constant 0.000000e+00 : f32
        %max3A_1927 = vector.broadcast %max3A_1926 : f32 to vector<16xf32>
        %max3A_1928 = arith.maximumf %max3A_1911, %max3A_1927 : vector<16xf32>
        %add3A_1929 = arith.addf %scan3A_150, %max3A_1928 : vector<16xf32>
        %max3A_1930 = arith.constant 0.000000e+00 : f32
        %max3A_1931 = vector.broadcast %max3A_1930 : f32 to vector<16xf32>
        %max3A_1932 = arith.maximumf %max3A_1925, %max3A_1931 : vector<16xf32>
        %add3A_1933 = arith.addf %scan3A_158, %max3A_1932 : vector<16xf32>
        scf.yield %add3A_375, %add3A_597, %add3A_819, %add3A_1041, %add3A_1263, %add3A_1485, %add3A_1707, %add3A_1929, %add3A_379, %add3A_601, %add3A_823, %add3A_1045, %add3A_1267, %add3A_1489, %add3A_1711, %add3A_1933 : vector<16xf32>, vector<16xf32>, vector<16xf32>, vector<16xf32>, vector<16xf32>, vector<16xf32>, vector<16xf32>, vector<16xf32>, vector<16xf32>, vector<16xf32>, vector<16xf32>, vector<16xf32>, vector<16xf32>, vector<16xf32>, vector<16xf32>, vector<16xf32>
      }
      %scan3A_141 = arith.constant 16 : i32
      scf.yield %scan3A_140#0, %scan3A_140#1, %scan3A_140#2, %scan3A_140#3, %scan3A_140#4, %scan3A_140#5, %scan3A_140#6, %scan3A_140#7, %scan3A_140#8, %scan3A_140#9, %scan3A_140#10, %scan3A_140#11, %scan3A_140#12, %scan3A_140#13, %scan3A_140#14, %scan3A_140#15 : vector<16xf32>, vector<16xf32>, vector<16xf32>, vector<16xf32>, vector<16xf32>, vector<16xf32>, vector<16xf32>, vector<16xf32>, vector<16xf32>, vector<16xf32>, vector<16xf32>, vector<16xf32>, vector<16xf32>, vector<16xf32>, vector<16xf32>, vector<16xf32>
    }
    %scan3A_8 = arith.constant 16 : i32
    %swap3A = arith.constant 0 : i32
    %swap3A_9 = arith.index_cast %swap3A : i32 to index
    %swap3A_10 = arith.constant 0 : index
    %swap3A_11 = tpu.vector_load %arg12[%swap3A_9, %swap3A_10] {strides = array<i32>} : memref<1x128xf32, #tpu.memory_space<vmem>>, vector<1x16xf32>,
    %swap3A_12 = vector.shape_cast %swap3A_11 : vector<1x16xf32> to vector<16xf32>
    %swap3A_13 = vector.shape_cast %scan3A_7#0 : vector<16xf32> to vector<1x16xf32>
    tpu.vector_store %arg12[%swap3A_9, %swap3A_10], %swap3A_13 {strides = array<i32>} : memref<1x128xf32, #tpu.memory_space<vmem>>, vector<1x16xf32>,
    %swap3A_14 = arith.constant 0 : i32
    %swap3A_15 = arith.index_cast %swap3A_14 : i32 to index
    %swap3A_16 = arith.constant 0 : index
    %swap3A_17 = tpu.vector_load %arg13[%swap3A_15, %swap3A_16] {strides = array<i32>} : memref<1x128xf32, #tpu.memory_space<vmem>>, vector<1x16xf32>,
    %swap3A_18 = vector.shape_cast %swap3A_17 : vector<1x16xf32> to vector<16xf32>
    %swap3A_19 = vector.shape_cast %scan3A_7#8 : vector<16xf32> to vector<1x16xf32>
    tpu.vector_store %arg13[%swap3A_15, %swap3A_16], %swap3A_19 {strides = array<i32>} : memref<1x128xf32, #tpu.memory_space<vmem>>, vector<1x16xf32>,
    %swap3A_20 = arith.constant 0 : i32
    %swap3A_21 = arith.index_cast %swap3A_20 : i32 to index
    %swap3A_22 = arith.constant 16 : index
    %swap3A_23 = tpu.vector_load %arg12[%swap3A_21, %swap3A_22] {strides = array<i32>} : memref<1x128xf32, #tpu.memory_space<vmem>>, vector<1x16xf32>,
    %swap3A_24 = vector.shape_cast %swap3A_23 : vector<1x16xf32> to vector<16xf32>
    %swap3A_25 = vector.shape_cast %scan3A_7#1 : vector<16xf32> to vector<1x16xf32>
    tpu.vector_store %arg12[%swap3A_21, %swap3A_22], %swap3A_25 {strides = array<i32>} : memref<1x128xf32, #tpu.memory_space<vmem>>, vector<1x16xf32>,
    %swap3A_26 = arith.constant 0 : i32
    %swap3A_27 = arith.index_cast %swap3A_26 : i32 to index
    %swap3A_28 = arith.constant 16 : index
    %swap3A_29 = tpu.vector_load %arg13[%swap3A_27, %swap3A_28] {strides = array<i32>} : memref<1x128xf32, #tpu.memory_space<vmem>>, vector<1x16xf32>,
    %swap3A_30 = vector.shape_cast %swap3A_29 : vector<1x16xf32> to vector<16xf32>
    %swap3A_31 = vector.shape_cast %scan3A_7#9 : vector<16xf32> to vector<1x16xf32>
    tpu.vector_store %arg13[%swap3A_27, %swap3A_28], %swap3A_31 {strides = array<i32>} : memref<1x128xf32, #tpu.memory_space<vmem>>, vector<1x16xf32>,
    %swap3A_32 = arith.constant 0 : i32
    %swap3A_33 = arith.index_cast %swap3A_32 : i32 to index
    %swap3A_34 = arith.constant 32 : index
    %swap3A_35 = tpu.vector_load %arg12[%swap3A_33, %swap3A_34] {strides = array<i32>} : memref<1x128xf32, #tpu.memory_space<vmem>>, vector<1x16xf32>,
    %swap3A_36 = vector.shape_cast %swap3A_35 : vector<1x16xf32> to vector<16xf32>
    %swap3A_37 = vector.shape_cast %scan3A_7#2 : vector<16xf32> to vector<1x16xf32>
    tpu.vector_store %arg12[%swap3A_33, %swap3A_34], %swap3A_37 {strides = array<i32>} : memref<1x128xf32, #tpu.memory_space<vmem>>, vector<1x16xf32>,
    %swap3A_38 = arith.constant 0 : i32
    %swap3A_39 = arith.index_cast %swap3A_38 : i32 to index
    %swap3A_40 = arith.constant 32 : index
    %swap3A_41 = tpu.vector_load %arg13[%swap3A_39, %swap3A_40] {strides = array<i32>} : memref<1x128xf32, #tpu.memory_space<vmem>>, vector<1x16xf32>,
    %swap3A_42 = vector.shape_cast %swap3A_41 : vector<1x16xf32> to vector<16xf32>
    %swap3A_43 = vector.shape_cast %scan3A_7#10 : vector<16xf32> to vector<1x16xf32>
    tpu.vector_store %arg13[%swap3A_39, %swap3A_40], %swap3A_43 {strides = array<i32>} : memref<1x128xf32, #tpu.memory_space<vmem>>, vector<1x16xf32>,
    %swap3A_44 = arith.constant 0 : i32
    %swap3A_45 = arith.index_cast %swap3A_44 : i32 to index
    %swap3A_46 = arith.constant 48 : index
    %swap3A_47 = tpu.vector_load %arg12[%swap3A_45, %swap3A_46] {strides = array<i32>} : memref<1x128xf32, #tpu.memory_space<vmem>>, vector<1x16xf32>,
    %swap3A_48 = vector.shape_cast %swap3A_47 : vector<1x16xf32> to vector<16xf32>
    %swap3A_49 = vector.shape_cast %scan3A_7#3 : vector<16xf32> to vector<1x16xf32>
    tpu.vector_store %arg12[%swap3A_45, %swap3A_46], %swap3A_49 {strides = array<i32>} : memref<1x128xf32, #tpu.memory_space<vmem>>, vector<1x16xf32>,
    %swap3A_50 = arith.constant 0 : i32
    %swap3A_51 = arith.index_cast %swap3A_50 : i32 to index
    %swap3A_52 = arith.constant 48 : index
    %swap3A_53 = tpu.vector_load %arg13[%swap3A_51, %swap3A_52] {strides = array<i32>} : memref<1x128xf32, #tpu.memory_space<vmem>>, vector<1x16xf32>,
    %swap3A_54 = vector.shape_cast %swap3A_53 : vector<1x16xf32> to vector<16xf32>
    %swap3A_55 = vector.shape_cast %scan3A_7#11 : vector<16xf32> to vector<1x16xf32>
    tpu.vector_store %arg13[%swap3A_51, %swap3A_52], %swap3A_55 {strides = array<i32>} : memref<1x128xf32, #tpu.memory_space<vmem>>, vector<1x16xf32>,
    %swap3A_56 = arith.constant 0 : i32
    %swap3A_57 = arith.index_cast %swap3A_56 : i32 to index
    %swap3A_58 = arith.constant 64 : index
    %swap3A_59 = tpu.vector_load %arg12[%swap3A_57, %swap3A_58] {strides = array<i32>} : memref<1x128xf32, #tpu.memory_space<vmem>>, vector<1x16xf32>,
    %swap3A_60 = vector.shape_cast %swap3A_59 : vector<1x16xf32> to vector<16xf32>
    %swap3A_61 = vector.shape_cast %scan3A_7#4 : vector<16xf32> to vector<1x16xf32>
    tpu.vector_store %arg12[%swap3A_57, %swap3A_58], %swap3A_61 {strides = array<i32>} : memref<1x128xf32, #tpu.memory_space<vmem>>, vector<1x16xf32>,
    %swap3A_62 = arith.constant 0 : i32
    %swap3A_63 = arith.index_cast %swap3A_62 : i32 to index
    %swap3A_64 = arith.constant 64 : index
    %swap3A_65 = tpu.vector_load %arg13[%swap3A_63, %swap3A_64] {strides = array<i32>} : memref<1x128xf32, #tpu.memory_space<vmem>>, vector<1x16xf32>,
    %swap3A_66 = vector.shape_cast %swap3A_65 : vector<1x16xf32> to vector<16xf32>
    %swap3A_67 = vector.shape_cast %scan3A_7#12 : vector<16xf32> to vector<1x16xf32>
    tpu.vector_store %arg13[%swap3A_63, %swap3A_64], %swap3A_67 {strides = array<i32>} : memref<1x128xf32, #tpu.memory_space<vmem>>, vector<1x16xf32>,
    %swap3A_68 = arith.constant 0 : i32
    %swap3A_69 = arith.index_cast %swap3A_68 : i32 to index
    %swap3A_70 = arith.constant 80 : index
    %swap3A_71 = tpu.vector_load %arg12[%swap3A_69, %swap3A_70] {strides = array<i32>} : memref<1x128xf32, #tpu.memory_space<vmem>>, vector<1x16xf32>,
    %swap3A_72 = vector.shape_cast %swap3A_71 : vector<1x16xf32> to vector<16xf32>
    %swap3A_73 = vector.shape_cast %scan3A_7#5 : vector<16xf32> to vector<1x16xf32>
    tpu.vector_store %arg12[%swap3A_69, %swap3A_70], %swap3A_73 {strides = array<i32>} : memref<1x128xf32, #tpu.memory_space<vmem>>, vector<1x16xf32>,
    %swap3A_74 = arith.constant 0 : i32
    %swap3A_75 = arith.index_cast %swap3A_74 : i32 to index
    %swap3A_76 = arith.constant 80 : index
    %swap3A_77 = tpu.vector_load %arg13[%swap3A_75, %swap3A_76] {strides = array<i32>} : memref<1x128xf32, #tpu.memory_space<vmem>>, vector<1x16xf32>,
    %swap3A_78 = vector.shape_cast %swap3A_77 : vector<1x16xf32> to vector<16xf32>
    %swap3A_79 = vector.shape_cast %scan3A_7#13 : vector<16xf32> to vector<1x16xf32>
    tpu.vector_store %arg13[%swap3A_75, %swap3A_76], %swap3A_79 {strides = array<i32>} : memref<1x128xf32, #tpu.memory_space<vmem>>, vector<1x16xf32>,
    %swap3A_80 = arith.constant 0 : i32
    %swap3A_81 = arith.index_cast %swap3A_80 : i32 to index
    %swap3A_82 = arith.constant 96 : index
    %swap3A_83 = tpu.vector_load %arg12[%swap3A_81, %swap3A_82] {strides = array<i32>} : memref<1x128xf32, #tpu.memory_space<vmem>>, vector<1x16xf32>,
    %swap3A_84 = vector.shape_cast %swap3A_83 : vector<1x16xf32> to vector<16xf32>
    %swap3A_85 = vector.shape_cast %scan3A_7#6 : vector<16xf32> to vector<1x16xf32>
    tpu.vector_store %arg12[%swap3A_81, %swap3A_82], %swap3A_85 {strides = array<i32>} : memref<1x128xf32, #tpu.memory_space<vmem>>, vector<1x16xf32>,
    %swap3A_86 = arith.constant 0 : i32
    %swap3A_87 = arith.index_cast %swap3A_86 : i32 to index
    %swap3A_88 = arith.constant 96 : index
    %swap3A_89 = tpu.vector_load %arg13[%swap3A_87, %swap3A_88] {strides = array<i32>} : memref<1x128xf32, #tpu.memory_space<vmem>>, vector<1x16xf32>,
    %swap3A_90 = vector.shape_cast %swap3A_89 : vector<1x16xf32> to vector<16xf32>
    %swap3A_91 = vector.shape_cast %scan3A_7#14 : vector<16xf32> to vector<1x16xf32>
    tpu.vector_store %arg13[%swap3A_87, %swap3A_88], %swap3A_91 {strides = array<i32>} : memref<1x128xf32, #tpu.memory_space<vmem>>, vector<1x16xf32>,
    %swap3A_92 = arith.constant 0 : i32
    %swap3A_93 = arith.index_cast %swap3A_92 : i32 to index
    %swap3A_94 = arith.constant 112 : index
    %swap3A_95 = tpu.vector_load %arg12[%swap3A_93, %swap3A_94] {strides = array<i32>} : memref<1x128xf32, #tpu.memory_space<vmem>>, vector<1x16xf32>,
    %swap3A_96 = vector.shape_cast %swap3A_95 : vector<1x16xf32> to vector<16xf32>
    %swap3A_97 = vector.shape_cast %scan3A_7#7 : vector<16xf32> to vector<1x16xf32>
    tpu.vector_store %arg12[%swap3A_93, %swap3A_94], %swap3A_97 {strides = array<i32>} : memref<1x128xf32, #tpu.memory_space<vmem>>, vector<1x16xf32>,
    %swap3A_98 = arith.constant 0 : i32
    %swap3A_99 = arith.index_cast %swap3A_98 : i32 to index
    %swap3A_100 = arith.constant 112 : index
    %swap3A_101 = tpu.vector_load %arg13[%swap3A_99, %swap3A_100] {strides = array<i32>} : memref<1x128xf32, #tpu.memory_space<vmem>>, vector<1x16xf32>,
    %swap3A_102 = vector.shape_cast %swap3A_101 : vector<1x16xf32> to vector<16xf32>
    %swap3A_103 = vector.shape_cast %scan3A_7#15 : vector<16xf32> to vector<1x16xf32>
    tpu.vector_store %arg13[%swap3A_99, %swap3A_100], %swap3A_103 {strides = array<i32>} : memref<1x128xf32, #tpu.memory_space<vmem>>, vector<1x16xf32>,
    "tpu.region"() ({
      %run_scoped3A = tpu.sem_alloc : memref<!tpu.dma_semaphore, #tpu.memory_space<semaphore_mem>>
      %dma_start3A = arith.constant 0 : i32
      %dma_start3A_104 = tpu.memref_slice %arg6[%add3A, %dma_start3A] : memref<32x128xf32, #tpu.memory_space<hbm>> -> memref<1x128xf32, #tpu.memory_space<hbm>>
      %dma_start3A_105 = arith.constant 0 : i32
      %dma_start3A_106 = tpu.memref_slice %arg6[%add3A, %dma_start3A_105] : memref<32x128xf32, #tpu.memory_space<hbm>> -> memref<1x128xf32, #tpu.memory_space<hbm>>
      tpu.enqueue_dma source(%arg12 : memref<1x128xf32, #tpu.memory_space<vmem>>) target(%dma_start3A_106 : memref<1x128xf32, #tpu.memory_space<hbm>>) target_semaphore(%run_scoped3A : memref<!tpu.dma_semaphore, #tpu.memory_space<semaphore_mem>>)
      %dma_wait3A = arith.constant 0 : i32
      %dma_wait3A_107 = tpu.memref_slice %arg6[%add3A, %dma_wait3A] : memref<32x128xf32, #tpu.memory_space<hbm>> -> memref<1x128xf32, #tpu.memory_space<hbm>>
      %dma_wait3A_108 = arith.constant 0 : i32
      %dma_wait3A_109 = tpu.memref_slice %arg6[%add3A, %dma_wait3A_108] : memref<32x128xf32, #tpu.memory_space<hbm>> -> memref<1x128xf32, #tpu.memory_space<hbm>>
      tpu.wait_dma2 semaphore(%run_scoped3A : memref<!tpu.dma_semaphore, #tpu.memory_space<semaphore_mem>>) src(%arg12 : memref<1x128xf32, #tpu.memory_space<vmem>>) dst(%dma_wait3A_109 : memref<1x128xf32, #tpu.memory_space<hbm>>)
      tpu.yield
    }) : () -> ()
    "tpu.region"() ({
      %run_scoped3A = tpu.sem_alloc : memref<!tpu.dma_semaphore, #tpu.memory_space<semaphore_mem>>
      %dma_start3A = arith.constant 0 : i32
      %dma_start3A_104 = tpu.memref_slice %arg7[%add3A, %dma_start3A] : memref<32x128xf32, #tpu.memory_space<hbm>> -> memref<1x128xf32, #tpu.memory_space<hbm>>
      %dma_start3A_105 = arith.constant 0 : i32
      %dma_start3A_106 = tpu.memref_slice %arg7[%add3A, %dma_start3A_105] : memref<32x128xf32, #tpu.memory_space<hbm>> -> memref<1x128xf32, #tpu.memory_space<hbm>>
      tpu.enqueue_dma source(%arg13 : memref<1x128xf32, #tpu.memory_space<vmem>>) target(%dma_start3A_106 : memref<1x128xf32, #tpu.memory_space<hbm>>) target_semaphore(%run_scoped3A : memref<!tpu.dma_semaphore, #tpu.memory_space<semaphore_mem>>)
      %dma_wait3A = arith.constant 0 : i32
      %dma_wait3A_107 = tpu.memref_slice %arg7[%add3A, %dma_wait3A] : memref<32x128xf32, #tpu.memory_space<hbm>> -> memref<1x128xf32, #tpu.memory_space<hbm>>
      %dma_wait3A_108 = arith.constant 0 : i32
      %dma_wait3A_109 = tpu.memref_slice %arg7[%add3A, %dma_wait3A_108] : memref<32x128xf32, #tpu.memory_space<hbm>> -> memref<1x128xf32, #tpu.memory_space<hbm>>
      tpu.wait_dma2 semaphore(%run_scoped3A : memref<!tpu.dma_semaphore, #tpu.memory_space<semaphore_mem>>) src(%arg13 : memref<1x128xf32, #tpu.memory_space<vmem>>) dst(%dma_wait3A_109 : memref<1x128xf32, #tpu.memory_space<hbm>>)
      tpu.yield
    }) : () -> ()
    return
  }
}

module attributes {stable_mosaic.version = 14 : i64} {
  func.func @_knn_body(%arg0: i32, %arg1: i32, %arg2: memref<1x3x4096xf32, #tpu.memory_space<vmem>>, %arg3: memref<1x1024x3xf32, #tpu.memory_space<vmem>>, %arg4: memref<1x1024x8xi32, #tpu.memory_space<vmem>>, %arg5: memref<1024x4096xf32, #tpu.memory_space<vmem>>) attributes {dimension_semantics = [#tpu.dimension_semantics<parallel>, #tpu.dimension_semantics<parallel>], iteration_bounds = array<i64: 4, 4>, scalar_prefetch = 0 : i64, scratch_operands = 1 : i64, tpu.core_type = #tpu.core_type<tc>, window_params = [{transform_indices = @transform_0, window_bounds = array<i64: 1, 3, 4096>}, {transform_indices = @transform_1, window_bounds = array<i64: 1, 1024, 3>}, {transform_indices = @transform_2, window_bounds = array<i64: 1, 1024, 8>}]} {
    %get3A = arith.constant 0 : index
    %get3A_0 = arith.constant 0 : index
    %get3A_1 = arith.constant 0 : index
    %get3A_2 = vector.load %arg2[%get3A, %get3A_0, %get3A_1] : memref<1x3x4096xf32, #tpu.memory_space<vmem>>, vector<1x3x4096xf32>
    %get3A_3 = vector.shape_cast %get3A_2 : vector<1x3x4096xf32> to vector<3x4096xf32>
    %get3A_4 = arith.constant 0 : index
    %get3A_5 = arith.constant 0 : index
    %get3A_6 = arith.constant 0 : index
    %get3A_7 = vector.load %arg3[%get3A_4, %get3A_5, %get3A_6] : memref<1x1024x3xf32, #tpu.memory_space<vmem>>, vector<1x1024x3xf32>
    %get3A_8 = vector.shape_cast %get3A_7 : vector<1x1024x3xf32> to vector<1024x3xf32>
    %mul3A = arith.mulf %get3A_3, %get3A_3 : vector<3x4096xf32>
    %reduce_sum3A = arith.constant dense<0.000000e+00> : vector<4096xf32>
    %reduce_sum3A_9 = vector.multi_reduction <add>, %mul3A, %reduce_sum3A [0] : vector<3x4096xf32> to vector<4096xf32>
    %broadcast_in_dim3A = vector.shape_cast %reduce_sum3A_9 : vector<4096xf32> to vector<1x4096xf32>
    %mul3A_10 = arith.mulf %get3A_8, %get3A_8 : vector<1024x3xf32>
    %reduce_sum3A_11 = arith.constant dense<0.000000e+00> : vector<1024xf32>
    %reduce_sum3A_12 = vector.multi_reduction <add>, %mul3A_10, %reduce_sum3A_11 [1] : vector<1024x3xf32> to vector<1024xf32>
    %broadcast_in_dim3A_13 = vector.shape_cast %reduce_sum3A_12 : vector<1024xf32> to vector<1024x1xf32>
    %dot_general3A = arith.constant dense<0.000000e+00> : vector<1024x4096xf32>
    %dot_general3A_14 = tpu.matmul %get3A_8, %get3A_3, %dot_general3A {dimension_numbers = #tpu.dot_dimension_numbers<[1], [0], [0], [1], [0, 0, 1, 1], [], []>, transpose_lhs_hint = false} : vector<1024x3xf32>, vector<3x4096xf32>, vector<1024x4096xf32> -> vector<1024x4096xf32>
    %add3A = vector.broadcast %broadcast_in_dim3A_13 : vector<1024x1xf32> to vector<1024x4096xf32>
    %add3A_15 = vector.broadcast %broadcast_in_dim3A : vector<1x4096xf32> to vector<1024x4096xf32>
    %add3A_16 = arith.addf %add3A, %add3A_15 : vector<1024x4096xf32>
    %mul3A_17 = arith.constant 2.000000e+00 : f32
    %mul3A_18 = vector.broadcast %mul3A_17 : f32 to vector<1024x4096xf32>
    %mul3A_19 = arith.mulf %mul3A_18, %dot_general3A_14 : vector<1024x4096xf32>
    %sub3A = arith.subf %add3A_16, %mul3A_19 : vector<1024x4096xf32>
    %max3A = arith.constant 0.000000e+00 : f32
    %max3A_20 = vector.broadcast %max3A : f32 to vector<1024x4096xf32>
    %max3A_21 = arith.maximumf %sub3A, %max3A_20 : vector<1024x4096xf32>
    %iota3A = tpu.iota {dimensions = array<i32: 1>} : vector<1024x4096xi32>
    %bitcast_convert_type3A = tpu.bitcast %max3A_21 : vector<1024x4096xf32> -> vector<1024x4096xi32>
    %and3A = arith.constant -4096 : i32
    %and3A_22 = vector.broadcast %and3A : i32 to vector<1024x4096xi32>
    %and3A_23 = arith.andi %bitcast_convert_type3A, %and3A_22 : vector<1024x4096xi32>
    %or3A = arith.ori %and3A_23, %iota3A : vector<1024x4096xi32>
    %add3A_24 = arith.constant 8388608 : i32
    %add3A_25 = vector.broadcast %add3A_24 : i32 to vector<1024x4096xi32>
    %add3A_26 = arith.addi %or3A, %add3A_25 : vector<1024x4096xi32>
    %bitcast_convert_type3A_27 = tpu.bitcast %add3A_26 : vector<1024x4096xi32> -> vector<1024x4096xf32>
    %swap3A = arith.constant 0 : index
    %swap3A_28 = arith.constant 0 : index
    %swap3A_29 = vector.load %arg5[%swap3A, %swap3A_28] : memref<1024x4096xf32, #tpu.memory_space<vmem>>, vector<1024x4096xf32>
    tpu.vector_store %arg5[%swap3A, %swap3A_28], %bitcast_convert_type3A_27 {strides = array<i32>} : memref<1024x4096xf32, #tpu.memory_space<vmem>>, vector<1024x4096xf32>,
    %reduce_min3A = arith.constant dense<0x7F800000> : vector<1024xf32>
    %reduce_min3A_30 = vector.multi_reduction <minimumf>, %bitcast_convert_type3A_27, %reduce_min3A [1] : vector<1024x4096xf32> to vector<1024xf32>
    %broadcast_in_dim3A_31 = vector.shape_cast %reduce_min3A_30 : vector<1024xf32> to vector<1024x1xf32>
    %bitcast_convert_type3A_32 = tpu.bitcast %broadcast_in_dim3A_31 : vector<1024x1xf32> -> vector<1024x1xi32>
    %sub3A_33 = arith.constant 8388608 : i32
    %sub3A_34 = vector.broadcast %sub3A_33 : i32 to vector<1024x1xi32>
    %sub3A_35 = arith.subi %bitcast_convert_type3A_32, %sub3A_34 : vector<1024x1xi32>
    %and3A_36 = arith.constant 4095 : i32
    %and3A_37 = vector.broadcast %and3A_36 : i32 to vector<1024x1xi32>
    %and3A_38 = arith.andi %sub3A_35, %and3A_37 : vector<1024x1xi32>
    %eq3A = vector.broadcast %broadcast_in_dim3A_31 : vector<1024x1xf32> to vector<1024x4096xf32>
    %eq3A_39 = arith.cmpf oeq, %bitcast_convert_type3A_27, %eq3A : vector<1024x4096xf32>
    %jit3A = arith.constant 3.000000e+38 : f32
    %broadcast_in_dim3A_40 = vector.broadcast %jit3A : f32 to vector<1024x4096xf32>
    %select_n3A = arith.select %eq3A_39, %broadcast_in_dim3A_40, %bitcast_convert_type3A_27 : vector<1024x4096xi1>, vector<1024x4096xf32>
    %swap3A_41 = arith.constant 0 : index
    %swap3A_42 = arith.constant 0 : index
    %swap3A_43 = vector.load %arg5[%swap3A_41, %swap3A_42] : memref<1024x4096xf32, #tpu.memory_space<vmem>>, vector<1024x4096xf32>
    tpu.vector_store %arg5[%swap3A_41, %swap3A_42], %select_n3A {strides = array<i32>} : memref<1024x4096xf32, #tpu.memory_space<vmem>>, vector<1024x4096xf32>,
    %get3A_44 = arith.constant 0 : index
    %get3A_45 = arith.constant 0 : index
    %get3A_46 = vector.load %arg5[%get3A_44, %get3A_45] : memref<1024x4096xf32, #tpu.memory_space<vmem>>, vector<1024x4096xf32>
    %reduce_min3A_47 = arith.constant dense<0x7F800000> : vector<1024xf32>
    %reduce_min3A_48 = vector.multi_reduction <minimumf>, %get3A_46, %reduce_min3A_47 [1] : vector<1024x4096xf32> to vector<1024xf32>
    %broadcast_in_dim3A_49 = vector.shape_cast %reduce_min3A_48 : vector<1024xf32> to vector<1024x1xf32>
    %bitcast_convert_type3A_50 = tpu.bitcast %broadcast_in_dim3A_49 : vector<1024x1xf32> -> vector<1024x1xi32>
    %sub3A_51 = arith.constant 8388608 : i32
    %sub3A_52 = vector.broadcast %sub3A_51 : i32 to vector<1024x1xi32>
    %sub3A_53 = arith.subi %bitcast_convert_type3A_50, %sub3A_52 : vector<1024x1xi32>
    %and3A_54 = arith.constant 4095 : i32
    %and3A_55 = vector.broadcast %and3A_54 : i32 to vector<1024x1xi32>
    %and3A_56 = arith.andi %sub3A_53, %and3A_55 : vector<1024x1xi32>
    %eq3A_57 = vector.broadcast %broadcast_in_dim3A_49 : vector<1024x1xf32> to vector<1024x4096xf32>
    %eq3A_58 = arith.cmpf oeq, %get3A_46, %eq3A_57 : vector<1024x4096xf32>
    %jit3A_59 = arith.constant 3.000000e+38 : f32
    %broadcast_in_dim3A_60 = vector.broadcast %jit3A_59 : f32 to vector<1024x4096xf32>
    %select_n3A_61 = arith.select %eq3A_58, %broadcast_in_dim3A_60, %get3A_46 : vector<1024x4096xi1>, vector<1024x4096xf32>
    %swap3A_62 = arith.constant 0 : index
    %swap3A_63 = arith.constant 0 : index
    %swap3A_64 = vector.load %arg5[%swap3A_62, %swap3A_63] : memref<1024x4096xf32, #tpu.memory_space<vmem>>, vector<1024x4096xf32>
    tpu.vector_store %arg5[%swap3A_62, %swap3A_63], %select_n3A_61 {strides = array<i32>} : memref<1024x4096xf32, #tpu.memory_space<vmem>>, vector<1024x4096xf32>,
    %get3A_65 = arith.constant 0 : index
    %get3A_66 = arith.constant 0 : index
    %get3A_67 = vector.load %arg5[%get3A_65, %get3A_66] : memref<1024x4096xf32, #tpu.memory_space<vmem>>, vector<1024x4096xf32>
    %reduce_min3A_68 = arith.constant dense<0x7F800000> : vector<1024xf32>
    %reduce_min3A_69 = vector.multi_reduction <minimumf>, %get3A_67, %reduce_min3A_68 [1] : vector<1024x4096xf32> to vector<1024xf32>
    %broadcast_in_dim3A_70 = vector.shape_cast %reduce_min3A_69 : vector<1024xf32> to vector<1024x1xf32>
    %bitcast_convert_type3A_71 = tpu.bitcast %broadcast_in_dim3A_70 : vector<1024x1xf32> -> vector<1024x1xi32>
    %sub3A_72 = arith.constant 8388608 : i32
    %sub3A_73 = vector.broadcast %sub3A_72 : i32 to vector<1024x1xi32>
    %sub3A_74 = arith.subi %bitcast_convert_type3A_71, %sub3A_73 : vector<1024x1xi32>
    %and3A_75 = arith.constant 4095 : i32
    %and3A_76 = vector.broadcast %and3A_75 : i32 to vector<1024x1xi32>
    %and3A_77 = arith.andi %sub3A_74, %and3A_76 : vector<1024x1xi32>
    %eq3A_78 = vector.broadcast %broadcast_in_dim3A_70 : vector<1024x1xf32> to vector<1024x4096xf32>
    %eq3A_79 = arith.cmpf oeq, %get3A_67, %eq3A_78 : vector<1024x4096xf32>
    %jit3A_80 = arith.constant 3.000000e+38 : f32
    %broadcast_in_dim3A_81 = vector.broadcast %jit3A_80 : f32 to vector<1024x4096xf32>
    %select_n3A_82 = arith.select %eq3A_79, %broadcast_in_dim3A_81, %get3A_67 : vector<1024x4096xi1>, vector<1024x4096xf32>
    %swap3A_83 = arith.constant 0 : index
    %swap3A_84 = arith.constant 0 : index
    %swap3A_85 = vector.load %arg5[%swap3A_83, %swap3A_84] : memref<1024x4096xf32, #tpu.memory_space<vmem>>, vector<1024x4096xf32>
    tpu.vector_store %arg5[%swap3A_83, %swap3A_84], %select_n3A_82 {strides = array<i32>} : memref<1024x4096xf32, #tpu.memory_space<vmem>>, vector<1024x4096xf32>,
    %get3A_86 = arith.constant 0 : index
    %get3A_87 = arith.constant 0 : index
    %get3A_88 = vector.load %arg5[%get3A_86, %get3A_87] : memref<1024x4096xf32, #tpu.memory_space<vmem>>, vector<1024x4096xf32>
    %reduce_min3A_89 = arith.constant dense<0x7F800000> : vector<1024xf32>
    %reduce_min3A_90 = vector.multi_reduction <minimumf>, %get3A_88, %reduce_min3A_89 [1] : vector<1024x4096xf32> to vector<1024xf32>
    %broadcast_in_dim3A_91 = vector.shape_cast %reduce_min3A_90 : vector<1024xf32> to vector<1024x1xf32>
    %bitcast_convert_type3A_92 = tpu.bitcast %broadcast_in_dim3A_91 : vector<1024x1xf32> -> vector<1024x1xi32>
    %sub3A_93 = arith.constant 8388608 : i32
    %sub3A_94 = vector.broadcast %sub3A_93 : i32 to vector<1024x1xi32>
    %sub3A_95 = arith.subi %bitcast_convert_type3A_92, %sub3A_94 : vector<1024x1xi32>
    %and3A_96 = arith.constant 4095 : i32
    %and3A_97 = vector.broadcast %and3A_96 : i32 to vector<1024x1xi32>
    %and3A_98 = arith.andi %sub3A_95, %and3A_97 : vector<1024x1xi32>
    %eq3A_99 = vector.broadcast %broadcast_in_dim3A_91 : vector<1024x1xf32> to vector<1024x4096xf32>
    %eq3A_100 = arith.cmpf oeq, %get3A_88, %eq3A_99 : vector<1024x4096xf32>
    %jit3A_101 = arith.constant 3.000000e+38 : f32
    %broadcast_in_dim3A_102 = vector.broadcast %jit3A_101 : f32 to vector<1024x4096xf32>
    %select_n3A_103 = arith.select %eq3A_100, %broadcast_in_dim3A_102, %get3A_88 : vector<1024x4096xi1>, vector<1024x4096xf32>
    %swap3A_104 = arith.constant 0 : index
    %swap3A_105 = arith.constant 0 : index
    %swap3A_106 = vector.load %arg5[%swap3A_104, %swap3A_105] : memref<1024x4096xf32, #tpu.memory_space<vmem>>, vector<1024x4096xf32>
    tpu.vector_store %arg5[%swap3A_104, %swap3A_105], %select_n3A_103 {strides = array<i32>} : memref<1024x4096xf32, #tpu.memory_space<vmem>>, vector<1024x4096xf32>,
    %get3A_107 = arith.constant 0 : index
    %get3A_108 = arith.constant 0 : index
    %get3A_109 = vector.load %arg5[%get3A_107, %get3A_108] : memref<1024x4096xf32, #tpu.memory_space<vmem>>, vector<1024x4096xf32>
    %reduce_min3A_110 = arith.constant dense<0x7F800000> : vector<1024xf32>
    %reduce_min3A_111 = vector.multi_reduction <minimumf>, %get3A_109, %reduce_min3A_110 [1] : vector<1024x4096xf32> to vector<1024xf32>
    %broadcast_in_dim3A_112 = vector.shape_cast %reduce_min3A_111 : vector<1024xf32> to vector<1024x1xf32>
    %bitcast_convert_type3A_113 = tpu.bitcast %broadcast_in_dim3A_112 : vector<1024x1xf32> -> vector<1024x1xi32>
    %sub3A_114 = arith.constant 8388608 : i32
    %sub3A_115 = vector.broadcast %sub3A_114 : i32 to vector<1024x1xi32>
    %sub3A_116 = arith.subi %bitcast_convert_type3A_113, %sub3A_115 : vector<1024x1xi32>
    %and3A_117 = arith.constant 4095 : i32
    %and3A_118 = vector.broadcast %and3A_117 : i32 to vector<1024x1xi32>
    %and3A_119 = arith.andi %sub3A_116, %and3A_118 : vector<1024x1xi32>
    %eq3A_120 = vector.broadcast %broadcast_in_dim3A_112 : vector<1024x1xf32> to vector<1024x4096xf32>
    %eq3A_121 = arith.cmpf oeq, %get3A_109, %eq3A_120 : vector<1024x4096xf32>
    %jit3A_122 = arith.constant 3.000000e+38 : f32
    %broadcast_in_dim3A_123 = vector.broadcast %jit3A_122 : f32 to vector<1024x4096xf32>
    %select_n3A_124 = arith.select %eq3A_121, %broadcast_in_dim3A_123, %get3A_109 : vector<1024x4096xi1>, vector<1024x4096xf32>
    %swap3A_125 = arith.constant 0 : index
    %swap3A_126 = arith.constant 0 : index
    %swap3A_127 = vector.load %arg5[%swap3A_125, %swap3A_126] : memref<1024x4096xf32, #tpu.memory_space<vmem>>, vector<1024x4096xf32>
    tpu.vector_store %arg5[%swap3A_125, %swap3A_126], %select_n3A_124 {strides = array<i32>} : memref<1024x4096xf32, #tpu.memory_space<vmem>>, vector<1024x4096xf32>,
    %get3A_128 = arith.constant 0 : index
    %get3A_129 = arith.constant 0 : index
    %get3A_130 = vector.load %arg5[%get3A_128, %get3A_129] : memref<1024x4096xf32, #tpu.memory_space<vmem>>, vector<1024x4096xf32>
    %reduce_min3A_131 = arith.constant dense<0x7F800000> : vector<1024xf32>
    %reduce_min3A_132 = vector.multi_reduction <minimumf>, %get3A_130, %reduce_min3A_131 [1] : vector<1024x4096xf32> to vector<1024xf32>
    %broadcast_in_dim3A_133 = vector.shape_cast %reduce_min3A_132 : vector<1024xf32> to vector<1024x1xf32>
    %bitcast_convert_type3A_134 = tpu.bitcast %broadcast_in_dim3A_133 : vector<1024x1xf32> -> vector<1024x1xi32>
    %sub3A_135 = arith.constant 8388608 : i32
    %sub3A_136 = vector.broadcast %sub3A_135 : i32 to vector<1024x1xi32>
    %sub3A_137 = arith.subi %bitcast_convert_type3A_134, %sub3A_136 : vector<1024x1xi32>
    %and3A_138 = arith.constant 4095 : i32
    %and3A_139 = vector.broadcast %and3A_138 : i32 to vector<1024x1xi32>
    %and3A_140 = arith.andi %sub3A_137, %and3A_139 : vector<1024x1xi32>
    %eq3A_141 = vector.broadcast %broadcast_in_dim3A_133 : vector<1024x1xf32> to vector<1024x4096xf32>
    %eq3A_142 = arith.cmpf oeq, %get3A_130, %eq3A_141 : vector<1024x4096xf32>
    %jit3A_143 = arith.constant 3.000000e+38 : f32
    %broadcast_in_dim3A_144 = vector.broadcast %jit3A_143 : f32 to vector<1024x4096xf32>
    %select_n3A_145 = arith.select %eq3A_142, %broadcast_in_dim3A_144, %get3A_130 : vector<1024x4096xi1>, vector<1024x4096xf32>
    %swap3A_146 = arith.constant 0 : index
    %swap3A_147 = arith.constant 0 : index
    %swap3A_148 = vector.load %arg5[%swap3A_146, %swap3A_147] : memref<1024x4096xf32, #tpu.memory_space<vmem>>, vector<1024x4096xf32>
    tpu.vector_store %arg5[%swap3A_146, %swap3A_147], %select_n3A_145 {strides = array<i32>} : memref<1024x4096xf32, #tpu.memory_space<vmem>>, vector<1024x4096xf32>,
    %get3A_149 = arith.constant 0 : index
    %get3A_150 = arith.constant 0 : index
    %get3A_151 = vector.load %arg5[%get3A_149, %get3A_150] : memref<1024x4096xf32, #tpu.memory_space<vmem>>, vector<1024x4096xf32>
    %reduce_min3A_152 = arith.constant dense<0x7F800000> : vector<1024xf32>
    %reduce_min3A_153 = vector.multi_reduction <minimumf>, %get3A_151, %reduce_min3A_152 [1] : vector<1024x4096xf32> to vector<1024xf32>
    %broadcast_in_dim3A_154 = vector.shape_cast %reduce_min3A_153 : vector<1024xf32> to vector<1024x1xf32>
    %bitcast_convert_type3A_155 = tpu.bitcast %broadcast_in_dim3A_154 : vector<1024x1xf32> -> vector<1024x1xi32>
    %sub3A_156 = arith.constant 8388608 : i32
    %sub3A_157 = vector.broadcast %sub3A_156 : i32 to vector<1024x1xi32>
    %sub3A_158 = arith.subi %bitcast_convert_type3A_155, %sub3A_157 : vector<1024x1xi32>
    %and3A_159 = arith.constant 4095 : i32
    %and3A_160 = vector.broadcast %and3A_159 : i32 to vector<1024x1xi32>
    %and3A_161 = arith.andi %sub3A_158, %and3A_160 : vector<1024x1xi32>
    %eq3A_162 = vector.broadcast %broadcast_in_dim3A_154 : vector<1024x1xf32> to vector<1024x4096xf32>
    %eq3A_163 = arith.cmpf oeq, %get3A_151, %eq3A_162 : vector<1024x4096xf32>
    %jit3A_164 = arith.constant 3.000000e+38 : f32
    %broadcast_in_dim3A_165 = vector.broadcast %jit3A_164 : f32 to vector<1024x4096xf32>
    %select_n3A_166 = arith.select %eq3A_163, %broadcast_in_dim3A_165, %get3A_151 : vector<1024x4096xi1>, vector<1024x4096xf32>
    %swap3A_167 = arith.constant 0 : index
    %swap3A_168 = arith.constant 0 : index
    %swap3A_169 = vector.load %arg5[%swap3A_167, %swap3A_168] : memref<1024x4096xf32, #tpu.memory_space<vmem>>, vector<1024x4096xf32>
    tpu.vector_store %arg5[%swap3A_167, %swap3A_168], %select_n3A_166 {strides = array<i32>} : memref<1024x4096xf32, #tpu.memory_space<vmem>>, vector<1024x4096xf32>,
    %get3A_170 = arith.constant 0 : index
    %get3A_171 = arith.constant 0 : index
    %get3A_172 = vector.load %arg5[%get3A_170, %get3A_171] : memref<1024x4096xf32, #tpu.memory_space<vmem>>, vector<1024x4096xf32>
    %reduce_min3A_173 = arith.constant dense<0x7F800000> : vector<1024xf32>
    %reduce_min3A_174 = vector.multi_reduction <minimumf>, %get3A_172, %reduce_min3A_173 [1] : vector<1024x4096xf32> to vector<1024xf32>
    %broadcast_in_dim3A_175 = vector.shape_cast %reduce_min3A_174 : vector<1024xf32> to vector<1024x1xf32>
    %bitcast_convert_type3A_176 = tpu.bitcast %broadcast_in_dim3A_175 : vector<1024x1xf32> -> vector<1024x1xi32>
    %sub3A_177 = arith.constant 8388608 : i32
    %sub3A_178 = vector.broadcast %sub3A_177 : i32 to vector<1024x1xi32>
    %sub3A_179 = arith.subi %bitcast_convert_type3A_176, %sub3A_178 : vector<1024x1xi32>
    %and3A_180 = arith.constant 4095 : i32
    %and3A_181 = vector.broadcast %and3A_180 : i32 to vector<1024x1xi32>
    %and3A_182 = arith.andi %sub3A_179, %and3A_181 : vector<1024x1xi32>
    %concatenate3A = tpu.concatenate %and3A_38, %and3A_56, %and3A_77, %and3A_98, %and3A_119, %and3A_140, %and3A_161, %and3A_182 in 1 : vector<1024x1xi32>, vector<1024x1xi32>, vector<1024x1xi32>, vector<1024x1xi32>, vector<1024x1xi32>, vector<1024x1xi32>, vector<1024x1xi32>, vector<1024x1xi32> -> vector<1024x8xi32>
    %swap3A_183 = arith.constant 0 : index
    %swap3A_184 = arith.constant 0 : index
    %swap3A_185 = arith.constant 0 : index
    %swap3A_186 = vector.load %arg4[%swap3A_183, %swap3A_184, %swap3A_185] : memref<1x1024x8xi32, #tpu.memory_space<vmem>>, vector<1x1024x8xi32>
    %swap3A_187 = vector.shape_cast %swap3A_186 : vector<1x1024x8xi32> to vector<1024x8xi32>
    %swap3A_188 = vector.shape_cast %concatenate3A : vector<1024x8xi32> to vector<1x1024x8xi32>
    tpu.vector_store %arg4[%swap3A_183, %swap3A_184, %swap3A_185], %swap3A_188 {strides = array<i32>} : memref<1x1024x8xi32, #tpu.memory_space<vmem>>, vector<1x1024x8xi32>,
    return
  }
  func.func @transform_0(%arg0: i32, %arg1: i32) -> (i32, i32, i32) {
    %c0_i32 = arith.constant 0 : i32
    %c0_i32_0 = arith.constant 0 : i32
    %c0_i32_1 = arith.constant 0 : i32
    return %arg0, %c0_i32, %c0_i32_0 : i32, i32, i32
  }
  func.func @transform_1(%arg0: i32, %arg1: i32) -> (i32, i32, i32) {
    %c0_i32 = arith.constant 0 : i32
    %c0_i32_0 = arith.constant 0 : i32
    return %arg0, %arg1, %c0_i32 : i32, i32, i32
  }
  func.func @transform_2(%arg0: i32, %arg1: i32) -> (i32, i32, i32) {
    %c0_i32 = arith.constant 0 : i32
    %c0_i32_0 = arith.constant 0 : i32
    return %arg0, %arg1, %c0_i32 : i32, i32, i32
  }
}

module attributes {stable_mosaic.version = 14 : i64} {
  func.func @_feats_body(%arg0: i32, %arg1: i32, %arg2: memref<1x512x128xf32, #tpu.memory_space<vmem>>, %arg3: memref<1x1x128xf32, #tpu.memory_space<vmem>>, %arg4: memref<128x256xf32, #tpu.memory_space<vmem>>, %arg5: memref<1x256xf32, #tpu.memory_space<vmem>>, %arg6: memref<128x256xf32, #tpu.memory_space<vmem>>, %arg7: memref<1x256xf32, #tpu.memory_space<vmem>>, %arg8: memref<1x512x256xf32, #tpu.memory_space<vmem>>, %arg9: memref<1x512x256xf32, #tpu.memory_space<vmem>>) attributes {dimension_semantics = [#tpu.dimension_semantics<parallel>, #tpu.dimension_semantics<parallel>], iteration_bounds = array<i64: 2, 8>, scalar_prefetch = 0 : i64, scratch_operands = 0 : i64, tpu.core_type = #tpu.core_type<tc>, window_params = [{transform_indices = @transform_0, window_bounds = array<i64: 1, 512, 128>}, {transform_indices = @transform_1, window_bounds = array<i64: 1, 1, 128>}, {pipeline_mode = #tpu.pipeline_mode<synchronous>, transform_indices = @transform_2, window_bounds = array<i64: 128, 256>}, {pipeline_mode = #tpu.pipeline_mode<synchronous>, transform_indices = @transform_3, window_bounds = array<i64: 1, 256>}, {pipeline_mode = #tpu.pipeline_mode<synchronous>, transform_indices = @transform_4, window_bounds = array<i64: 128, 256>}, {pipeline_mode = #tpu.pipeline_mode<synchronous>, transform_indices = @transform_5, window_bounds = array<i64: 1, 256>}, {transform_indices = @transform_6, window_bounds = array<i64: 1, 512, 256>}, {transform_indices = @transform_7, window_bounds = array<i64: 1, 512, 256>}]} {
    %get3A = arith.constant 0 : index
    %get3A_0 = arith.constant 0 : index
    %get3A_1 = arith.constant 0 : index
    %get3A_2 = vector.load %arg2[%get3A, %get3A_0, %get3A_1] : memref<1x512x128xf32, #tpu.memory_space<vmem>>, vector<1x512x128xf32>
    %get3A_3 = vector.shape_cast %get3A_2 : vector<1x512x128xf32> to vector<512x128xf32>
    %get3A_4 = arith.constant 0 : index
    %get3A_5 = arith.constant 0 : index
    %get3A_6 = arith.constant 0 : index
    %get3A_7 = vector.load %arg3[%get3A_4, %get3A_5, %get3A_6] : memref<1x1x128xf32, #tpu.memory_space<vmem>>, vector<1x1x128xf32>
    %get3A_8 = vector.shape_cast %get3A_7 : vector<1x1x128xf32> to vector<1x128xf32>
    %mul3A = vector.broadcast %get3A_8 : vector<1x128xf32> to vector<512x128xf32>
    %mul3A_9 = arith.mulf %get3A_3, %mul3A : vector<512x128xf32>
    %get3A_10 = arith.constant 0 : index
    %get3A_11 = arith.constant 0 : index
    %get3A_12 = vector.load %arg4[%get3A_10, %get3A_11] : memref<128x256xf32, #tpu.memory_space<vmem>>, vector<128x256xf32>
    %dot_general3A = arith.constant dense<0.000000e+00> : vector<512x256xf32>
    %dot_general3A_13 = tpu.matmul %mul3A_9, %get3A_12, %dot_general3A {dimension_numbers = #tpu.dot_dimension_numbers<[1], [0], [0], [1], [0, 0, 1, 1], [], []>, transpose_lhs_hint = false} : vector<512x128xf32>, vector<128x256xf32>, vector<512x256xf32> -> vector<512x256xf32>
    %get3A_14 = arith.constant 0 : index
    %get3A_15 = arith.constant 0 : index
    %get3A_16 = vector.load %arg5[%get3A_14, %get3A_15] : memref<1x256xf32, #tpu.memory_space<vmem>>, vector<1x256xf32>
    %add3A = vector.broadcast %get3A_16 : vector<1x256xf32> to vector<512x256xf32>
    %add3A_17 = arith.addf %dot_general3A_13, %add3A : vector<512x256xf32>
    %swap3A = arith.constant 0 : index
    %swap3A_18 = arith.constant 0 : index
    %swap3A_19 = arith.constant 0 : index
    %swap3A_20 = vector.load %arg8[%swap3A, %swap3A_18, %swap3A_19] : memref<1x512x256xf32, #tpu.memory_space<vmem>>, vector<1x512x256xf32>
    %swap3A_21 = vector.shape_cast %swap3A_20 : vector<1x512x256xf32> to vector<512x256xf32>
    %swap3A_22 = vector.shape_cast %add3A_17 : vector<512x256xf32> to vector<1x512x256xf32>
    tpu.vector_store %arg8[%swap3A, %swap3A_18, %swap3A_19], %swap3A_22 {strides = array<i32>} : memref<1x512x256xf32, #tpu.memory_space<vmem>>, vector<1x512x256xf32>,
    %get3A_23 = arith.constant 0 : index
    %get3A_24 = arith.constant 0 : index
    %get3A_25 = vector.load %arg6[%get3A_23, %get3A_24] : memref<128x256xf32, #tpu.memory_space<vmem>>, vector<128x256xf32>
    %dot_general3A_26 = arith.constant dense<0.000000e+00> : vector<512x256xf32>
    %dot_general3A_27 = tpu.matmul %mul3A_9, %get3A_25, %dot_general3A_26 {dimension_numbers = #tpu.dot_dimension_numbers<[1], [0], [0], [1], [0, 0, 1, 1], [], []>, transpose_lhs_hint = false} : vector<512x128xf32>, vector<128x256xf32>, vector<512x256xf32> -> vector<512x256xf32>
    %get3A_28 = arith.constant 0 : index
    %get3A_29 = arith.constant 0 : index
    %get3A_30 = vector.load %arg7[%get3A_28, %get3A_29] : memref<1x256xf32, #tpu.memory_space<vmem>>, vector<1x256xf32>
    %add3A_31 = vector.broadcast %get3A_30 : vector<1x256xf32> to vector<512x256xf32>
    %add3A_32 = arith.addf %dot_general3A_27, %add3A_31 : vector<512x256xf32>
    %swap3A_33 = arith.constant 0 : index
    %swap3A_34 = arith.constant 0 : index
    %swap3A_35 = arith.constant 0 : index
    %swap3A_36 = vector.load %arg9[%swap3A_33, %swap3A_34, %swap3A_35] : memref<1x512x256xf32, #tpu.memory_space<vmem>>, vector<1x512x256xf32>
    %swap3A_37 = vector.shape_cast %swap3A_36 : vector<1x512x256xf32> to vector<512x256xf32>
    %swap3A_38 = vector.shape_cast %add3A_32 : vector<512x256xf32> to vector<1x512x256xf32>
    tpu.vector_store %arg9[%swap3A_33, %swap3A_34, %swap3A_35], %swap3A_38 {strides = array<i32>} : memref<1x512x256xf32, #tpu.memory_space<vmem>>, vector<1x512x256xf32>,
    return
  }
  func.func @transform_0(%arg0: i32, %arg1: i32) -> (i32, i32, i32) {
    %c0_i32 = arith.constant 0 : i32
    %c0_i32_0 = arith.constant 0 : i32
    return %arg0, %arg1, %c0_i32 : i32, i32, i32
  }
  func.func @transform_1(%arg0: i32, %arg1: i32) -> (i32, i32, i32) {
    %c0_i32 = arith.constant 0 : i32
    %c0_i32_0 = arith.constant 0 : i32
    %c0_i32_1 = arith.constant 0 : i32
    return %arg0, %c0_i32, %c0_i32_0 : i32, i32, i32
  }
  func.func @transform_2(%arg0: i32, %arg1: i32) -> (i32, i32) {
    %c0_i32 = arith.constant 0 : i32
    %c0_i32_0 = arith.constant 0 : i32
    %c0_i32_1 = arith.constant 0 : i32
    return %c0_i32, %c0_i32_0 : i32, i32
  }
  func.func @transform_3(%arg0: i32, %arg1: i32) -> (i32, i32) {
    %c0_i32 = arith.constant 0 : i32
    %c0_i32_0 = arith.constant 0 : i32
    %c0_i32_1 = arith.constant 0 : i32
    return %c0_i32, %c0_i32_0 : i32, i32
  }
  func.func @transform_4(%arg0: i32, %arg1: i32) -> (i32, i32) {
    %c0_i32 = arith.constant 0 : i32
    %c0_i32_0 = arith.constant 0 : i32
    %c0_i32_1 = arith.constant 0 : i32
    return %c0_i32, %c0_i32_0 : i32, i32
  }
  func.func @transform_5(%arg0: i32, %arg1: i32) -> (i32, i32) {
    %c0_i32 = arith.constant 0 : i32
    %c0_i32_0 = arith.constant 0 : i32
    %c0_i32_1 = arith.constant 0 : i32
    return %c0_i32, %c0_i32_0 : i32, i32
  }
  func.func @transform_6(%arg0: i32, %arg1: i32) -> (i32, i32, i32) {
    %c0_i32 = arith.constant 0 : i32
    %c0_i32_0 = arith.constant 0 : i32
    return %arg0, %arg1, %c0_i32 : i32, i32, i32
  }
  func.func @transform_7(%arg0: i32, %arg1: i32) -> (i32, i32, i32) {
    %c0_i32 = arith.constant 0 : i32
    %c0_i32_0 = arith.constant 0 : i32
    return %arg0, %arg1, %c0_i32 : i32, i32, i32
  }
}

module attributes {stable_mosaic.version = 14 : i64} {
  func.func @_se_body(%arg0: i32, %arg1: memref<16x128xf32, #tpu.memory_space<vmem>>, %arg2: memref<16x128xf32, #tpu.memory_space<vmem>>, %arg3: memref<1x1x128xf32, #tpu.memory_space<vmem>>, %arg4: memref<256x8xf32, #tpu.memory_space<vmem>>, %arg5: memref<1x8xf32, #tpu.memory_space<vmem>>, %arg6: memref<8x128xf32, #tpu.memory_space<vmem>>, %arg7: memref<1x128xf32, #tpu.memory_space<vmem>>, %arg8: memref<1x1x128xf32, #tpu.memory_space<vmem>>) attributes {dimension_semantics = [#tpu.dimension_semantics<parallel>], iteration_bounds = array<i64: 2>, scalar_prefetch = 0 : i64, scratch_operands = 0 : i64, tpu.core_type = #tpu.core_type<tc>, window_params = [{transform_indices = @transform_0, window_bounds = array<i64: 16, 128>}, {transform_indices = @transform_1, window_bounds = array<i64: 16, 128>}, {transform_indices = @transform_2, window_bounds = array<i64: 1, 1, 128>}, {pipeline_mode = #tpu.pipeline_mode<synchronous>, transform_indices = @transform_3, window_bounds = array<i64: 256, 8>}, {pipeline_mode = #tpu.pipeline_mode<synchronous>, transform_indices = @transform_4, window_bounds = array<i64: 1, 8>}, {pipeline_mode = #tpu.pipeline_mode<synchronous>, transform_indices = @transform_5, window_bounds = array<i64: 8, 128>}, {pipeline_mode = #tpu.pipeline_mode<synchronous>, transform_indices = @transform_6, window_bounds = array<i64: 1, 128>}, {transform_indices = @transform_7, window_bounds = array<i64: 1, 1, 128>}]} {
    %get3A = arith.constant 0 : index
    %get3A_0 = arith.constant 0 : index
    %get3A_1 = vector.load %arg1[%get3A, %get3A_0] : memref<16x128xf32, #tpu.memory_space<vmem>>, vector<16x128xf32>
    %reduce_sum3A = arith.constant dense<0.000000e+00> : vector<128xf32>
    %reduce_sum3A_2 = vector.multi_reduction <add>, %get3A_1, %reduce_sum3A [0] : vector<16x128xf32> to vector<128xf32>
    %broadcast_in_dim3A = vector.shape_cast %reduce_sum3A_2 : vector<128xf32> to vector<1x128xf32>
    %get3A_3 = arith.constant 0 : index
    %get3A_4 = arith.constant 0 : index
    %get3A_5 = vector.load %arg2[%get3A_3, %get3A_4] : memref<16x128xf32, #tpu.memory_space<vmem>>, vector<16x128xf32>
    %reduce_sum3A_6 = arith.constant dense<0.000000e+00> : vector<128xf32>
    %reduce_sum3A_7 = vector.multi_reduction <add>, %get3A_5, %reduce_sum3A_6 [0] : vector<16x128xf32> to vector<128xf32>
    %broadcast_in_dim3A_8 = vector.shape_cast %reduce_sum3A_7 : vector<128xf32> to vector<1x128xf32>
    %concatenate3A = tpu.concatenate %broadcast_in_dim3A, %broadcast_in_dim3A_8 in 1 : vector<1x128xf32>, vector<1x128xf32> -> vector<1x256xf32>
    %mul3A = arith.constant 2.44140625E-4 : f32
    %mul3A_9 = vector.broadcast %mul3A : f32 to vector<1x256xf32>
    %mul3A_10 = arith.mulf %concatenate3A, %mul3A_9 : vector<1x256xf32>
    %get3A_11 = arith.constant 0 : index
    %get3A_12 = arith.constant 0 : index
    %get3A_13 = vector.load %arg4[%get3A_11, %get3A_12] : memref<256x8xf32, #tpu.memory_space<vmem>>, vector<256x8xf32>
    %dot_general3A = arith.constant dense<0.000000e+00> : vector<1x8xf32>
    %dot_general3A_14 = tpu.matmul %mul3A_10, %get3A_13, %dot_general3A {dimension_numbers = #tpu.dot_dimension_numbers<[1], [0], [0], [1], [0, 0, 1, 1], [], []>, transpose_lhs_hint = false} : vector<1x256xf32>, vector<256x8xf32>, vector<1x8xf32> -> vector<1x8xf32>
    %get3A_15 = arith.constant 0 : index
    %get3A_16 = arith.constant 0 : index
    %get3A_17 = vector.load %arg5[%get3A_15, %get3A_16] : memref<1x8xf32, #tpu.memory_space<vmem>>, vector<1x8xf32>
    %add3A = arith.addf %dot_general3A_14, %get3A_17 : vector<1x8xf32>
    %max3A = arith.constant 0.000000e+00 : f32
    %max3A_18 = vector.broadcast %max3A : f32 to vector<1x8xf32>
    %max3A_19 = arith.maximumf %add3A, %max3A_18 : vector<1x8xf32>
    %get3A_20 = arith.constant 0 : index
    %get3A_21 = arith.constant 0 : index
    %get3A_22 = vector.load %arg6[%get3A_20, %get3A_21] : memref<8x128xf32, #tpu.memory_space<vmem>>, vector<8x128xf32>
    %dot_general3A_23 = arith.constant dense<0.000000e+00> : vector<1x128xf32>
    %dot_general3A_24 = tpu.matmul %max3A_19, %get3A_22, %dot_general3A_23 {dimension_numbers = #tpu.dot_dimension_numbers<[1], [0], [0], [1], [0, 0, 1, 1], [], []>, transpose_lhs_hint = false} : vector<1x8xf32>, vector<8x128xf32>, vector<1x128xf32> -> vector<1x128xf32>
    %get3A_25 = arith.constant 0 : index
    %get3A_26 = arith.constant 0 : index
    %get3A_27 = vector.load %arg7[%get3A_25, %get3A_26] : memref<1x128xf32, #tpu.memory_space<vmem>>, vector<1x128xf32>
    %add3A_28 = arith.addf %dot_general3A_24, %get3A_27 : vector<1x128xf32>
    %neg3A = arith.constant 0.000000e+00 : f32
    %neg3A_29 = vector.broadcast %neg3A : f32 to vector<1x128xf32>
    %neg3A_30 = arith.subf %neg3A_29, %add3A_28 : vector<1x128xf32>
    %exp3A = math.exp %neg3A_30 : vector<1x128xf32>
    %add3A_31 = arith.constant 1.000000e+00 : f32
    %add3A_32 = vector.broadcast %add3A_31 : f32 to vector<1x128xf32>
    %add3A_33 = arith.addf %add3A_32, %exp3A : vector<1x128xf32>
    %div3A = arith.constant 1.000000e+00 : f32
    %div3A_34 = vector.broadcast %div3A : f32 to vector<1x128xf32>
    %div3A_35 = arith.divf %div3A_34, %add3A_33 : vector<1x128xf32>
    %get3A_36 = arith.constant 0 : index
    %get3A_37 = arith.constant 0 : index
    %get3A_38 = arith.constant 0 : index
    %get3A_39 = vector.load %arg3[%get3A_36, %get3A_37, %get3A_38] : memref<1x1x128xf32, #tpu.memory_space<vmem>>, vector<1x1x128xf32>
    %get3A_40 = vector.shape_cast %get3A_39 : vector<1x1x128xf32> to vector<1x128xf32>
    %mul3A_41 = arith.mulf %get3A_40, %div3A_35 : vector<1x128xf32>
    %swap3A = arith.constant 0 : index
    %swap3A_42 = arith.constant 0 : index
    %swap3A_43 = arith.constant 0 : index
    %swap3A_44 = vector.load %arg8[%swap3A, %swap3A_42, %swap3A_43] : memref<1x1x128xf32, #tpu.memory_space<vmem>>, vector<1x1x128xf32>
    %swap3A_45 = vector.shape_cast %swap3A_44 : vector<1x1x128xf32> to vector<1x128xf32>
    %swap3A_46 = vector.shape_cast %mul3A_41 : vector<1x128xf32> to vector<1x1x128xf32>
    tpu.vector_store %arg8[%swap3A, %swap3A_42, %swap3A_43], %swap3A_46 {strides = array<i32>} : memref<1x1x128xf32, #tpu.memory_space<vmem>>, vector<1x1x128xf32>,
    return
  }
  func.func @transform_0(%arg0: i32) -> (i32, i32) {
    %c0_i32 = arith.constant 0 : i32
    %c0_i32_0 = arith.constant 0 : i32
    return %arg0, %c0_i32 : i32, i32
  }
  func.func @transform_1(%arg0: i32) -> (i32, i32) {
    %c0_i32 = arith.constant 0 : i32
    %c0_i32_0 = arith.constant 0 : i32
    return %arg0, %c0_i32 : i32, i32
  }
  func.func @transform_2(%arg0: i32) -> (i32, i32, i32) {
    %c0_i32 = arith.constant 0 : i32
    %c0_i32_0 = arith.constant 0 : i32
    %c0_i32_1 = arith.constant 0 : i32
    return %arg0, %c0_i32, %c0_i32_0 : i32, i32, i32
  }
  func.func @transform_3(%arg0: i32) -> (i32, i32) {
    %c0_i32 = arith.constant 0 : i32
    %c0_i32_0 = arith.constant 0 : i32
    %c0_i32_1 = arith.constant 0 : i32
    return %c0_i32, %c0_i32_0 : i32, i32
  }
  func.func @transform_4(%arg0: i32) -> (i32, i32) {
    %c0_i32 = arith.constant 0 : i32
    %c0_i32_0 = arith.constant 0 : i32
    %c0_i32_1 = arith.constant 0 : i32
    return %c0_i32, %c0_i32_0 : i32, i32
  }
  func.func @transform_5(%arg0: i32) -> (i32, i32) {
    %c0_i32 = arith.constant 0 : i32
    %c0_i32_0 = arith.constant 0 : i32
    %c0_i32_1 = arith.constant 0 : i32
    return %c0_i32, %c0_i32_0 : i32, i32
  }
  func.func @transform_6(%arg0: i32) -> (i32, i32) {
    %c0_i32 = arith.constant 0 : i32
    %c0_i32_0 = arith.constant 0 : i32
    %c0_i32_1 = arith.constant 0 : i32
    return %c0_i32, %c0_i32_0 : i32, i32
  }
  func.func @transform_7(%arg0: i32) -> (i32, i32, i32) {
    %c0_i32 = arith.constant 0 : i32
    %c0_i32_0 = arith.constant 0 : i32
    %c0_i32_1 = arith.constant 0 : i32
    return %arg0, %c0_i32, %c0_i32_0 : i32, i32, i32
  }
}

module attributes {stable_mosaic.version = 14 : i64} {
  func.func @_final_body(%arg0: i32, %arg1: memref<1x128x4096xf32, #tpu.memory_space<vmem>>, %arg2: memref<1x1x128xf32, #tpu.memory_space<vmem>>, %arg3: memref<1x1xf32, #tpu.memory_space<vmem>>, %arg4: memref<1x128x4096xf32, #tpu.memory_space<vmem>>) attributes {dimension_semantics = [#tpu.dimension_semantics<parallel>], iteration_bounds = array<i64: 2>, scalar_prefetch = 0 : i64, scratch_operands = 0 : i64, tpu.core_type = #tpu.core_type<tc>, window_params = [{transform_indices = @transform_0, window_bounds = array<i64: 1, 128, 4096>}, {transform_indices = @transform_1, window_bounds = array<i64: 1, 1, 128>}, {pipeline_mode = #tpu.pipeline_mode<synchronous>, transform_indices = @transform_2, window_bounds = array<i64: 1, 1>}, {transform_indices = @transform_3, window_bounds = array<i64: 1, 128, 4096>}]} {
    %get3A = arith.constant 0 : index
    %get3A_0 = arith.constant 0 : index
    %get3A_1 = vector.load %arg3[%get3A, %get3A_0] : memref<1x1xf32, #tpu.memory_space<vmem>>, vector<1x1xf32>
    %get3A_2 = vector.extract %get3A_1[0, 0] : f32 from vector<1x1xf32>
    %get3A_3 = arith.constant 0 : index
    %get3A_4 = arith.constant 0 : index
    %get3A_5 = arith.constant 0 : index
    %get3A_6 = vector.load %arg2[%get3A_3, %get3A_4, %get3A_5] : memref<1x1x128xf32, #tpu.memory_space<vmem>>, vector<1x1x128xf32>
    %get3A_7 = vector.shape_cast %get3A_6 : vector<1x1x128xf32> to vector<1x128xf32>
    %mul3A = vector.broadcast %get3A_2 : f32 to vector<1x128xf32>
    %mul3A_8 = arith.mulf %mul3A, %get3A_7 : vector<1x128xf32>
    %add3A = arith.constant 1.000000e+00 : f32
    %add3A_9 = vector.broadcast %add3A : f32 to vector<1x128xf32>
    %add3A_10 = arith.addf %add3A_9, %mul3A_8 : vector<1x128xf32>
    %iota3A = tpu.iota {dimensions = array<i32: 0>} : vector<128x128xi32>
    %iota3A_11 = tpu.iota {dimensions = array<i32: 1>} : vector<128x128xi32>
    %eq3A = arith.cmpi eq, %iota3A, %iota3A_11 : vector<128x128xi32>
    %broadcast_in_dim3A = vector.shape_cast %add3A_10 : vector<1x128xf32> to vector<1x128xf32>
    %broadcast_in_dim3A_12 = vector.broadcast %broadcast_in_dim3A : vector<1x128xf32> to vector<128x128xf32>
    %jit3A = arith.constant 0.000000e+00 : f32
    %broadcast_in_dim3A_13 = vector.broadcast %jit3A : f32 to vector<128x128xf32>
    %select_n3A = arith.select %eq3A, %broadcast_in_dim3A_12, %broadcast_in_dim3A_13 : vector<128x128xi1>, vector<128x128xf32>
    %get3A_14 = arith.constant 0 : index
    %get3A_15 = arith.constant 0 : index
    %get3A_16 = arith.constant 0 : index
    %get3A_17 = vector.load %arg1[%get3A_14, %get3A_15, %get3A_16] : memref<1x128x4096xf32, #tpu.memory_space<vmem>>, vector<1x128x4096xf32>
    %get3A_18 = vector.shape_cast %get3A_17 : vector<1x128x4096xf32> to vector<128x4096xf32>
    %dot_general3A = arith.constant dense<0.000000e+00> : vector<128x4096xf32>
    %dot_general3A_19 = tpu.matmul %select_n3A, %get3A_18, %dot_general3A {dimension_numbers = #tpu.dot_dimension_numbers<[1], [0], [0], [1], [0, 0, 1, 1], [], []>, precision = #tpu.contract_precision<fp32>, transpose_lhs_hint = false} : vector<128x128xf32>, vector<128x4096xf32>, vector<128x4096xf32> -> vector<128x4096xf32>
    %max3A = arith.constant 0.000000e+00 : f32
    %max3A_20 = vector.broadcast %max3A : f32 to vector<128x4096xf32>
    %max3A_21 = arith.maximumf %dot_general3A_19, %max3A_20 : vector<128x4096xf32>
    %swap3A = arith.constant 0 : index
    %swap3A_22 = arith.constant 0 : index
    %swap3A_23 = arith.constant 0 : index
    %swap3A_24 = vector.load %arg4[%swap3A, %swap3A_22, %swap3A_23] : memref<1x128x4096xf32, #tpu.memory_space<vmem>>, vector<1x128x4096xf32>
    %swap3A_25 = vector.shape_cast %swap3A_24 : vector<1x128x4096xf32> to vector<128x4096xf32>
    %swap3A_26 = vector.shape_cast %max3A_21 : vector<128x4096xf32> to vector<1x128x4096xf32>
    tpu.vector_store %arg4[%swap3A, %swap3A_22, %swap3A_23], %swap3A_26 {strides = array<i32>} : memref<1x128x4096xf32, #tpu.memory_space<vmem>>, vector<1x128x4096xf32>,
    return
  }
  func.func @transform_0(%arg0: i32) -> (i32, i32, i32) {
    %c0_i32 = arith.constant 0 : i32
    %c0_i32_0 = arith.constant 0 : i32
    %c0_i32_1 = arith.constant 0 : i32
    return %arg0, %c0_i32, %c0_i32_0 : i32, i32, i32
  }
  func.func @transform_1(%arg0: i32) -> (i32, i32, i32) {
    %c0_i32 = arith.constant 0 : i32
    %c0_i32_0 = arith.constant 0 : i32
    %c0_i32_1 = arith.constant 0 : i32
    return %arg0, %c0_i32, %c0_i32_0 : i32, i32, i32
  }
  func.func @transform_2(%arg0: i32) -> (i32, i32) {
    %c0_i32 = arith.constant 0 : i32
    %c0_i32_0 = arith.constant 0 : i32
    %c0_i32_1 = arith.constant 0 : i32
    return %c0_i32, %c0_i32_0 : i32, i32
  }
  func.func @transform_3(%arg0: i32) -> (i32, i32, i32) {
    %c0_i32 = arith.constant 0 : i32
    %c0_i32_0 = arith.constant 0 : i32
    %c0_i32_1 = arith.constant 0 : i32
    return %arg0, %c0_i32, %c0_i32_0 : i32, i32, i32
  }
}

</mosaic_0001>

<sc_bundles>
// kernel: body.11.cloned.1.call-start
scs
__scs_entry_jumppad:
0x0: {  	(pc) =	sbr.rel $0x88, $3  }
0x1: {  	(tag) =	ssettag $0x0;
	lr =	simm.s32 $0x1  }
0x2: {  	[smem:$0x3F94] =	sst lr;
	_ =	strace $0xD0000000  }
0x3: {  	_ = 	snop  }
0x4: {  	_ = 	snop  }
0x5: {  	_ = 	snop  }
0x6: {  	_ = 	snop  }
0x7: {  	_ = 	snop  }
__scs_overlays_trampoline_lowered:
0x8: {  	[smem:$0x3FA3] =	sst s0  }
0x9: {  	[smem:$0x3FA4] =	sst s1  }
0xa: {  	[smem:$0x3FA5] =	sst s2  }
0xb: {  	[smem:$0x3FA6] =	sst s3  }
0xc: {  	[smem:$0x3FA7] =	sst s4  }
0xd: {  	[smem:$0x3FA8] =	sst s5  }
0xe: {  	[smem:$0x3FA9] =	sst s6  }
0xf: {  	[smem:$0x3FAA] =	sst s7  }
0x10: {  	[smem:$0x3FAB] =	sst s8  }
0x11: {  	[smem:$0x3FAC] =	sst s9;
	s0 =	simm.s32 @!p0 $0x0  }
0x12: {  	s1 =	sld [smem:$0x3F92];
	s0 =	simm.s32 @p0 $0x1  }
0x13: {  	[smem:$0x3FAD] =	sst s0;
	s0 =	simm.s32 @!p1 $0x0  }
0x14: {  	s2 =	sld [smem:$0x3F91];
	s0 =	simm.s32 @p1 $0x1  }
0x15: {  	[smem:$0x3FAE] =	sst s0;
	s0 =	simm.s32 @!p2 $0x0  }
0x16: {  	s3 =	sld [smem:$0x3FDB];
	s0 =	simm.s32 @p2 $0x1  }
0x17: {  	s4 =	simm.s32 $0x1BF5;
	[smem:$0x3FB0] =	sst s0  }
0x18: {  	s0 =	sld [smem:$0x3F93];
	_ =	swait.ge [sflag:s4], $0x0  }
0x19: {  	s7 =	sld [smem:$0x3F94]  }
0x1a: {  	s8 =	sadd.s32 $0xFFFFE003, lr  }
0x1b: {  	s9 =	sadd.s32 $0xFFFFFEF7, lr;
	s5 =	simm.s32 $0xFFFFFFFF;
	p2 =	slt.u32 s8, $0xFFFFF086  }
0x1c: {  	p1 =	slt.u32 s9, $0xF7A;
	s5 =	simm.s32 @!p2 $0x0  }
0x1d: {  	s5 =	simm.s32 @p1 $0x1;
	p0 =	seq.s32 s7, s2  }
0x1e: {  	s7 =	smul.u32 @!p0 $0xF7A, s2;
	p2 =	seq.s32 @!p0 s5, $0x0  }
0x1f: {  	s9 =	smul.u32 $0xF7A, s1;
	s8 =	simm.s32 @!p0 $0x1BF5;
	p2 =	por !p2, p0  }
0x20: {  	[sflag:s8] =	ssyncset.s32 @!p0 $0xFFFFF086;
	s6 =	sadd.s32 @!p0 s3, s7;
	s7 =	simm.s32 @!p0 $0x108  }
0x21: {  	s3 =	sadd.s32 s3, s9;
	s6 =	sadd.s32 @!p0 $0x88, s6;
	s7 =	simm.s32 @p2 $0x1082  }
0x22: {  	[simem:s7], [sflag:s8] =	dma.local @!p0 [hbm:s6], $0xF7A  }
0x23: {  	s9 =	sor.u32 $0xD0000000, s2;
	s6 =	simm.s32 $0x108;
	_ =	swait.ge @!p0 [sflag:s8], $0x0  }
0x24: {  	s3 =	sadd.s32 $0x88, s3;
	s6 =	simm.s32 @!p1 $0x1082;
	[sflag:s4] =	ssyncset.s32 $0xFFFFF086  }
0x25: {  	[simem:s6], [sflag:s4] =	dma.local [hbm:s3], $0xF7A  }
0x26: {  	[smem:$0x3F94] =	sst s1;
	(tag) =	ssettag s2;
	_ =	strace s9  }
0x27: {  	s1 =	sld [smem:$0x3FA4]  }
0x28: {  	s2 =	sld [smem:$0x3FA5]  }
0x29: {  	s4 =	sld [smem:$0x3FA7]  }
0x2a: {  	p0 =	seq.s32 s5, $0x0;
	s5 =	sld [smem:$0x3FA8]  }
0x2b: {  	s6 =	sld [smem:$0x3FA9]  }
0x2c: {  	s7 =	sld [smem:$0x3FAA]  }
0x2d: {  	s3 =	simm.s32 $0x108;
	s8 =	sld [smem:$0x3FAB]  }
0x2e: {  	s3 =	simm.s32 @!p0 $0x1082;
	s9 =	sld [smem:$0x3FAC]  }
0x2f: {  	lr =	sadd.s32 s0, s3;
	s0 =	sld [smem:$0x3FA3]  }
0x30: {  	s3 =	sld [smem:$0x3FA6]  }
0x31: {  	[smem:$0x3FAF] =	sst s10  }
0x32: {  	s10 =	sld [smem:$0x3FAD];
	_ =	sdelay $0x3  }
0x33: {  	p0 =	seq.s32 s10, $0x1;
	s10 =	sld [smem:$0x3FAF];
	_ =	sdelay $0x3  }
0x34: {  	[smem:$0x3FAF] =	sst s10  }
0x35: {  	s10 =	sld [smem:$0x3FAE];
	_ =	sdelay $0x3  }
0x36: {  	p1 =	seq.s32 s10, $0x1;
	s10 =	sld [smem:$0x3FAF];
	_ =	sdelay $0x3  }
0x37: {  	[smem:$0x3FAF] =	sst s10  }
0x38: {  	s10 =	sld [smem:$0x3FB0]  }
0x39: {  	_ = 	snop;
	(pc) =	sbr.ind lr, $3  }
0x3a: {  	_ = 	snop  }
0x3b: {  	_ = 	snop  }
0x3c: {  	p2 =	seq.s32 s10, $0x1;
	s10 =	sld [smem:$0x3FAF]  }
0x3d: {  	_ =	shalt  }
0x3e: {  	_ =	shalt  }
0x3f: {  	_ =	shalt  }
0x40: {  	_ =	shalt  }
0x41: {  	_ =	shalt  }
0x42: {  	_ =	shalt  }
0x43: {  	_ =	shalt  }
0x44: {  	_ =	shalt  }
0x45: {  	_ =	shalt  }
0x46: {  	_ =	shalt  }
0x47: {  	_ =	shalt  }
0x48: {  	_ =	shalt  }
0x49: {  	_ =	shalt  }
0x4a: {  	_ =	shalt  }
0x4b: {  	_ =	shalt  }
0x4c: {  	_ =	shalt  }
0x4d: {  	_ =	shalt  }
0x4e: {  	_ =	shalt  }
0x4f: {  	_ =	shalt  }
0x50: {  	_ =	shalt  }
0x51: {  	_ =	shalt  }
0x52: {  	_ =	shalt  }
0x53: {  	_ =	shalt  }
0x54: {  	_ =	shalt  }
0x55: {  	_ =	shalt  }
0x56: {  	_ =	shalt  }
0x57: {  	_ =	shalt  }
0x58: {  	_ =	shalt  }
0x59: {  	_ =	shalt  }
0x5a: {  	_ =	shalt  }
0x5b: {  	_ =	shalt  }
0x5c: {  	_ =	shalt  }
0x5d: {  	_ =	shalt  }
0x5e: {  	_ =	shalt  }
0x5f: {  	_ =	shalt  }
0x60: {  	_ =	shalt  }
0x61: {  	_ =	shalt  }
0x62: {  	_ =	shalt  }
0x63: {  	_ =	shalt  }
0x64: {  	_ =	shalt  }
0x65: {  	_ =	shalt  }
0x66: {  	_ =	shalt  }
0x67: {  	_ =	shalt  }
0x68: {  	_ =	shalt  }
0x69: {  	_ =	shalt  }
0x6a: {  	_ =	shalt  }
0x6b: {  	_ =	shalt  }
0x6c: {  	_ =	shalt  }
0x6d: {  	_ =	shalt  }
0x6e: {  	_ =	shalt  }
0x6f: {  	_ =	shalt  }
0x70: {  	_ =	shalt  }
0x71: {  	_ =	shalt  }
0x72: {  	_ =	shalt  }
0x73: {  	_ =	shalt  }
0x74: {  	_ =	shalt  }
0x75: {  	_ =	shalt  }
0x76: {  	_ =	shalt  }
0x77: {  	_ =	shalt  }
0x78: {  	_ =	shalt  }
0x79: {  	_ =	shalt  }
0x7a: {  	_ =	shalt  }
0x7b: {  	_ =	shalt  }
0x7c: {  	_ =	shalt  }
0x7d: {  	_ =	shalt  }
0x7e: {  	_ =	shalt  }
0x7f: {  	_ =	shalt  }
0x80: {  	_ =	shalt  }
0x81: {  	_ =	shalt  }
0x82: {  	_ =	shalt  }
0x83: {  	_ =	shalt  }
0x84: {  	_ =	shalt  }
0x85: {  	_ =	shalt  }
0x86: {  	_ =	shalt  }
0x87: {  	_ =	shalt  }
.Lfunc_end0:
.L_simem_size_0:
called_computation_lowered:
.L_overlay_start_0:
0x88: {  	s2 =	sld [smem:$0x3FD9]  }
0x89: {  	s3 =	sld [smem:$0x3FFE];
	_ =	sdelay $0x1  }
0x8a: {  	s1 =	srdreg.scid  }
0x8b: {  	s0 =	sand.u32 $0x1, s1  }
0x8c: {  	s17 =	sshll.u32 s0, $0xA;
	s2 =	sadd.s32 s3, s2  }
0x8d: {  	s2 =	sadd.s32 s2, s17  }
0x8e: {  	[smem:$0x3FBB] =	sst s2  }
0x8f: {  	_ = 	snop  }
0x90: {  	s2 =	sld [smem:$0x3FD0];
	(tm) =	ssettm $0x1  }
0x91: {  	s18 =	sld [smem:$0x3FFB];
	_ =	sdelay $0x3  }
0x92: {  	_ =	strace s18  }
0x93: {  	s3 =	sld [smem:$0x3FFC];
	_ =	sdelay $0x3  }
0x94: {  	_ =	strace s3  }
0x95: {  	s3 =	sld [smem:$0x3FFD];
	_ =	sdelay $0x3  }
0x96: {  	_ =	strace s3  }
0x97: {  	_ =	strace $0x8FFFFFFF  }
0x98: {  	s19 =	sld [smem:$0x3FDB];
	_ =	sdelay $0x1  }
0x99: {  	s4 =	simm.s32 $_scs_section_size  }
0x9a: {  	s5 =	simm.s32 $_size__tile_overlayer_lowered;
	s6 =	simm.s32 $_tile_overlayer_lowered  }
0x9b: {  	s22 =	simm.s32 $0x1BFF;
	s21 =	sshll.u32 s6, $0x1;
	s3 =	sadd.s32 s4, s19  }
0x9c: {  	s7 =	simm.s32 $0x0;
	s20 =	sshll.u32 s5, $0x1;
	s5 =	sadd.s32 s21, s3  }
0x9d: {  	[timem:s7], [sflag:s22] =	dma.local [hbm:s5], s20  }
0x9e: {  	_ =	swait.ge [sflag:s22], s20  }
0x9f: {  	s4 =	ssub.s32 $0x0, s20;
	[sflag:s22] =	ssyncset.done $0x0  }
0xa0: {  	[sflag:s22] =	ssyncadd.s32 s4;
	_ =	sdelay $0x1  }
0xa1: {  	s23 =	simm.s32 $0x1B8B  }
0xa2: {  	_ =	swait.ge [sflag:s23], $0x1  }
0xa3: {  	[sflag:s23] =	ssyncset.done $0x0  }
0xa4: {  	s25 =	simm.s32 $0x1B8E;
	s24 =	sld [smem:$0x3FFE];
	[sflag:s23] =	ssyncadd.s32 $0xFFFFFFFF  }
0xa5: {  	s26 =	simm.s32 $execute0_lowered;
	[smem:$0x3FD2] =	sst s25  }
0xa6: {  	s5 =	sshll.u32 s26, $0x1;
	_ =	strace $0x80000046;
	[dreg:$0x1] =	wrdreg $0xFFFFFFFF  }
0xa7: {  	s28 =	simm.s32 $_size_execute0_lowered;
	s3 =	sadd.s32 s3, s5;
	[dreg:$0x0] =	wrdreg $0x0  }
0xa8: {  	s5 =	sshll.u32 s28, $0x1;
	[dreg:$0x2] =	wrdreg s3  }
0xa9: {  	[dreg:$0x3] =	wrdreg s5  }
0xaa: {  	[dreg:$0x4] =	wrdreg $0xC0  }
0xab: {  	_ =	task [dreg:s7], $0x5FFFF  }
0xac: {  	[dreg:$0x1] =	wrdreg $0xFFFFFFFF  }
0xad: {  	[dreg:$0x0] =	wrdreg $0x60  }
0xae: {  	[dreg:$0x2] =	wrdreg s24  }
0xaf: {  	[dreg:$0x3] =	wrdreg s2  }
0xb0: {  	[dreg:$0x4] =	wrdreg $0x9  }
0xb1: {  	_ =	task.clear_ibuf [dreg:s7], $0x5FFFF;
	_ =	strace $0x90000046  }
0xb2: {  	s29 =	simm.s32 $0x9;
	_ =	strace $0x80000048  }
0xb3: {  	_ =	swait.ge [sflag:s29], $0x1  }
0xb4: {  	[sflag:s29] =	ssyncadd.s32 $0xFFFFFFFF  }
0xb5: {  	_ =	strace $0x90000048  }
0xb6: {  	_ =	sfence  }
0xb7: {  	s30 =	sld [smem:$0x0];
	_ =	sdelay $0x2  }
0xb8: {  	s31 =	sshll.u32 s1, $0xD;
	s1 =	sshrl.u32 s1, $0x2  }
0xb9: {  	s3 =	sand.u32 $0x4000, s31;
	s1 =	sadd.s32 s1, s30  }
0xba: {  	s0 =	sor.u32 s3, s0;
	s1 =	sshll.u32 s1, $0x11  }
0xbb: {  	s0 =	sor.u32 s1, s0  }
0xbc: {  	s0 =	sadd.s32 $0x8F2B, s0  }
0xbd: {  	[sflag:s0] =	ssyncadd.remote.s32 $0x1  }
0xbe: {  	_ =	sfence.sel $0xFFFF  }
0xbf: {  	[dreg:$0x0] =	wrdreg $0xFFFFFFFF;
	(pc) =	sbr.abs _section_cstart, $3  }
0xc0: {  	[dreg:$0x1] =	wrdreg $0xFFFFFFFF  }
0xc1: {  	_ =	task.clear_ibuf [dreg:s7], $0x2FFFF;
	_ =	strace $0x9FFFFFFF  }
0xc2: {  	(tm) =	ssettm $0x7FFFFFFF  }
0xc3: {  	_ =	shalt  }
tec
execute0_lowered:
.L_overlay_start_1:
0x0: {  	(tag) =	ssettag $0x1  }
0x1: {  	s0 =	rddreg [dreg:$0x0];
	s1 =	simm.s32 $0x0;
	s24 =	srdreg.scid  }
0x2: {  	s2 =	stileid.u32;
	s11 =	simm.s32 $0x2;
	s28 =	simm.s32 $0x7100  }
0x3: {  	s29 =	simm.s32 $0x7900;
	s30 =	simm.s32 $0x8100;
	s31 =	simm.s32 $0x8900  }
0x4: {  	s8 =	simm.s32 $0xA900;
	s9 =	simm.s32 $0xB100;
	s10 =	simm.s32 $0xB900  }
0x5: {  	s12 =	simm.s32 $0xC900;
	s13 =	simm.s32 $0xD100;
	s14 =	simm.s32 $0xD900  }
0x6: {  	s15 =	simm.s32 $0xE100;
	s16 =	simm.s32 $0xE900;
	s17 =	simm.s32 $0xF100  }
0x7: {  	s18 =	simm.s32 $0xF900;
	s19 =	simm.s32 $0x1;
	s21 =	simm.s32 $0x0  }
0x8: {  	[smem:$0x7FF] =	sst s1;
	s1 =	sand.u32 $0x1, s24;
	s2 =	sshll.u32 s2, $0x1  }
0x9: {  	s4 =	sadd.s32 $0x5400, s0;
	s5 =	sadd.s32 $0x45400, s0;
	s2 =	sor.u32 s1, s2  }
0xa: {  	s6 =	sadd.s32 $0x3400, s0;
	s1 =	ssub.s32 $0x2, s1;
	s3 =	sshll.u32 s2, $0x4  }
0xb: {  	s24 =	simm.s32 $0x5900;
	s7 =	sshrl.u32 s1, $0x1;
	s0 =	sadd.s32 s3, s0  }
0xc: {  	v0 =	vlaneseq.u32;
	_ =	strace $0x80000047;
	s1 =	ssub.s32 s1, s7;
	s25 =	sadd.s32 $0x85400, s0  }
0xd: {  	v1 =	vand.u32 $0x7, v0;
	v63 =	vshrl.u32 v0, $0x3;
	s7 =	sshll.u32 s2, $0x8;
	s0 =	sadd.s32 $0x85600, s0;
	[dreg:$0x3] =	wrdreg s25  }
0xe: {  	v0 =	vor.u32 $0x8, v0;
	[tilespmem:$0x1FFD0] =	vst v1;
	v1 =	vmul.u32 $0x8, v63;
	s2 =	simm.s32 $0x9900;
	s26 =	smax.u32 s1, $0x1;
	[dreg:$0x4] =	wrdreg s0  }
0xf: {  	[tilespmem:$0x1FFF0] =	vst v0;
	s3 =	simm.s32 $0xA100;
	s1 =	simm.s32 $0xC100;
	[dreg:$0x5] =	wrdreg s26  }
0x10: {  	vm0 =	vmmov $0xffff;
	[tilespmem:$0x1FFE0] =	vst v1;
	s25 =	simm.s32 $0x6100;
	s26 =	simm.s32 $0x6900;
	s0 =	simm.s32 $0x9100  }
.LBB2_1:
0x11: {  	v3 =	vimm.f32 $0.0e+00  }
0x12: {  	v4 =	vimm.f32 $0.0e+00;
	v5 =	vimm.f32 $0.0e+00;
	v6 =	vimm.f32 $0.0e+00  }
0x13: {  	v8 =	vimm.f32 $0.0e+00;
	v10 =	vimm.f32 $0.0e+00;
	v12 =	vimm.f32 $0.0e+00  }
0x14: {  	v14 =	vimm.f32 $0.0e+00;
	v7 =	vimm.f32 $0.0e+00;
	v9 =	vimm.f32 $0.0e+00  }
0x15: {  	v11 =	vimm.f32 $0.0e+00;
	v13 =	vimm.f32 $0.0e+00;
	v15 =	vimm.f32 $0.0e+00  }
0x16: {  	[dreg:$0x6] =	wrdreg s21;
	v16 =	vimm.f32 $0.0e+00;
	v17 =	vimm.f32 $0.0e+00;
	v18 =	vimm.f32 $0.0e+00;
	s20 =	simm.s32 $0x0  }
.LBB2_2:
0x17: {  	s21 =	sshll.u32 s20, $0x4  }
0x18: {  	s23 =	rddreg [dreg:$0x1];
	s22 =	sadd.s32 s7, s21  }
0x19: {  	s21 =	simm.s32 $0x0;
	s23 =	sadd.s32 s23, s22  }
0x1a: {  	[tilespmem:s21], [sflag:$0x2] =	stream.linear.gather [hbm4b:s23+s21], $0x80, $0x38;
	[tilespmem:$0x10200] =	vst v63  }
0x1b: {  	_ =	swait.ge [sflag:s11], $0x80  }
0x1c: {  	[sflag:s11] =	ssyncset.done $0x0  }
0x1d: {  	s22 =	sadd.s32 s6, s22;
	s23 =	simm.s32 $0x80;
	[sflag:s11] =	ssyncadd.s32 $0xFFFFFF80  }
0x1e: {  	[tilespmem:s23], [sflag:$0x2] =	stream.linear.gather [hbm4b:s22+s21], $0x80, $0x38;
	[tilespmem:$0x10200] =	vst v63  }
0x1f: {  	_ =	swait.ge [sflag:s11], $0x80  }
0x20: {  	[sflag:s11] =	ssyncset.done $0x0  }
0x21: {  	[sflag:s11] =	ssyncadd.s32 $0xFFFFFF80  }
0x22: {  	v0 =	vld [tilespmem:$0x0];
	_ =	sdelay $0x2  }
0x23: {  	v1 =	vld [tilespmem:$0x1FFD0]  }
0x24: {  	v2 =	vld [tilespmem:$0x1FFE0]  }
0x25: {  	v20 =	vld [tilespmem:$0x1FFF0];
	v19 =	vshll.u32 v0, $0x1  }
0x26: {  	v0 =	vand.u32 $0x7, v0;
	v19 =	vand.u32 $0xFFFFFFF0, v19  }
0x27: {  	v0 =	vor.u32 v0, v19  }
0x28: {  	v19 =	vperm.xlane v0, v1;
	_ =	sdelay $0x1  }
0x29: {  	v0 =	vperm.xlane v0, v20;
	v19 =	vadd.s32 v2, v19;
	_ =	sdelay $0x1  }
0x2a: {  	v0 =	vadd.s32 v2, v0;
	_ =	sdelay $0x1  }
0x2b: {  	s23 =	simm.s32 $0x100  }
0x2c: {  	[tilespmem:s23], [sflag:$0x1] =	stream.indirect_vreg.gather [hbm4b:s4+s21], $0x80, v19, vm0, $0xb8;
	[tilespmem:$0x10200] =	vst v63  }
0x2d: {  	s23 =	simm.s32 $0x900  }
0x2e: {  	[tilespmem:s23], [sflag:$0x1] =	stream.indirect_vreg.gather [hbm4b:s4+s21], $0x80, v0, vm0, $0xb8;
	[tilespmem:$0x10200] =	vst v63  }
0x2f: {  	v0 =	vld [tilespmem:$0x10];
	_ =	sdelay $0x4  }
0x30: {  	v19 =	vshll.u32 v0, $0x1  }
0x31: {  	v0 =	vand.u32 $0x7, v0;
	v19 =	vand.u32 $0xFFFFFFF0, v19  }
0x32: {  	v0 =	vor.u32 v0, v19  }
0x33: {  	v19 =	vperm.xlane v0, v1;
	_ =	sdelay $0x1  }
0x34: {  	v0 =	vperm.xlane v0, v20;
	v19 =	vadd.s32 v2, v19;
	_ =	sdelay $0x1  }
0x35: {  	v0 =	vadd.s32 v2, v0;
	_ =	sdelay $0x1  }
0x36: {  	s23 =	simm.s32 $0x1100  }
0x37: {  	[tilespmem:s23], [sflag:$0x1] =	stream.indirect_vreg.gather [hbm4b:s4+s21], $0x80, v19, vm0, $0xb8;
	[tilespmem:$0x10200] =	vst v63  }
0x38: {  	s23 =	simm.s32 $0x1900  }
0x39: {  	[tilespmem:s23], [sflag:$0x1] =	stream.indirect_vreg.gather [hbm4b:s4+s21], $0x80, v0, vm0, $0xb8;
	[tilespmem:$0x10200] =	vst v63  }
0x3a: {  	v0 =	vld [tilespmem:$0x20];
	_ =	sdelay $0x4  }
0x3b: {  	v19 =	vshll.u32 v0, $0x1  }
0x3c: {  	v0 =	vand.u32 $0x7, v0;
	v19 =	vand.u32 $0xFFFFFFF0, v19  }
0x3d: {  	v0 =	vor.u32 v0, v19  }
0x3e: {  	v19 =	vperm.xlane v0, v1;
	_ =	sdelay $0x1  }
0x3f: {  	v0 =	vperm.xlane v0, v20;
	v19 =	vadd.s32 v2, v19;
	_ =	sdelay $0x1  }
0x40: {  	v0 =	vadd.s32 v2, v0;
	_ =	sdelay $0x1  }
0x41: {  	s23 =	simm.s32 $0x2100  }
0x42: {  	[tilespmem:s23], [sflag:$0x1] =	stream.indirect_vreg.gather [hbm4b:s4+s21], $0x80, v19, vm0, $0xb8;
	[tilespmem:$0x10200] =	vst v63  }
0x43: {  	s23 =	simm.s32 $0x2900  }
0x44: {  	[tilespmem:s23], [sflag:$0x1] =	stream.indirect_vreg.gather [hbm4b:s4+s21], $0x80, v0, vm0, $0xb8;
	[tilespmem:$0x10200] =	vst v63  }
0x45: {  	v0 =	vld [tilespmem:$0x30];
	_ =	sdelay $0x4  }
0x46: {  	v19 =	vshll.u32 v0, $0x1  }
0x47: {  	v0 =	vand.u32 $0x7, v0;
	v19 =	vand.u32 $0xFFFFFFF0, v19  }
0x48: {  	v0 =	vor.u32 v0, v19  }
0x49: {  	v19 =	vperm.xlane v0, v1;
	_ =	sdelay $0x1  }
0x4a: {  	v0 =	vperm.xlane v0, v20;
	v19 =	vadd.s32 v2, v19;
	_ =	sdelay $0x1  }
0x4b: {  	v0 =	vadd.s32 v2, v0;
	_ =	sdelay $0x1  }
0x4c: {  	s23 =	simm.s32 $0x3100  }
0x4d: {  	[tilespmem:s23], [sflag:$0x1] =	stream.indirect_vreg.gather [hbm4b:s4+s21], $0x80, v19, vm0, $0xb8;
	[tilespmem:$0x10200] =	vst v63  }
0x4e: {  	s23 =	simm.s32 $0x3900  }
0x4f: {  	[tilespmem:s23], [sflag:$0x1] =	stream.indirect_vreg.gather [hbm4b:s4+s21], $0x80, v0, vm0, $0xb8;
	[tilespmem:$0x10200] =	vst v63  }
0x50: {  	v0 =	vld [tilespmem:$0x40];
	_ =	sdelay $0x4  }
0x51: {  	v19 =	vshll.u32 v0, $0x1  }
0x52: {  	v0 =	vand.u32 $0x7, v0;
	v19 =	vand.u32 $0xFFFFFFF0, v19  }
0x53: {  	v0 =	vor.u32 v0, v19  }
0x54: {  	v19 =	vperm.xlane v0, v1;
	_ =	sdelay $0x1  }
0x55: {  	v0 =	vperm.xlane v0, v20;
	v19 =	vadd.s32 v2, v19;
	_ =	sdelay $0x1  }
0x56: {  	v0 =	vadd.s32 v2, v0;
	_ =	sdelay $0x1  }
0x57: {  	s23 =	simm.s32 $0x4100  }
0x58: {  	[tilespmem:s23], [sflag:$0x1] =	stream.indirect_vreg.gather [hbm4b:s4+s21], $0x80, v19, vm0, $0xb8;
	[tilespmem:$0x10200] =	vst v63  }
0x59: {  	s23 =	simm.s32 $0x4900  }
0x5a: {  	[tilespmem:s23], [sflag:$0x1] =	stream.indirect_vreg.gather [hbm4b:s4+s21], $0x80, v0, vm0, $0xb8;
	[tilespmem:$0x10200] =	vst v63  }
0x5b: {  	v0 =	vld [tilespmem:$0x50];
	_ =	sdelay $0x4  }
0x5c: {  	v19 =	vshll.u32 v0, $0x1  }
0x5d: {  	v0 =	vand.u32 $0x7, v0;
	v19 =	vand.u32 $0xFFFFFFF0, v19  }
0x5e: {  	v0 =	vor.u32 v0, v19  }
0x5f: {  	v19 =	vperm.xlane v0, v1;
	_ =	sdelay $0x1  }
0x60: {  	v0 =	vperm.xlane v0, v20;
	v19 =	vadd.s32 v2, v19;
	_ =	sdelay $0x1  }
0x61: {  	v0 =	vadd.s32 v2, v0;
	_ =	sdelay $0x1  }
0x62: {  	s23 =	simm.s32 $0x5100  }
0x63: {  	[tilespmem:s23], [sflag:$0x1] =	stream.indirect_vreg.gather [hbm4b:s4+s21], $0x80, v19, vm0, $0xb8;
	[tilespmem:$0x10200] =	vst v63  }
0x64: {  	_ = 	snop  }
0x65: {  	[tilespmem:s24], [sflag:$0x1] =	stream.indirect_vreg.gather [hbm4b:s4+s21], $0x80, v0, vm0, $0xb8;
	[tilespmem:$0x10200] =	vst v63  }
0x66: {  	v0 =	vld [tilespmem:$0x60];
	_ =	sdelay $0x4  }
0x67: {  	v19 =	vshll.u32 v0, $0x1  }
0x68: {  	v0 =	vand.u32 $0x7, v0;
	v19 =	vand.u32 $0xFFFFFFF0, v19  }
0x69: {  	v0 =	vor.u32 v0, v19  }
0x6a: {  	v19 =	vperm.xlane v0, v1;
	_ =	sdelay $0x1  }
0x6b: {  	v0 =	vperm.xlane v0, v20;
	v19 =	vadd.s32 v2, v19;
	_ =	sdelay $0x1  }
0x6c: {  	v0 =	vadd.s32 v2, v0;
	_ =	sdelay $0x2  }
0x6d: {  	[tilespmem:s25], [sflag:$0x1] =	stream.indirect_vreg.gather [hbm4b:s4+s21], $0x80, v19, vm0, $0xb8;
	[tilespmem:$0x10200] =	vst v63  }
0x6e: {  	_ = 	snop  }
0x6f: {  	[tilespmem:s26], [sflag:$0x1] =	stream.indirect_vreg.gather [hbm4b:s4+s21], $0x80, v0, vm0, $0xb8;
	[tilespmem:$0x10200] =	vst v63  }
0x70: {  	v0 =	vld [tilespmem:$0x70];
	_ =	sdelay $0x4  }
0x71: {  	v19 =	vshll.u32 v0, $0x1  }
0x72: {  	v0 =	vand.u32 $0x7, v0;
	v19 =	vand.u32 $0xFFFFFFF0, v19  }
0x73: {  	v0 =	vor.u32 v0, v19  }
0x74: {  	v19 =	vperm.xlane v0, v1;
	_ =	sdelay $0x1  }
0x75: {  	v0 =	vperm.xlane v0, v20;
	v19 =	vadd.s32 v2, v19;
	_ =	sdelay $0x1  }
0x76: {  	v0 =	vadd.s32 v2, v0;
	_ =	sdelay $0x2  }
0x77: {  	[tilespmem:s28], [sflag:$0x1] =	stream.indirect_vreg.gather [hbm4b:s4+s21], $0x80, v19, vm0, $0xb8;
	[tilespmem:$0x10200] =	vst v63  }
0x78: {  	_ = 	snop  }
0x79: {  	[tilespmem:s29], [sflag:$0x1] =	stream.indirect_vreg.gather [hbm4b:s4+s21], $0x80, v0, vm0, $0xb8;
	[tilespmem:$0x10200] =	vst v63  }
0x7a: {  	v0 =	vld [tilespmem:$0x80];
	_ =	sdelay $0x4  }
0x7b: {  	v19 =	vshll.u32 v0, $0x1  }
0x7c: {  	v0 =	vand.u32 $0x7, v0;
	v19 =	vand.u32 $0xFFFFFFF0, v19  }
0x7d: {  	v0 =	vor.u32 v0, v19  }
0x7e: {  	v19 =	vperm.xlane v0, v1;
	_ =	sdelay $0x1  }
0x7f: {  	v0 =	vperm.xlane v0, v20;
	v19 =	vadd.s32 v2, v19;
	_ =	sdelay $0x1  }
0x80: {  	v0 =	vadd.s32 v2, v0;
	_ =	sdelay $0x2  }
0x81: {  	[tilespmem:s30], [sflag:$0x1] =	stream.indirect_vreg.gather [hbm4b:s5+s21], $0x80, v19, vm0, $0xb8;
	[tilespmem:$0x10200] =	vst v63  }
0x82: {  	_ = 	snop  }
0x83: {  	[tilespmem:s31], [sflag:$0x1] =	stream.indirect_vreg.gather [hbm4b:s5+s21], $0x80, v0, vm0, $0xb8;
	[tilespmem:$0x10200] =	vst v63  }
0x84: {  	v0 =	vld [tilespmem:$0x90];
	_ =	sdelay $0x4  }
0x85: {  	v19 =	vshll.u32 v0, $0x1  }
0x86: {  	v0 =	vand.u32 $0x7, v0;
	v19 =	vand.u32 $0xFFFFFFF0, v19  }
0x87: {  	v0 =	vor.u32 v0, v19  }
0x88: {  	v19 =	vperm.xlane v0, v1;
	_ =	sdelay $0x1  }
0x89: {  	v0 =	vperm.xlane v0, v20;
	v19 =	vadd.s32 v2, v19;
	_ =	sdelay $0x1  }
0x8a: {  	v0 =	vadd.s32 v2, v0;
	_ =	sdelay $0x2  }
0x8b: {  	[tilespmem:s0], [sflag:$0x1] =	stream.indirect_vreg.gather [hbm4b:s5+s21], $0x80, v19, vm0, $0xb8;
	[tilespmem:$0x10200] =	vst v63  }
0x8c: {  	_ = 	snop  }
0x8d: {  	[tilespmem:s2], [sflag:$0x1] =	stream.indirect_vreg.gather [hbm4b:s5+s21], $0x80, v0, vm0, $0xb8;
	[tilespmem:$0x10200] =	vst v63  }
0x8e: {  	v0 =	vld [tilespmem:$0xA0];
	_ =	sdelay $0x4  }
0x8f: {  	v19 =	vshll.u32 v0, $0x1  }
0x90: {  	v0 =	vand.u32 $0x7, v0;
	v19 =	vand.u32 $0xFFFFFFF0, v19  }
0x91: {  	v0 =	vor.u32 v0, v19  }
0x92: {  	v19 =	vperm.xlane v0, v1;
	_ =	sdelay $0x1  }
0x93: {  	v0 =	vperm.xlane v0, v20;
	v19 =	vadd.s32 v2, v19;
	_ =	sdelay $0x1  }
0x94: {  	v0 =	vadd.s32 v2, v0;
	_ =	sdelay $0x2  }
0x95: {  	[tilespmem:s3], [sflag:$0x1] =	stream.indirect_vreg.gather [hbm4b:s5+s21], $0x80, v19, vm0, $0xb8;
	[tilespmem:$0x10200] =	vst v63  }
0x96: {  	_ = 	snop  }
0x97: {  	[tilespmem:s8], [sflag:$0x1] =	stream.indirect_vreg.gather [hbm4b:s5+s21], $0x80, v0, vm0, $0xb8;
	[tilespmem:$0x10200] =	vst v63  }
0x98: {  	v0 =	vld [tilespmem:$0xB0];
	_ =	sdelay $0x4  }
0x99: {  	v19 =	vshll.u32 v0, $0x1  }
0x9a: {  	v0 =	vand.u32 $0x7, v0;
	v19 =	vand.u32 $0xFFFFFFF0, v19  }
0x9b: {  	v0 =	vor.u32 v0, v19  }
0x9c: {  	v19 =	vperm.xlane v0, v1;
	_ =	sdelay $0x1  }
0x9d: {  	v0 =	vperm.xlane v0, v20;
	v19 =	vadd.s32 v2, v19;
	_ =	sdelay $0x1  }
0x9e: {  	v0 =	vadd.s32 v2, v0;
	_ =	sdelay $0x2  }
0x9f: {  	[tilespmem:s9], [sflag:$0x1] =	stream.indirect_vreg.gather [hbm4b:s5+s21], $0x80, v19, vm0, $0xb8;
	[tilespmem:$0x10200] =	vst v63  }
0xa0: {  	_ = 	snop  }
0xa1: {  	[tilespmem:s10], [sflag:$0x1] =	stream.indirect_vreg.gather [hbm4b:s5+s21], $0x80, v0, vm0, $0xb8;
	[tilespmem:$0x10200] =	vst v63  }
0xa2: {  	v0 =	vld [tilespmem:$0xC0];
	_ =	sdelay $0x4  }
0xa3: {  	v19 =	vshll.u32 v0, $0x1  }
0xa4: {  	v0 =	vand.u32 $0x7, v0;
	v19 =	vand.u32 $0xFFFFFFF0, v19  }
0xa5: {  	v0 =	vor.u32 v0, v19  }
0xa6: {  	v19 =	vperm.xlane v0, v1;
	_ =	sdelay $0x1  }
0xa7: {  	v0 =	vperm.xlane v0, v20;
	v19 =	vadd.s32 v2, v19;
	_ =	sdelay $0x1  }
0xa8: {  	v0 =	vadd.s32 v2, v0;
	_ =	sdelay $0x2  }
0xa9: {  	[tilespmem:s1], [sflag:$0x1] =	stream.indirect_vreg.gather [hbm4b:s5+s21], $0x80, v19, vm0, $0xb8;
	[tilespmem:$0x10200] =	vst v63  }
0xaa: {  	_ = 	snop  }
0xab: {  	[tilespmem:s12], [sflag:$0x1] =	stream.indirect_vreg.gather [hbm4b:s5+s21], $0x80, v0, vm0, $0xb8;
	[tilespmem:$0x10200] =	vst v63  }
0xac: {  	v0 =	vld [tilespmem:$0xD0];
	_ =	sdelay $0x4  }
0xad: {  	v19 =	vshll.u32 v0, $0x1  }
0xae: {  	v0 =	vand.u32 $0x7, v0;
	v19 =	vand.u32 $0xFFFFFFF0, v19  }
0xaf: {  	v0 =	vor.u32 v0, v19  }
0xb0: {  	v19 =	vperm.xlane v0, v1;
	_ =	sdelay $0x1  }
0xb1: {  	v0 =	vperm.xlane v0, v20;
	v19 =	vadd.s32 v2, v19;
	_ =	sdelay $0x1  }
0xb2: {  	v0 =	vadd.s32 v2, v0;
	_ =	sdelay $0x2  }
0xb3: {  	[tilespmem:s13], [sflag:$0x1] =	stream.indirect_vreg.gather [hbm4b:s5+s21], $0x80, v19, vm0, $0xb8;
	[tilespmem:$0x10200] =	vst v63  }
0xb4: {  	_ = 	snop  }
0xb5: {  	[tilespmem:s14], [sflag:$0x1] =	stream.indirect_vreg.gather [hbm4b:s5+s21], $0x80, v0, vm0, $0xb8;
	[tilespmem:$0x10200] =	vst v63  }
0xb6: {  	v0 =	vld [tilespmem:$0xE0];
	_ =	sdelay $0x4  }
0xb7: {  	v19 =	vshll.u32 v0, $0x1  }
0xb8: {  	v0 =	vand.u32 $0x7, v0;
	v19 =	vand.u32 $0xFFFFFFF0, v19  }
0xb9: {  	v0 =	vor.u32 v0, v19  }
0xba: {  	v19 =	vperm.xlane v0, v1;
	_ =	sdelay $0x1  }
0xbb: {  	v0 =	vperm.xlane v0, v20;
	v19 =	vadd.s32 v2, v19;
	_ =	sdelay $0x1  }
0xbc: {  	v0 =	vadd.s32 v2, v0;
	_ =	sdelay $0x2  }
0xbd: {  	[tilespmem:s15], [sflag:$0x1] =	stream.indirect_vreg.gather [hbm4b:s5+s21], $0x80, v19, vm0, $0xb8;
	[tilespmem:$0x10200] =	vst v63  }
0xbe: {  	_ = 	snop  }
0xbf: {  	[tilespmem:s16], [sflag:$0x1] =	stream.indirect_vreg.gather [hbm4b:s5+s21], $0x80, v0, vm0, $0xb8;
	[tilespmem:$0x10200] =	vst v63  }
0xc0: {  	v0 =	vld [tilespmem:$0xF0];
	_ =	sdelay $0x4  }
0xc1: {  	v19 =	vshll.u32 v0, $0x1  }
0xc2: {  	v0 =	vand.u32 $0x7, v0;
	v19 =	vand.u32 $0xFFFFFFF0, v19  }
0xc3: {  	v0 =	vor.u32 v0, v19  }
0xc4: {  	v19 =	vperm.xlane v0, v1;
	_ =	sdelay $0x1  }
0xc5: {  	v0 =	vperm.xlane v0, v20;
	v19 =	vadd.s32 v2, v19;
	_ =	sdelay $0x1  }
0xc6: {  	v0 =	vadd.s32 v2, v0;
	_ =	sdelay $0x2  }
0xc7: {  	[tilespmem:s17], [sflag:$0x1] =	stream.indirect_vreg.gather [hbm4b:s5+s21], $0x80, v19, vm0, $0xb8;
	[tilespmem:$0x10200] =	vst v63  }
0xc8: {  	_ = 	snop  }
0xc9: {  	[tilespmem:s18], [sflag:$0x1] =	stream.indirect_vreg.gather [hbm4b:s5+s21], $0x80, v0, vm0, $0xb8;
	[tilespmem:$0x10200] =	vst v63  }
0xca: {  	_ =	swait.ge [sflag:s19], $0x8000  }
0xcb: {  	[sflag:s19] =	ssyncset.done $0x0  }
0xcc: {  	[sflag:s19] =	ssyncadd.s32 $0xFFFF8000  }
0xcd: {  	_ =	swait.ge [sflag:s19], $0x8000  }
0xce: {  	[sflag:s19] =	ssyncset.done $0x0  }
0xcf: {  	s21 =	simm.s32 $0x0;
	[sflag:s19] =	ssyncadd.s32 $0xFFFF8000  }
0xd0: {  	v19 =	vld [tilespmem:s21+$0x84F0]  }
0xd1: {  	v20 =	vld [tilespmem:s21+$0x8470]  }
0xd2: {  	v21 =	vld [tilespmem:s21+$0x83F0]  }
0xd3: {  	v22 =	vld [tilespmem:s21+$0x8370]  }
0xd4: {  	v23 =	vld [tilespmem:s21+$0x82F0]  }
0xd5: {  	v34 =	vld [tilespmem:s21+$0x8270]  }
0xd6: {  	v63 =	vld [tilespmem:s21+$0x8170]  }
0xd7: {  	v57 =	vld [tilespmem:s21+$0x570]  }
0xd8: {  	s22 =	simm.s32 $0x1;
	v62 =	vld [tilespmem:s21+$0x81F0]  }
.LBB2_3:
0xd9: {  	p0 =	sne.s32 s22, $0xF;
	v0 =	vld [tilespmem:s21+$0x5F0]  }
0xda: {  	v24 =	vld [tilespmem:s21+$0x670]  }
0xdb: {  	v25 =	vld [tilespmem:s21+$0x6F0]  }
0xdc: {  	v26 =	vld [tilespmem:s21+$0x770]  }
0xdd: {  	v27 =	vld [tilespmem:s21+$0x7F0]  }
0xde: {  	v28 =	vsub.f32 v63, v57;
	v0 =	vsub.f32 v62, v0;
	v29 =	vld [tilespmem:s21+$0x870]  }
0xdf: {  	v24 =	vsub.f32 v34, v24;
	v30 =	vld [tilespmem:s21+$0x8F0]  }
0xe0: {  	v31 =	vld [tilespmem:s21+$0x100];
	v0 =	vmax.f32 v28, v0;
	v23 =	vsub.f32 v23, v25  }
0xe1: {  	v25 =	vld [tilespmem:s21+$0x8500];
	v0 =	vmax.f32 v0, v24;
	v22 =	vsub.f32 v22, v26  }
0xe2: {  	v24 =	vld [tilespmem:s21+$0x8100];
	v0 =	vmax.f32 v0, v23;
	v21 =	vsub.f32 v21, v27  }
0xe3: {  	v23 =	vld [tilespmem:s21+$0x500];
	v0 =	vmax.f32 v0, v22;
	v20 =	vsub.f32 v20, v29  }
0xe4: {  	v22 =	vld [tilespmem:s21+$0x180];
	v0 =	vmax.f32 v0, v21;
	v19 =	vsub.f32 v19, v30  }
0xe5: {  	v21 =	vld [tilespmem:s21+$0x8580];
	v0 =	vmax.f32 v0, v20  }
0xe6: {  	v20 =	vsub.f32 v31, v25;
	v25 =	vld [tilespmem:s21+$0x8180];
	v0 =	vmax.f32 v0, v19  }
0xe7: {  	v19 =	vld [tilespmem:s21+$0x580];
	v0 =	vmax.f32 v0, $0.0e+00  }
0xe8: {  	v23 =	vsub.f32 v24, v23;
	v24 =	vld [tilespmem:s21+$0x110];
	v3 =	vadd.f32 v0, v3  }
0xe9: {  	v26 =	vld [tilespmem:s21+$0x8510]  }
0xea: {  	v0 =	vsub.f32 v22, v21;
	v21 =	vld [tilespmem:s21+$0x8110]  }
0xeb: {  	v22 =	vld [tilespmem:s21+$0x510]  }
0xec: {  	v0 =	vmax.f32 v20, v0;
	v19 =	vsub.f32 v25, v19;
	v20 =	vld [tilespmem:s21+$0x190]  }
0xed: {  	v25 =	vld [tilespmem:s21+$0x8590]  }
0xee: {  	v19 =	vmax.f32 v23, v19;
	v23 =	vsub.f32 v24, v26;
	v24 =	vld [tilespmem:s21+$0x8190]  }
0xef: {  	v26 =	vld [tilespmem:s21+$0x590]  }
0xf0: {  	v21 =	vsub.f32 v21, v22;
	v22 =	vld [tilespmem:s21+$0x120]  }
0xf1: {  	v27 =	vld [tilespmem:s21+$0x8520]  }
0xf2: {  	v20 =	vsub.f32 v20, v25;
	v25 =	vld [tilespmem:s21+$0x8120]  }
0xf3: {  	v28 =	vld [tilespmem:s21+$0x520]  }
0xf4: {  	v20 =	vmax.f32 v23, v20;
	v23 =	vsub.f32 v24, v26;
	v24 =	vld [tilespmem:s21+$0x1A0]  }
0xf5: {  	v26 =	vld [tilespmem:s21+$0x85A0]  }
0xf6: {  	v21 =	vmax.f32 v21, v23;
	v22 =	vsub.f32 v22, v27;
	v23 =	vld [tilespmem:s21+$0x81A0]  }
0xf7: {  	v27 =	vld [tilespmem:s21+$0x5A0]  }
0xf8: {  	v25 =	vsub.f32 v25, v28;
	v28 =	vld [tilespmem:s21+$0x130]  }
0xf9: {  	v29 =	vld [tilespmem:s21+$0x8530]  }
0xfa: {  	v24 =	vsub.f32 v24, v26;
	v26 =	vld [tilespmem:s21+$0x8130]  }
0xfb: {  	v30 =	vld [tilespmem:s21+$0x530]  }
0xfc: {  	v22 =	vmax.f32 v22, v24;
	v23 =	vsub.f32 v23, v27;
	v24 =	vld [tilespmem:s21+$0x1B0]  }
0xfd: {  	v27 =	vld [tilespmem:s21+$0x85B0]  }
0xfe: {  	v23 =	vmax.f32 v25, v23;
	v25 =	vsub.f32 v28, v29;
	v28 =	vld [tilespmem:s21+$0x81B0]  }
0xff: {  	v29 =	vld [tilespmem:s21+$0x5B0]  }
0x100: {  	v26 =	vsub.f32 v26, v30;
	v30 =	vld [tilespmem:s21+$0x140]  }
0x101: {  	v31 =	vld [tilespmem:s21+$0x8540]  }
0x102: {  	v24 =	vsub.f32 v24, v27;
	v27 =	vld [tilespmem:s21+$0x8140]  }
0x103: {  	v32 =	vld [tilespmem:s21+$0x540]  }
0x104: {  	v24 =	vmax.f32 v25, v24;
	v25 =	vsub.f32 v28, v29;
	v28 =	vld [tilespmem:s21+$0x1C0]  }
0x105: {  	v29 =	vld [tilespmem:s21+$0x85C0]  }
0x106: {  	v25 =	vmax.f32 v26, v25;
	v26 =	vsub.f32 v30, v31;
	v30 =	vld [tilespmem:s21+$0x81C0]  }
0x107: {  	v31 =	vld [tilespmem:s21+$0x5C0]  }
0x108: {  	v27 =	vsub.f32 v27, v32;
	v32 =	vld [tilespmem:s21+$0x150]  }
0x109: {  	v33 =	vld [tilespmem:s21+$0x8550]  }
0x10a: {  	v28 =	vsub.f32 v28, v29;
	v29 =	vld [tilespmem:s21+$0x8150]  }
0x10b: {  	v34 =	vld [tilespmem:s21+$0x550]  }
0x10c: {  	v26 =	vmax.f32 v26, v28;
	v28 =	vsub.f32 v30, v31;
	v30 =	vld [tilespmem:s21+$0x1D0]  }
0x10d: {  	v31 =	vld [tilespmem:s21+$0x85D0]  }
0x10e: {  	v27 =	vmax.f32 v27, v28;
	v28 =	vsub.f32 v32, v33;
	v32 =	vld [tilespmem:s21+$0x81D0]  }
0x10f: {  	v33 =	vld [tilespmem:s21+$0x5D0]  }
0x110: {  	v29 =	vsub.f32 v29, v34;
	v34 =	vld [tilespmem:s21+$0x160]  }
0x111: {  	v35 =	vld [tilespmem:s21+$0x8560]  }
0x112: {  	v30 =	vsub.f32 v30, v31;
	v31 =	vld [tilespmem:s21+$0x8160]  }
0x113: {  	v36 =	vld [tilespmem:s21+$0x560]  }
0x114: {  	v28 =	vmax.f32 v28, v30;
	v30 =	vsub.f32 v32, v33;
	v32 =	vld [tilespmem:s21+$0x1E0]  }
0x115: {  	v33 =	vld [tilespmem:s21+$0x85E0]  }
0x116: {  	v29 =	vmax.f32 v29, v30;
	v30 =	vsub.f32 v34, v35;
	v34 =	vld [tilespmem:s21+$0x81E0]  }
0x117: {  	v35 =	vld [tilespmem:s21+$0x5E0]  }
0x118: {  	v31 =	vsub.f32 v31, v36;
	v36 =	vld [tilespmem:s21+$0x170]  }
0x119: {  	v37 =	vld [tilespmem:s21+$0x8570]  }
0x11a: {  	v32 =	vsub.f32 v32, v33;
	v33 =	vld [tilespmem:s21+$0x1F0]  }
0x11b: {  	v38 =	vld [tilespmem:s21+$0x85F0]  }
0x11c: {  	v39 =	vld [tilespmem:s21+$0x200];
	v30 =	vmax.f32 v30, v32;
	v32 =	vsub.f32 v34, v35  }
0x11d: {  	v34 =	vld [tilespmem:s21+$0x8600]  }
0x11e: {  	v35 =	vld [tilespmem:s21+$0x8200];
	v31 =	vmax.f32 v31, v32;
	v32 =	vsub.f32 v36, v37  }
0x11f: {  	v36 =	vld [tilespmem:s21+$0x600]  }
0x120: {  	v37 =	vld [tilespmem:s21+$0x210];
	v33 =	vsub.f32 v33, v38  }
0x121: {  	v38 =	vld [tilespmem:s21+$0x8610]  }
0x122: {  	v34 =	vsub.f32 v39, v34;
	v39 =	vld [tilespmem:s21+$0x8210];
	v32 =	vmax.f32 v32, v33  }
0x123: {  	v33 =	vld [tilespmem:s21+$0x610]  }
0x124: {  	v0 =	vmax.f32 v0, v34;
	v34 =	vsub.f32 v35, v36;
	v35 =	vld [tilespmem:s21+$0x220]  }
0x125: {  	v36 =	vld [tilespmem:s21+$0x8620]  }
0x126: {  	v19 =	vmax.f32 v19, v34;
	v34 =	vsub.f32 v37, v38;
	v37 =	vld [tilespmem:s21+$0x8220]  }
0x127: {  	v38 =	vld [tilespmem:s21+$0x620]  }
0x128: {  	v20 =	vmax.f32 v20, v34;
	v33 =	vsub.f32 v39, v33;
	v34 =	vld [tilespmem:s21+$0x230]  }
0x129: {  	v39 =	vld [tilespmem:s21+$0x8630]  }
0x12a: {  	v21 =	vmax.f32 v21, v33;
	v33 =	vsub.f32 v35, v36;
	v35 =	vld [tilespmem:s21+$0x8230]  }
0x12b: {  	v36 =	vld [tilespmem:s21+$0x630]  }
0x12c: {  	v22 =	vmax.f32 v22, v33;
	v33 =	vsub.f32 v37, v38;
	v37 =	vld [tilespmem:s21+$0x240]  }
0x12d: {  	v38 =	vld [tilespmem:s21+$0x8640]  }
0x12e: {  	v23 =	vmax.f32 v23, v33;
	v33 =	vsub.f32 v34, v39;
	v34 =	vld [tilespmem:s21+$0x8240]  }
0x12f: {  	v39 =	vld [tilespmem:s21+$0x640]  }
0x130: {  	v24 =	vmax.f32 v24, v33;
	v33 =	vsub.f32 v35, v36;
	v35 =	vld [tilespmem:s21+$0x250]  }
0x131: {  	v36 =	vld [tilespmem:s21+$0x8650]  }
0x132: {  	v25 =	vmax.f32 v25, v33;
	v33 =	vsub.f32 v37, v38;
	v37 =	vld [tilespmem:s21+$0x8250]  }
0x133: {  	v38 =	vld [tilespmem:s21+$0x650]  }
0x134: {  	v26 =	vmax.f32 v26, v33;
	v33 =	vsub.f32 v34, v39;
	v34 =	vld [tilespmem:s21+$0x260]  }
0x135: {  	v39 =	vld [tilespmem:s21+$0x8660]  }
0x136: {  	v27 =	vmax.f32 v27, v33;
	v33 =	vsub.f32 v35, v36;
	v35 =	vld [tilespmem:s21+$0x8260]  }
0x137: {  	v36 =	vld [tilespmem:s21+$0x660]  }
0x138: {  	v28 =	vmax.f32 v28, v33;
	v33 =	vsub.f32 v37, v38;
	v37 =	vld [tilespmem:s21+$0x270]  }
0x139: {  	v38 =	vld [tilespmem:s21+$0x8670]  }
0x13a: {  	v40 =	vld [tilespmem:s21+$0x280];
	v29 =	vmax.f32 v29, v33;
	v33 =	vsub.f32 v34, v39  }
0x13b: {  	v34 =	vld [tilespmem:s21+$0x8680]  }
0x13c: {  	v39 =	vld [tilespmem:s21+$0x8280];
	v30 =	vmax.f32 v30, v33;
	v33 =	vsub.f32 v35, v36  }
0x13d: {  	v35 =	vld [tilespmem:s21+$0x680]  }
0x13e: {  	v36 =	vld [tilespmem:s21+$0x290];
	v31 =	vmax.f32 v31, v33;
	v33 =	vsub.f32 v37, v38  }
0x13f: {  	v37 =	vld [tilespmem:s21+$0x8690]  }
0x140: {  	v34 =	vsub.f32 v40, v34;
	v38 =	vld [tilespmem:s21+$0x8290];
	v32 =	vmax.f32 v32, v33  }
0x141: {  	v33 =	vld [tilespmem:s21+$0x690]  }
0x142: {  	v0 =	vmax.f32 v0, v34;
	v34 =	vsub.f32 v39, v35;
	v35 =	vld [tilespmem:s21+$0x2A0]  }
0x143: {  	v39 =	vld [tilespmem:s21+$0x86A0]  }
0x144: {  	v19 =	vmax.f32 v19, v34;
	v34 =	vsub.f32 v36, v37;
	v36 =	vld [tilespmem:s21+$0x82A0]  }
0x145: {  	v37 =	vld [tilespmem:s21+$0x6A0]  }
0x146: {  	v20 =	vmax.f32 v20, v34;
	v33 =	vsub.f32 v38, v33;
	v34 =	vld [tilespmem:s21+$0x2B0]  }
0x147: {  	v38 =	vld [tilespmem:s21+$0x86B0]  }
0x148: {  	v21 =	vmax.f32 v21, v33;
	v33 =	vsub.f32 v35, v39;
	v35 =	vld [tilespmem:s21+$0x82B0]  }
0x149: {  	v39 =	vld [tilespmem:s21+$0x6B0]  }
0x14a: {  	v22 =	vmax.f32 v22, v33;
	v33 =	vsub.f32 v36, v37;
	v36 =	vld [tilespmem:s21+$0x2C0]  }
0x14b: {  	v37 =	vld [tilespmem:s21+$0x86C0]  }
0x14c: {  	v23 =	vmax.f32 v23, v33;
	v33 =	vsub.f32 v34, v38;
	v34 =	vld [tilespmem:s21+$0x82C0]  }
0x14d: {  	v38 =	vld [tilespmem:s21+$0x6C0]  }
0x14e: {  	v24 =	vmax.f32 v24, v33;
	v33 =	vsub.f32 v35, v39;
	v35 =	vld [tilespmem:s21+$0x2D0]  }
0x14f: {  	v39 =	vld [tilespmem:s21+$0x86D0]  }
0x150: {  	v25 =	vmax.f32 v25, v33;
	v33 =	vsub.f32 v36, v37;
	v36 =	vld [tilespmem:s21+$0x82D0]  }
0x151: {  	v37 =	vld [tilespmem:s21+$0x6D0]  }
0x152: {  	v26 =	vmax.f32 v26, v33;
	v33 =	vsub.f32 v34, v38;
	v34 =	vld [tilespmem:s21+$0x2E0]  }
0x153: {  	v38 =	vld [tilespmem:s21+$0x86E0]  }
0x154: {  	v27 =	vmax.f32 v27, v33;
	v33 =	vsub.f32 v35, v39;
	v35 =	vld [tilespmem:s21+$0x82E0]  }
0x155: {  	v39 =	vld [tilespmem:s21+$0x6E0]  }
0x156: {  	v28 =	vmax.f32 v28, v33;
	v33 =	vsub.f32 v36, v37;
	v36 =	vld [tilespmem:s21+$0x2F0]  }
0x157: {  	v37 =	vld [tilespmem:s21+$0x86F0]  }
0x158: {  	v40 =	vld [tilespmem:s21+$0x300];
	v29 =	vmax.f32 v29, v33;
	v33 =	vsub.f32 v34, v38  }
0x159: {  	v34 =	vld [tilespmem:s21+$0x8700]  }
0x15a: {  	v38 =	vld [tilespmem:s21+$0x8300];
	v30 =	vmax.f32 v30, v33;
	v33 =	vsub.f32 v35, v39  }
0x15b: {  	v35 =	vld [tilespmem:s21+$0x700]  }
0x15c: {  	v39 =	vld [tilespmem:s21+$0x310];
	v31 =	vmax.f32 v31, v33;
	v33 =	vsub.f32 v36, v37  }
0x15d: {  	v36 =	vld [tilespmem:s21+$0x8710]  }
0x15e: {  	v34 =	vsub.f32 v40, v34;
	v37 =	vld [tilespmem:s21+$0x8310];
	v32 =	vmax.f32 v32, v33  }
0x15f: {  	v33 =	vld [tilespmem:s21+$0x710]  }
0x160: {  	v0 =	vmax.f32 v0, v34;
	v34 =	vsub.f32 v38, v35;
	v35 =	vld [tilespmem:s21+$0x320]  }
0x161: {  	v38 =	vld [tilespmem:s21+$0x8720]  }
0x162: {  	v19 =	vmax.f32 v19, v34;
	v34 =	vsub.f32 v39, v36;
	v36 =	vld [tilespmem:s21+$0x8320]  }
0x163: {  	v39 =	vld [tilespmem:s21+$0x720]  }
0x164: {  	v20 =	vmax.f32 v20, v34;
	v33 =	vsub.f32 v37, v33;
	v34 =	vld [tilespmem:s21+$0x330]  }
0x165: {  	v37 =	vld [tilespmem:s21+$0x8730]  }
0x166: {  	v21 =	vmax.f32 v21, v33;
	v33 =	vsub.f32 v35, v38;
	v35 =	vld [tilespmem:s21+$0x8330]  }
0x167: {  	v38 =	vld [tilespmem:s21+$0x730]  }
0x168: {  	v22 =	vmax.f32 v22, v33;
	v33 =	vsub.f32 v36, v39;
	v36 =	vld [tilespmem:s21+$0x340]  }
0x169: {  	v39 =	vld [tilespmem:s21+$0x8740]  }
0x16a: {  	v23 =	vmax.f32 v23, v33;
	v33 =	vsub.f32 v34, v37;
	v34 =	vld [tilespmem:s21+$0x8340]  }
0x16b: {  	v37 =	vld [tilespmem:s21+$0x740]  }
0x16c: {  	v24 =	vmax.f32 v24, v33;
	v33 =	vsub.f32 v35, v38;
	v35 =	vld [tilespmem:s21+$0x350]  }
0x16d: {  	v38 =	vld [tilespmem:s21+$0x8750]  }
0x16e: {  	v25 =	vmax.f32 v25, v33;
	v33 =	vsub.f32 v36, v39;
	v36 =	vld [tilespmem:s21+$0x8350]  }
0x16f: {  	v39 =	vld [tilespmem:s21+$0x750]  }
0x170: {  	v26 =	vmax.f32 v26, v33;
	v33 =	vsub.f32 v34, v37;
	v34 =	vld [tilespmem:s21+$0x360]  }
0x171: {  	v37 =	vld [tilespmem:s21+$0x8760]  }
0x172: {  	v27 =	vmax.f32 v27, v33;
	v33 =	vsub.f32 v35, v38;
	v35 =	vld [tilespmem:s21+$0x8360]  }
0x173: {  	v38 =	vld [tilespmem:s21+$0x760]  }
0x174: {  	v28 =	vmax.f32 v28, v33;
	v33 =	vsub.f32 v36, v39;
	v36 =	vld [tilespmem:s21+$0x370]  }
0x175: {  	v39 =	vld [tilespmem:s21+$0x8770]  }
0x176: {  	v40 =	vld [tilespmem:s21+$0x380];
	v29 =	vmax.f32 v29, v33;
	v33 =	vsub.f32 v34, v37  }
0x177: {  	v34 =	vld [tilespmem:s21+$0x8780]  }
0x178: {  	v37 =	vld [tilespmem:s21+$0x8380];
	v30 =	vmax.f32 v30, v33;
	v33 =	vsub.f32 v35, v38  }
0x179: {  	v35 =	vld [tilespmem:s21+$0x780]  }
0x17a: {  	v38 =	vld [tilespmem:s21+$0x390];
	v31 =	vmax.f32 v31, v33;
	v33 =	vsub.f32 v36, v39  }
0x17b: {  	v36 =	vld [tilespmem:s21+$0x8790]  }
0x17c: {  	v34 =	vsub.f32 v40, v34;
	v39 =	vld [tilespmem:s21+$0x8390];
	v32 =	vmax.f32 v32, v33  }
0x17d: {  	v33 =	vld [tilespmem:s21+$0x790]  }
0x17e: {  	v0 =	vmax.f32 v0, v34;
	v34 =	vsub.f32 v37, v35;
	v35 =	vld [tilespmem:s21+$0x3A0]  }
0x17f: {  	v37 =	vld [tilespmem:s21+$0x87A0]  }
0x180: {  	v19 =	vmax.f32 v19, v34;
	v34 =	vsub.f32 v38, v36;
	v36 =	vld [tilespmem:s21+$0x83A0]  }
0x181: {  	v38 =	vld [tilespmem:s21+$0x7A0]  }
0x182: {  	v20 =	vmax.f32 v20, v34;
	v33 =	vsub.f32 v39, v33;
	v34 =	vld [tilespmem:s21+$0x3B0]  }
0x183: {  	v39 =	vld [tilespmem:s21+$0x87B0]  }
0x184: {  	v21 =	vmax.f32 v21, v33;
	v33 =	vsub.f32 v35, v37;
	v35 =	vld [tilespmem:s21+$0x83B0]  }
0x185: {  	v37 =	vld [tilespmem:s21+$0x7B0]  }
0x186: {  	v22 =	vmax.f32 v22, v33;
	v33 =	vsub.f32 v36, v38;
	v36 =	vld [tilespmem:s21+$0x3C0]  }
0x187: {  	v38 =	vld [tilespmem:s21+$0x87C0]  }
0x188: {  	v23 =	vmax.f32 v23, v33;
	v33 =	vsub.f32 v34, v39;
	v34 =	vld [tilespmem:s21+$0x83C0]  }
0x189: {  	v39 =	vld [tilespmem:s21+$0x7C0]  }
0x18a: {  	v24 =	vmax.f32 v24, v33;
	v33 =	vsub.f32 v35, v37;
	v35 =	vld [tilespmem:s21+$0x3D0]  }
0x18b: {  	v37 =	vld [tilespmem:s21+$0x87D0]  }
0x18c: {  	v25 =	vmax.f32 v25, v33;
	v33 =	vsub.f32 v36, v38;
	v36 =	vld [tilespmem:s21+$0x83D0]  }
0x18d: {  	v38 =	vld [tilespmem:s21+$0x7D0]  }
0x18e: {  	v26 =	vmax.f32 v26, v33;
	v33 =	vsub.f32 v34, v39;
	v34 =	vld [tilespmem:s21+$0x3E0]  }
0x18f: {  	v39 =	vld [tilespmem:s21+$0x87E0]  }
0x190: {  	v27 =	vmax.f32 v27, v33;
	v33 =	vsub.f32 v35, v37;
	v35 =	vld [tilespmem:s21+$0x83E0]  }
0x191: {  	v37 =	vld [tilespmem:s21+$0x7E0]  }
0x192: {  	v28 =	vmax.f32 v28, v33;
	v33 =	vsub.f32 v36, v38;
	v36 =	vld [tilespmem:s21+$0x3F0]  }
0x193: {  	v38 =	vld [tilespmem:s21+$0x87F0]  }
0x194: {  	v40 =	vld [tilespmem:s21+$0x400];
	v29 =	vmax.f32 v29, v33;
	v33 =	vsub.f32 v34, v39  }
0x195: {  	v34 =	vld [tilespmem:s21+$0x8800]  }
0x196: {  	v39 =	vld [tilespmem:s21+$0x8400];
	v30 =	vmax.f32 v30, v33;
	v33 =	vsub.f32 v35, v37  }
0x197: {  	v35 =	vld [tilespmem:s21+$0x800]  }
0x198: {  	v37 =	vld [tilespmem:s21+$0x410];
	v31 =	vmax.f32 v31, v33;
	v33 =	vsub.f32 v36, v38  }
0x199: {  	v36 =	vld [tilespmem:s21+$0x8810]  }
0x19a: {  	v34 =	vsub.f32 v40, v34;
	v38 =	vld [tilespmem:s21+$0x8410];
	v32 =	vmax.f32 v32, v33  }
0x19b: {  	v33 =	vld [tilespmem:s21+$0x810]  }
0x19c: {  	v0 =	vmax.f32 v0, v34;
	v34 =	vsub.f32 v39, v35;
	v35 =	vld [tilespmem:s21+$0x420]  }
0x19d: {  	v39 =	vld [tilespmem:s21+$0x8820]  }
0x19e: {  	v19 =	vmax.f32 v19, v34;
	v34 =	vsub.f32 v37, v36;
	v36 =	vld [tilespmem:s21+$0x8420]  }
0x19f: {  	v37 =	vld [tilespmem:s21+$0x820]  }
0x1a0: {  	v20 =	vmax.f32 v20, v34;
	v33 =	vsub.f32 v38, v33;
	v34 =	vld [tilespmem:s21+$0x430]  }
0x1a1: {  	v38 =	vld [tilespmem:s21+$0x8830]  }
0x1a2: {  	v21 =	vmax.f32 v21, v33;
	v33 =	vsub.f32 v35, v39;
	v35 =	vld [tilespmem:s21+$0x8430]  }
0x1a3: {  	v39 =	vld [tilespmem:s21+$0x830]  }
0x1a4: {  	v22 =	vmax.f32 v22, v33;
	v33 =	vsub.f32 v36, v37;
	v36 =	vld [tilespmem:s21+$0x440]  }
0x1a5: {  	v37 =	vld [tilespmem:s21+$0x8840]  }
0x1a6: {  	v23 =	vmax.f32 v23, v33;
	v33 =	vsub.f32 v34, v38;
	v34 =	vld [tilespmem:s21+$0x8440]  }
0x1a7: {  	v38 =	vld [tilespmem:s21+$0x840]  }
0x1a8: {  	v24 =	vmax.f32 v24, v33;
	v33 =	vsub.f32 v35, v39;
	v35 =	vld [tilespmem:s21+$0x450]  }
0x1a9: {  	v39 =	vld [tilespmem:s21+$0x8850]  }
0x1aa: {  	v25 =	vmax.f32 v25, v33;
	v33 =	vsub.f32 v36, v37;
	v36 =	vld [tilespmem:s21+$0x8450]  }
0x1ab: {  	v37 =	vld [tilespmem:s21+$0x850]  }
0x1ac: {  	v26 =	vmax.f32 v26, v33;
	v33 =	vsub.f32 v34, v38;
	v34 =	vld [tilespmem:s21+$0x460]  }
0x1ad: {  	v38 =	vld [tilespmem:s21+$0x8860]  }
0x1ae: {  	v27 =	vmax.f32 v27, v33;
	v33 =	vsub.f32 v35, v39;
	v35 =	vld [tilespmem:s21+$0x8460]  }
0x1af: {  	v39 =	vld [tilespmem:s21+$0x860]  }
0x1b0: {  	v28 =	vmax.f32 v28, v33;
	v33 =	vsub.f32 v36, v37;
	v36 =	vld [tilespmem:s21+$0x470]  }
0x1b1: {  	v37 =	vld [tilespmem:s21+$0x8870]  }
0x1b2: {  	v40 =	vld [tilespmem:s21+$0x480];
	v29 =	vmax.f32 v29, v33;
	v33 =	vsub.f32 v34, v38  }
0x1b3: {  	v34 =	vld [tilespmem:s21+$0x8880]  }
0x1b4: {  	v38 =	vld [tilespmem:s21+$0x8480];
	v30 =	vmax.f32 v30, v33;
	v33 =	vsub.f32 v35, v39  }
0x1b5: {  	v35 =	vld [tilespmem:s21+$0x880]  }
0x1b6: {  	v39 =	vld [tilespmem:s21+$0x490];
	v31 =	vmax.f32 v31, v33;
	v33 =	vsub.f32 v36, v37  }
0x1b7: {  	v36 =	vld [tilespmem:s21+$0x8890]  }
0x1b8: {  	v34 =	vsub.f32 v40, v34;
	v37 =	vld [tilespmem:s21+$0x8490];
	v32 =	vmax.f32 v32, v33  }
0x1b9: {  	v33 =	vld [tilespmem:s21+$0x890]  }
0x1ba: {  	v0 =	vmax.f32 v0, v34;
	v34 =	vsub.f32 v38, v35;
	v35 =	vld [tilespmem:s21+$0x4A0]  }
0x1bb: {  	v0 =	vmax.f32 v0, $0.0e+00;
	v38 =	vld [tilespmem:s21+$0x88A0]  }
0x1bc: {  	v19 =	vmax.f32 v19, v34;
	v18 =	vadd.f32 v0, v18;
	v0 =	vsub.f32 v39, v36;
	v34 =	vld [tilespmem:s21+$0x84A0]  }
0x1bd: {  	v19 =	vmax.f32 v19, $0.0e+00;
	v36 =	vld [tilespmem:s21+$0x8A0]  }
0x1be: {  	v14 =	vadd.f32 v19, v14;
	v0 =	vmax.f32 v20, v0;
	v19 =	vsub.f32 v37, v33;
	v20 =	vld [tilespmem:s21+$0x4B0]  }
0x1bf: {  	v0 =	vmax.f32 v0, $0.0e+00;
	v33 =	vld [tilespmem:s21+$0x88B0]  }
0x1c0: {  	v19 =	vmax.f32 v21, v19;
	v17 =	vadd.f32 v0, v17;
	v0 =	vsub.f32 v35, v38;
	v21 =	vld [tilespmem:s21+$0x84B0]  }
0x1c1: {  	v19 =	vmax.f32 v19, $0.0e+00;
	v35 =	vld [tilespmem:s21+$0x8B0]  }
0x1c2: {  	v12 =	vadd.f32 v19, v12;
	v0 =	vmax.f32 v22, v0;
	v19 =	vsub.f32 v34, v36;
	v22 =	vld [tilespmem:s21+$0x4C0]  }
0x1c3: {  	v0 =	vmax.f32 v0, $0.0e+00;
	v34 =	vld [tilespmem:s21+$0x88C0]  }
0x1c4: {  	v19 =	vmax.f32 v23, v19;
	v16 =	vadd.f32 v0, v16;
	v0 =	vsub.f32 v20, v33;
	v20 =	vld [tilespmem:s21+$0x84C0]  }
0x1c5: {  	v19 =	vmax.f32 v19, $0.0e+00;
	v23 =	vld [tilespmem:s21+$0x8C0]  }
0x1c6: {  	v10 =	vadd.f32 v19, v10;
	v0 =	vmax.f32 v24, v0;
	v19 =	vsub.f32 v21, v35;
	v21 =	vld [tilespmem:s21+$0x4D0]  }
0x1c7: {  	v0 =	vmax.f32 v0, $0.0e+00;
	v24 =	vld [tilespmem:s21+$0x88D0]  }
0x1c8: {  	v19 =	vmax.f32 v25, v19;
	v15 =	vadd.f32 v0, v15;
	v0 =	vsub.f32 v22, v34;
	v22 =	vld [tilespmem:s21+$0x84D0]  }
0x1c9: {  	v19 =	vmax.f32 v19, $0.0e+00;
	v25 =	vld [tilespmem:s21+$0x8D0]  }
0x1ca: {  	v8 =	vadd.f32 v19, v8;
	v0 =	vmax.f32 v26, v0;
	v19 =	vsub.f32 v20, v23;
	v20 =	vld [tilespmem:s21+$0x4E0]  }
0x1cb: {  	v0 =	vmax.f32 v0, $0.0e+00;
	v23 =	vld [tilespmem:s21+$0x88E0]  }
0x1cc: {  	v19 =	vmax.f32 v27, v19;
	v13 =	vadd.f32 v0, v13;
	v0 =	vsub.f32 v21, v24;
	v24 =	vld [tilespmem:s21+$0x84E0]  }
0x1cd: {  	v19 =	vmax.f32 v19, $0.0e+00;
	v26 =	vld [tilespmem:s21+$0x8E0]  }
0x1ce: {  	v6 =	vadd.f32 v19, v6;
	v0 =	vmax.f32 v28, v0;
	v21 =	vsub.f32 v22, v25;
	v25 =	vld [tilespmem:s21+$0x4F0]  }
0x1cf: {  	v0 =	vmax.f32 v0, $0.0e+00;
	v27 =	vld [tilespmem:s21+$0x88F0];
	s21 =	sshll.u32 s22, $0xB  }
0x1d0: {  	v19 =	vld [tilespmem:s21+$0x84F0];
	v21 =	vmax.f32 v29, v21;
	v11 =	vadd.f32 v0, v11;
	v0 =	vsub.f32 v20, v23  }
0x1d1: {  	v20 =	vld [tilespmem:s21+$0x8470];
	v22 =	vmax.f32 v21, $0.0e+00  }
0x1d2: {  	v21 =	vld [tilespmem:s21+$0x83F0];
	v5 =	vadd.f32 v22, v5;
	v0 =	vmax.f32 v30, v0;
	v24 =	vsub.f32 v24, v26  }
0x1d3: {  	v22 =	vld [tilespmem:s21+$0x8370];
	v0 =	vmax.f32 v0, $0.0e+00  }
.Ltmp0:
0x1d4: {  	v23 =	vld [tilespmem:s21+$0x82F0];
	v24 =	vmax.f32 v31, v24;
	v9 =	vadd.f32 v0, v9;
	v0 =	vsub.f32 v25, v27;
	(pc) =	sbr.rel @p0 .LBB2_3-.Ltmp0, $4  }
0x1d5: {  	v34 =	vld [tilespmem:s21+$0x8270];
	v24 =	vmax.f32 v24, $0.0e+00  }
0x1d6: {  	v63 =	vld [tilespmem:s21+$0x8170];
	v4 =	vadd.f32 v24, v4;
	v0 =	vmax.f32 v32, v0  }
0x1d7: {  	v57 =	vld [tilespmem:s21+$0x570];
	v0 =	vmax.f32 v0, $0.0e+00  }
0x1d8: {  	s22 =	sadd.s32 $0x1, s22;
	v62 =	vld [tilespmem:s21+$0x81F0];
	v7 =	vadd.f32 v0, v7  }
0x1d9: {  	v1 =	vld [tilespmem:s21+$0x8180];
	_ =	sdelay $0x4  }
0x1da: {  	[tilespmem:$0x1F600] =	vst v1;
	v1 =	vld [tilespmem:s21+$0x110];
	_ =	sdelay $0x4  }
0x1db: {  	[tilespmem:$0x1F610] =	vst v1;
	v1 =	vld [tilespmem:s21+$0x8510];
	_ =	sdelay $0x4  }
0x1dc: {  	[tilespmem:$0x1F620] =	vst v1;
	v1 =	vld [tilespmem:s21+$0x8110];
	_ =	sdelay $0x4  }
0x1dd: {  	[tilespmem:$0x1F630] =	vst v1;
	v1 =	vld [tilespmem:s21+$0x510];
	_ =	sdelay $0x4  }
0x1de: {  	[tilespmem:$0x1F640] =	vst v1;
	v1 =	vld [tilespmem:s21+$0x8190];
	_ =	sdelay $0x4  }
0x1df: {  	[tilespmem:$0x1F650] =	vst v1;
	v1 =	vld [tilespmem:s21+$0x120];
	_ =	sdelay $0x4  }
0x1e0: {  	[tilespmem:$0x1F660] =	vst v1;
	v1 =	vld [tilespmem:s21+$0x8520];
	_ =	sdelay $0x4  }
0x1e1: {  	[tilespmem:$0x1F670] =	vst v1;
	v1 =	vld [tilespmem:s21+$0x8120];
	_ =	sdelay $0x4  }
0x1e2: {  	[tilespmem:$0x1F680] =	vst v1;
	v1 =	vld [tilespmem:s21+$0x520];
	_ =	sdelay $0x4  }
0x1e3: {  	[tilespmem:$0x1F690] =	vst v1;
	v1 =	vld [tilespmem:s21+$0x81A0];
	_ =	sdelay $0x4  }
0x1e4: {  	[tilespmem:$0x1F6A0] =	vst v1;
	v1 =	vld [tilespmem:s21+$0x130];
	_ =	sdelay $0x4  }
0x1e5: {  	[tilespmem:$0x1F6B0] =	vst v1;
	v1 =	vld [tilespmem:s21+$0x8530];
	_ =	sdelay $0x4  }
0x1e6: {  	[tilespmem:$0x1F6C0] =	vst v1;
	v1 =	vld [tilespmem:s21+$0x8130];
	_ =	sdelay $0x2  }
0x1e7: {  	v59 =	vld [tilespmem:s21+$0x5F0]  }
0x1e8: {  	v58 =	vld [tilespmem:s21+$0x670]  }
0x1e9: {  	[tilespmem:$0x1F6D0] =	vst v1;
	v1 =	vld [tilespmem:s21+$0x530]  }
0x1ea: {  	v56 =	vld [tilespmem:s21+$0x6F0]  }
0x1eb: {  	v55 =	vld [tilespmem:s21+$0x770]  }
0x1ec: {  	v54 =	vld [tilespmem:s21+$0x7F0]  }
0x1ed: {  	v53 =	vld [tilespmem:s21+$0x870]  }
0x1ee: {  	[tilespmem:$0x1F6E0] =	vst v1;
	v1 =	vld [tilespmem:s21+$0x81B0]  }
0x1ef: {  	v45 =	vld [tilespmem:s21+$0x8F0]  }
0x1f0: {  	v33 =	vld [tilespmem:s21+$0x100]  }
0x1f1: {  	v0 =	vld [tilespmem:s21+$0x8500]  }
0x1f2: {  	v48 =	vld [tilespmem:s21+$0x8100]  }
0x1f3: {  	[tilespmem:$0x1F6F0] =	vst v1;
	v1 =	vld [tilespmem:s21+$0x140]  }
0x1f4: {  	v35 =	vld [tilespmem:s21+$0x500]  }
0x1f5: {  	v36 =	vld [tilespmem:s21+$0x180]  }
0x1f6: {  	v24 =	vld [tilespmem:s21+$0x8580]  }
0x1f7: {  	v49 =	vld [tilespmem:s21+$0x580]  }
0x1f8: {  	[tilespmem:$0x1F700] =	vst v1;
	v1 =	vld [tilespmem:s21+$0x8540]  }
0x1f9: {  	v37 =	vld [tilespmem:s21+$0x190]  }
0x1fa: {  	v25 =	vld [tilespmem:s21+$0x8590]  }
0x1fb: {  	v50 =	vld [tilespmem:s21+$0x590]  }
0x1fc: {  	v38 =	vld [tilespmem:s21+$0x1A0]  }
0x1fd: {  	[tilespmem:$0x1F710] =	vst v1;
	v1 =	vld [tilespmem:s21+$0x8140]  }
0x1fe: {  	v26 =	vld [tilespmem:s21+$0x85A0]  }
0x1ff: {  	v51 =	vld [tilespmem:s21+$0x5A0]  }
0x200: {  	v39 =	vld [tilespmem:s21+$0x1B0]  }
0x201: {  	v27 =	vld [tilespmem:s21+$0x85B0]  }
0x202: {  	v52 =	vld [tilespmem:s21+$0x5B0];
	[tilespmem:$0x1F720] =	vst v1  }
0x203: {  	v1 =	vld [tilespmem:s21+$0x540];
	_ =	sdelay $0x4  }
0x204: {  	[tilespmem:$0x1F730] =	vst v1;
	v1 =	vld [tilespmem:s21+$0x81C0];
	_ =	sdelay $0x4  }
0x205: {  	[tilespmem:$0x1F740] =	vst v1;
	v1 =	vld [tilespmem:s21+$0x150];
	_ =	sdelay $0x4  }
0x206: {  	[tilespmem:$0x1F750] =	vst v1;
	v1 =	vld [tilespmem:s21+$0x8550];
	_ =	sdelay $0x4  }
0x207: {  	[tilespmem:$0x1F760] =	vst v1;
	v1 =	vld [tilespmem:s21+$0x8150];
	_ =	sdelay $0x4  }
0x208: {  	[tilespmem:$0x1F770] =	vst v1;
	v1 =	vld [tilespmem:s21+$0x550];
	_ =	sdelay $0x4  }
0x209: {  	[tilespmem:$0x1F780] =	vst v1;
	v1 =	vld [tilespmem:s21+$0x81D0];
	_ =	sdelay $0x4  }
0x20a: {  	[tilespmem:$0x1F790] =	vst v1;
	v1 =	vld [tilespmem:s21+$0x160];
	_ =	sdelay $0x4  }
0x20b: {  	[tilespmem:$0x1F7A0] =	vst v1;
	v1 =	vld [tilespmem:s21+$0x8560];
	_ =	sdelay $0x4  }
0x20c: {  	[tilespmem:$0x1F7B0] =	vst v1;
	v1 =	vld [tilespmem:s21+$0x8160];
	_ =	sdelay $0x4  }
0x20d: {  	[tilespmem:$0x1F7C0] =	vst v1;
	v1 =	vld [tilespmem:s21+$0x560];
	_ =	sdelay $0x4  }
0x20e: {  	[tilespmem:$0x1F7D0] =	vst v1;
	v1 =	vld [tilespmem:s21+$0x81E0];
	_ =	sdelay $0x4  }
0x20f: {  	[tilespmem:$0x1F7E0] =	vst v1;
	v1 =	vld [tilespmem:s21+$0x170];
	_ =	sdelay $0x4  }
0x210: {  	[tilespmem:$0x1F7F0] =	vst v1;
	v1 =	vld [tilespmem:s21+$0x8570];
	_ =	sdelay $0x4  }
0x211: {  	[tilespmem:$0x1F800] =	vst v1;
	v1 =	vld [tilespmem:s21+$0x1F0];
	_ =	sdelay $0x4  }
0x212: {  	[tilespmem:$0x1F810] =	vst v1;
	v1 =	vld [tilespmem:s21+$0x200];
	_ =	sdelay $0x4  }
0x213: {  	[tilespmem:$0x1F820] =	vst v1;
	v1 =	vld [tilespmem:s21+$0x8600];
	_ =	sdelay $0x4  }
0x214: {  	[tilespmem:$0x1F830] =	vst v1;
	v1 =	vld [tilespmem:s21+$0x210];
	_ =	sdelay $0x4  }
0x215: {  	[tilespmem:$0x1F840] =	vst v1;
	v1 =	vld [tilespmem:s21+$0x8610];
	_ =	sdelay $0x4  }
0x216: {  	[tilespmem:$0x1F850] =	vst v1;
	v1 =	vld [tilespmem:s21+$0x8210];
	_ =	sdelay $0x4  }
0x217: {  	[tilespmem:$0x1F860] =	vst v1;
	v1 =	vld [tilespmem:s21+$0x220];
	_ =	sdelay $0x4  }
0x218: {  	[tilespmem:$0x1F870] =	vst v1;
	v1 =	vld [tilespmem:s21+$0x8620];
	_ =	sdelay $0x4  }
0x219: {  	[tilespmem:$0x1F880] =	vst v1;
	v1 =	vld [tilespmem:s21+$0x8220];
	_ =	sdelay $0x4  }
0x21a: {  	[tilespmem:$0x1F890] =	vst v1;
	v1 =	vld [tilespmem:s21+$0x620];
	_ =	sdelay $0x4  }
0x21b: {  	[tilespmem:$0x1F8A0] =	vst v1;
	v1 =	vld [tilespmem:s21+$0x230];
	_ =	sdelay $0x4  }
0x21c: {  	[tilespmem:$0x1F8B0] =	vst v1;
	v1 =	vld [tilespmem:s21+$0x8630];
	_ =	sdelay $0x4  }
0x21d: {  	[tilespmem:$0x1F8C0] =	vst v1;
	v1 =	vld [tilespmem:s21+$0x8230];
	_ =	sdelay $0x4  }
0x21e: {  	[tilespmem:$0x1F8D0] =	vst v1;
	v1 =	vld [tilespmem:s21+$0x630];
	_ =	sdelay $0x4  }
0x21f: {  	[tilespmem:$0x1F8E0] =	vst v1;
	v1 =	vld [tilespmem:s21+$0x240];
	_ =	sdelay $0x4  }
0x220: {  	[tilespmem:$0x1F8F0] =	vst v1;
	v1 =	vld [tilespmem:s21+$0x8640];
	_ =	sdelay $0x4  }
0x221: {  	[tilespmem:$0x1F900] =	vst v1;
	v1 =	vld [tilespmem:s21+$0x8240];
	_ =	sdelay $0x4  }
0x222: {  	[tilespmem:$0x1F910] =	vst v1;
	v1 =	vld [tilespmem:s21+$0x640];
	_ =	sdelay $0x4  }
0x223: {  	[tilespmem:$0x1F920] =	vst v1;
	v1 =	vld [tilespmem:s21+$0x250];
	_ =	sdelay $0x4  }
0x224: {  	[tilespmem:$0x1F930] =	vst v1;
	v1 =	vld [tilespmem:s21+$0x8650];
	_ =	sdelay $0x4  }
0x225: {  	[tilespmem:$0x1F940] =	vst v1;
	v1 =	vld [tilespmem:s21+$0x8250];
	_ =	sdelay $0x4  }
0x226: {  	[tilespmem:$0x1F950] =	vst v1;
	v1 =	vld [tilespmem:s21+$0x650];
	_ =	sdelay $0x4  }
0x227: {  	[tilespmem:$0x1F960] =	vst v1;
	v1 =	vld [tilespmem:s21+$0x8660];
	_ =	sdelay $0x4  }
0x228: {  	[tilespmem:$0x1F970] =	vst v1;
	v1 =	vld [tilespmem:s21+$0x8260];
	_ =	sdelay $0x4  }
0x229: {  	[tilespmem:$0x1F980] =	vst v1;
	v1 =	vld [tilespmem:s21+$0x660];
	_ =	sdelay $0x4  }
0x22a: {  	[tilespmem:$0x1F990] =	vst v1;
	v1 =	vld [tilespmem:s21+$0x270];
	_ =	sdelay $0x4  }
0x22b: {  	[tilespmem:$0x1F9A0] =	vst v1;
	v1 =	vld [tilespmem:s21+$0x8670];
	_ =	sdelay $0x4  }
0x22c: {  	[tilespmem:$0x1F9B0] =	vst v1;
	v1 =	vld [tilespmem:s21+$0x280];
	_ =	sdelay $0x4  }
0x22d: {  	[tilespmem:$0x1F9C0] =	vst v1;
	v1 =	vld [tilespmem:s21+$0x8680];
	_ =	sdelay $0x4  }
0x22e: {  	[tilespmem:$0x1F9D0] =	vst v1;
	v1 =	vld [tilespmem:s21+$0x8280];
	_ =	sdelay $0x4  }
0x22f: {  	[tilespmem:$0x1F9E0] =	vst v1;
	v1 =	vld [tilespmem:s21+$0x680];
	_ =	sdelay $0x4  }
0x230: {  	[tilespmem:$0x1F9F0] =	vst v1;
	v1 =	vld [tilespmem:s21+$0x290];
	_ =	sdelay $0x4  }
0x231: {  	[tilespmem:$0x1FA00] =	vst v1;
	v1 =	vld [tilespmem:s21+$0x8690];
	_ =	sdelay $0x4  }
0x232: {  	[tilespmem:$0x1FA10] =	vst v1;
	v1 =	vld [tilespmem:s21+$0x690];
	_ =	sdelay $0x4  }
0x233: {  	[tilespmem:$0x1FA20] =	vst v1;
	v1 =	vld [tilespmem:s21+$0x2A0];
	_ =	sdelay $0x4  }
0x234: {  	[tilespmem:$0x1FA30] =	vst v1;
	v1 =	vld [tilespmem:s21+$0x86A0];
	_ =	sdelay $0x4  }
0x235: {  	[tilespmem:$0x1FA40] =	vst v1;
	v1 =	vld [tilespmem:s21+$0x82A0];
	_ =	sdelay $0x4  }
0x236: {  	[tilespmem:$0x1FA50] =	vst v1;
	v1 =	vld [tilespmem:s21+$0x6A0];
	_ =	sdelay $0x4  }
0x237: {  	[tilespmem:$0x1FA60] =	vst v1;
	v1 =	vld [tilespmem:s21+$0x2B0];
	_ =	sdelay $0x4  }
0x238: {  	[tilespmem:$0x1FA70] =	vst v1;
	v1 =	vld [tilespmem:s21+$0x86B0];
	_ =	sdelay $0x4  }
0x239: {  	[tilespmem:$0x1FA80] =	vst v1;
	v1 =	vld [tilespmem:s21+$0x82B0];
	_ =	sdelay $0x4  }
0x23a: {  	[tilespmem:$0x1FA90] =	vst v1;
	v1 =	vld [tilespmem:s21+$0x6B0];
	_ =	sdelay $0x4  }
0x23b: {  	[tilespmem:$0x1FAA0] =	vst v1;
	v1 =	vld [tilespmem:s21+$0x2C0];
	_ =	sdelay $0x4  }
0x23c: {  	[tilespmem:$0x1FAB0] =	vst v1;
	v1 =	vld [tilespmem:s21+$0x86C0];
	_ =	sdelay $0x4  }
0x23d: {  	[tilespmem:$0x1FAC0] =	vst v1;
	v1 =	vld [tilespmem:s21+$0x82C0];
	_ =	sdelay $0x4  }
0x23e: {  	[tilespmem:$0x1FAD0] =	vst v1;
	v1 =	vld [tilespmem:s21+$0x6C0];
	_ =	sdelay $0x4  }
0x23f: {  	[tilespmem:$0x1FAE0] =	vst v1;
	v1 =	vld [tilespmem:s21+$0x2D0];
	_ =	sdelay $0x4  }
0x240: {  	[tilespmem:$0x1FAF0] =	vst v1;
	v1 =	vld [tilespmem:s21+$0x86D0];
	_ =	sdelay $0x4  }
0x241: {  	[tilespmem:$0x1FB00] =	vst v1;
	v1 =	vld [tilespmem:s21+$0x82D0];
	_ =	sdelay $0x4  }
0x242: {  	[tilespmem:$0x1FB10] =	vst v1;
	v1 =	vld [tilespmem:s21+$0x6D0];
	_ =	sdelay $0x4  }
0x243: {  	[tilespmem:$0x1FB20] =	vst v1;
	v1 =	vld [tilespmem:s21+$0x2E0];
	_ =	sdelay $0x4  }
0x244: {  	[tilespmem:$0x1FB30] =	vst v1;
	v1 =	vld [tilespmem:s21+$0x86E0];
	_ =	sdelay $0x4  }
0x245: {  	[tilespmem:$0x1FB40] =	vst v1;
	v1 =	vld [tilespmem:s21+$0x82E0];
	_ =	sdelay $0x4  }
0x246: {  	[tilespmem:$0x1FB50] =	vst v1;
	v1 =	vld [tilespmem:s21+$0x6E0];
	_ =	sdelay $0x4  }
0x247: {  	[tilespmem:$0x1FB60] =	vst v1;
	v1 =	vld [tilespmem:s21+$0x2F0];
	_ =	sdelay $0x4  }
0x248: {  	[tilespmem:$0x1FB70] =	vst v1;
	v1 =	vld [tilespmem:s21+$0x86F0];
	_ =	sdelay $0x4  }
0x249: {  	[tilespmem:$0x1FB80] =	vst v1;
	v1 =	vld [tilespmem:s21+$0x300];
	_ =	sdelay $0x4  }
0x24a: {  	[tilespmem:$0x1FB90] =	vst v1;
	v1 =	vld [tilespmem:s21+$0x8700];
	_ =	sdelay $0x4  }
0x24b: {  	[tilespmem:$0x1FBA0] =	vst v1;
	v1 =	vld [tilespmem:s21+$0x8300];
	_ =	sdelay $0x4  }
0x24c: {  	[tilespmem:$0x1FBB0] =	vst v1;
	v1 =	vld [tilespmem:s21+$0x700];
	_ =	sdelay $0x4  }
0x24d: {  	[tilespmem:$0x1FBC0] =	vst v1;
	v1 =	vld [tilespmem:s21+$0x310];
	_ =	sdelay $0x4  }
0x24e: {  	[tilespmem:$0x1FBD0] =	vst v1;
	v1 =	vld [tilespmem:s21+$0x8710];
	_ =	sdelay $0x4  }
0x24f: {  	[tilespmem:$0x1FBE0] =	vst v1;
	v1 =	vld [tilespmem:s21+$0x8310];
	_ =	sdelay $0x4  }
0x250: {  	[tilespmem:$0x1FBF0] =	vst v1;
	v1 =	vld [tilespmem:s21+$0x710];
	_ =	sdelay $0x4  }
0x251: {  	[tilespmem:$0x1FC00] =	vst v1;
	v1 =	vld [tilespmem:s21+$0x320];
	_ =	sdelay $0x4  }
0x252: {  	[tilespmem:$0x1FC10] =	vst v1;
	v1 =	vld [tilespmem:s21+$0x8720];
	_ =	sdelay $0x4  }
0x253: {  	[tilespmem:$0x1FC20] =	vst v1;
	v1 =	vld [tilespmem:s21+$0x8320];
	_ =	sdelay $0x4  }
0x254: {  	[tilespmem:$0x1FC30] =	vst v1;
	v1 =	vld [tilespmem:s21+$0x720];
	_ =	sdelay $0x4  }
0x255: {  	[tilespmem:$0x1FC40] =	vst v1;
	v1 =	vld [tilespmem:s21+$0x330];
	_ =	sdelay $0x4  }
0x256: {  	[tilespmem:$0x1FC50] =	vst v1;
	v1 =	vld [tilespmem:s21+$0x8730];
	_ =	sdelay $0x4  }
0x257: {  	[tilespmem:$0x1FC60] =	vst v1;
	v1 =	vld [tilespmem:s21+$0x8330];
	_ =	sdelay $0x4  }
0x258: {  	[tilespmem:$0x1FC70] =	vst v1;
	v1 =	vld [tilespmem:s21+$0x730];
	_ =	sdelay $0x4  }
0x259: {  	[tilespmem:$0x1FC80] =	vst v1;
	v1 =	vld [tilespmem:s21+$0x340];
	_ =	sdelay $0x4  }
0x25a: {  	[tilespmem:$0x1FC90] =	vst v1;
	v1 =	vld [tilespmem:s21+$0x8740];
	_ =	sdelay $0x4  }
0x25b: {  	[tilespmem:$0x1FCA0] =	vst v1;
	v1 =	vld [tilespmem:s21+$0x8340];
	_ =	sdelay $0x4  }
0x25c: {  	[tilespmem:$0x1FCB0] =	vst v1;
	v1 =	vld [tilespmem:s21+$0x740];
	_ =	sdelay $0x4  }
0x25d: {  	[tilespmem:$0x1FCC0] =	vst v1;
	v1 =	vld [tilespmem:s21+$0x350];
	_ =	sdelay $0x4  }
0x25e: {  	[tilespmem:$0x1FCD0] =	vst v1;
	v1 =	vld [tilespmem:s21+$0x8750];
	_ =	sdelay $0x4  }
0x25f: {  	[tilespmem:$0x1FCE0] =	vst v1;
	v1 =	vld [tilespmem:s21+$0x8350];
	_ =	sdelay $0x4  }
0x260: {  	[tilespmem:$0x1FCF0] =	vst v1;
	v1 =	vld [tilespmem:s21+$0x750];
	_ =	sdelay $0x4  }
0x261: {  	[tilespmem:$0x1FD00] =	vst v1;
	v1 =	vld [tilespmem:s21+$0x360];
	_ =	sdelay $0x4  }
0x262: {  	[tilespmem:$0x1FD10] =	vst v1;
	v1 =	vld [tilespmem:s21+$0x8760];
	_ =	sdelay $0x4  }
0x263: {  	[tilespmem:$0x1FD20] =	vst v1;
	v1 =	vld [tilespmem:s21+$0x8360];
	_ =	sdelay $0x4  }
0x264: {  	[tilespmem:$0x1FD30] =	vst v1;
	v1 =	vld [tilespmem:s21+$0x760];
	_ =	sdelay $0x4  }
0x265: {  	[tilespmem:$0x1FD40] =	vst v1;
	v1 =	vld [tilespmem:s21+$0x370];
	_ =	sdelay $0x4  }
0x266: {  	[tilespmem:$0x1FD50] =	vst v1;
	v1 =	vld [tilespmem:s21+$0x8770];
	_ =	sdelay $0x4  }
0x267: {  	[tilespmem:$0x1FD60] =	vst v1;
	v1 =	vld [tilespmem:s21+$0x380];
	_ =	sdelay $0x4  }
0x268: {  	[tilespmem:$0x1FD70] =	vst v1;
	v1 =	vld [tilespmem:s21+$0x8780];
	_ =	sdelay $0x4  }
0x269: {  	[tilespmem:$0x1FD80] =	vst v1;
	v1 =	vld [tilespmem:s21+$0x8380];
	_ =	sdelay $0x4  }
0x26a: {  	[tilespmem:$0x1FD90] =	vst v1;
	v1 =	vld [tilespmem:s21+$0x780];
	_ =	sdelay $0x4  }
0x26b: {  	[tilespmem:$0x1FDA0] =	vst v1;
	v1 =	vld [tilespmem:s21+$0x390];
	_ =	sdelay $0x4  }
0x26c: {  	[tilespmem:$0x1FDB0] =	vst v1;
	v1 =	vld [tilespmem:s21+$0x8790];
	_ =	sdelay $0x4  }
0x26d: {  	[tilespmem:$0x1FDC0] =	vst v1;
	v1 =	vld [tilespmem:s21+$0x8390];
	_ =	sdelay $0x4  }
0x26e: {  	[tilespmem:$0x1FDD0] =	vst v1;
	v1 =	vld [tilespmem:s21+$0x790];
	_ =	sdelay $0x4  }
0x26f: {  	[tilespmem:$0x1FDE0] =	vst v1;
	v1 =	vld [tilespmem:s21+$0x87A0];
	_ =	sdelay $0x4  }
0x270: {  	[tilespmem:$0x1FDF0] =	vst v1;
	v1 =	vld [tilespmem:s21+$0x83A0];
	_ =	sdelay $0x4  }
0x271: {  	[tilespmem:$0x1FE00] =	vst v1;
	v1 =	vld [tilespmem:s21+$0x7A0];
	_ =	sdelay $0x4  }
0x272: {  	[tilespmem:$0x1FE10] =	vst v1;
	v1 =	vld [tilespmem:s21+$0x3B0];
	_ =	sdelay $0x4  }
0x273: {  	[tilespmem:$0x1FE20] =	vst v1;
	v1 =	vld [tilespmem:s21+$0x87B0];
	_ =	sdelay $0x4  }
0x274: {  	[tilespmem:$0x1FE30] =	vst v1;
	v1 =	vld [tilespmem:$0x1F600]  }
0x275: {  	v57 =	vsub.f32 v63, v57;
	v59 =	vsub.f32 v62, v59  }
0x276: {  	v34 =	vsub.f32 v34, v58  }
0x277: {  	v23 =	vsub.f32 v23, v56;
	v57 =	vmax.f32 v57, v59  }
0x278: {  	v22 =	vsub.f32 v22, v55;
	v34 =	vmax.f32 v57, v34  }
0x279: {  	v21 =	vsub.f32 v21, v54;
	v23 =	vmax.f32 v34, v23;
	v56 =	vsub.f32 v1, v49;
	v1 =	vld [tilespmem:s21+$0x83B0]  }
0x27a: {  	v20 =	vsub.f32 v20, v53;
	v19 =	vsub.f32 v19, v45;
	v22 =	vmax.f32 v23, v22  }
0x27b: {  	v0 =	vsub.f32 v33, v0;
	v24 =	vsub.f32 v36, v24;
	v21 =	vmax.f32 v22, v21  }
0x27c: {  	v20 =	vmax.f32 v21, v20  }
0x27d: {  	v19 =	vmax.f32 v20, v19;
	v20 =	vsub.f32 v48, v35;
	v35 =	vmax.f32 v0, v24;
	v0 =	vld [tilespmem:$0x1F610]  }
0x27e: {  	[tilespmem:$0x1FE40] =	vst v1;
	v1 =	vld [tilespmem:$0x1F620];
	_ =	sdelay $0x4  }
0x27f: {  	v0 =	vsub.f32 v0, v1;
	v1 =	vld [tilespmem:s21+$0x7B0];
	_ =	sdelay $0x2  }
0x280: {  	v19 =	vmax.f32 v19, $0.0e+00  }
0x281: {  	v3 =	vadd.f32 v19, v3;
	v19 =	vld [tilespmem:$0x1F640]  }
0x282: {  	[tilespmem:$0x1FE50] =	vst v1;
	v1 =	vld [tilespmem:$0x1F630];
	_ =	sdelay $0x4  }
0x283: {  	v58 =	vsub.f32 v1, v19;
	v1 =	vld [tilespmem:$0x1F650];
	_ =	sdelay $0x4  }
0x284: {  	v59 =	vsub.f32 v1, v50;
	v1 =	vld [tilespmem:s21+$0x3C0];
	_ =	sdelay $0x1  }
0x285: {  	v57 =	vsub.f32 v37, v25;
	_ =	sdelay $0x1  }
0x286: {  	v37 =	vmax.f32 v0, v57;
	v0 =	vld [tilespmem:$0x1F660]  }
0x287: {  	[tilespmem:$0x1FE60] =	vst v1;
	v1 =	vld [tilespmem:$0x1F670];
	_ =	sdelay $0x4  }
0x288: {  	v0 =	vsub.f32 v0, v1;
	v1 =	vld [tilespmem:s21+$0x87C0];
	_ =	sdelay $0x3  }
0x289: {  	v19 =	vld [tilespmem:$0x1F690]  }
0x28a: {  	[tilespmem:$0x1FE70] =	vst v1;
	v1 =	vld [tilespmem:$0x1F680];
	_ =	sdelay $0x4  }
0x28b: {  	v63 =	vsub.f32 v1, v19;
	v1 =	vld [tilespmem:$0x1F6A0];
	_ =	sdelay $0x4  }
0x28c: {  	v21 =	vsub.f32 v1, v51;
	v1 =	vld [tilespmem:s21+$0x83C0];
	_ =	sdelay $0x1  }
0x28d: {  	v62 =	vsub.f32 v38, v26;
	_ =	sdelay $0x1  }
0x28e: {  	v45 =	vmax.f32 v0, v62;
	v0 =	vld [tilespmem:$0x1F6B0]  }
0x28f: {  	[tilespmem:$0x1FE80] =	vst v1;
	v1 =	vld [tilespmem:$0x1F6C0];
	_ =	sdelay $0x4  }
0x290: {  	v22 =	vsub.f32 v0, v1;
	v0 =	vld [tilespmem:s21+$0x7C0];
	_ =	sdelay $0x3  }
0x291: {  	v1 =	vld [tilespmem:$0x1F6E0]  }
0x292: {  	[tilespmem:$0x1FE90] =	vst v0;
	v0 =	vld [tilespmem:$0x1F6D0];
	_ =	sdelay $0x4  }
0x293: {  	v23 =	vsub.f32 v0, v1;
	v0 =	vld [tilespmem:$0x1F6F0];
	_ =	sdelay $0x4  }
0x294: {  	v53 =	vsub.f32 v0, v52;
	v0 =	vld [tilespmem:s21+$0x3D0];
	_ =	sdelay $0x3  }
0x295: {  	v1 =	vld [tilespmem:$0x1F710]  }
0x296: {  	[tilespmem:$0x1FEA0] =	vst v0;
	v0 =	vld [tilespmem:$0x1F700];
	_ =	sdelay $0x4  }
0x297: {  	v54 =	vsub.f32 v0, v1;
	v0 =	vld [tilespmem:s21+$0x87D0];
	_ =	sdelay $0x3  }
0x298: {  	v1 =	vld [tilespmem:$0x1F730]  }
0x299: {  	[tilespmem:$0x1FEB0] =	vst v0;
	v0 =	vld [tilespmem:$0x1F720];
	_ =	sdelay $0x3  }
0x29a: {  	v41 =	vld [tilespmem:s21+$0x5C0]  }
0x29b: {  	v55 =	vsub.f32 v0, v1;
	v0 =	vld [tilespmem:$0x1F740];
	_ =	sdelay $0x4  }
0x29c: {  	v41 =	vsub.f32 v0, v41;
	v0 =	vld [tilespmem:s21+$0x83D0];
	_ =	sdelay $0x3  }
0x29d: {  	v1 =	vld [tilespmem:$0x1F760]  }
0x29e: {  	[tilespmem:$0x1FEC0] =	vst v0;
	v0 =	vld [tilespmem:$0x1F750];
	_ =	sdelay $0x4  }
0x29f: {  	v36 =	vmax.f32 v20, v56;
	v56 =	vsub.f32 v0, v1;
	v0 =	vld [tilespmem:s21+$0x7D0];
	_ =	sdelay $0x3  }
0x2a0: {  	v1 =	vld [tilespmem:$0x1F780]  }
0x2a1: {  	[tilespmem:$0x1FED0] =	vst v0;
	v0 =	vld [tilespmem:$0x1F770];
	_ =	sdelay $0x3  }
0x2a2: {  	v42 =	vld [tilespmem:s21+$0x5D0]  }
0x2a3: {  	v57 =	vsub.f32 v0, v1;
	v0 =	vld [tilespmem:$0x1F790];
	_ =	sdelay $0x4  }
0x2a4: {  	v38 =	vmax.f32 v58, v59;
	v58 =	vsub.f32 v0, v42;
	v0 =	vld [tilespmem:s21+$0x3E0];
	_ =	sdelay $0x3  }
0x2a5: {  	v1 =	vld [tilespmem:$0x1F7B0]  }
0x2a6: {  	[tilespmem:$0x1FEE0] =	vst v0;
	v0 =	vld [tilespmem:$0x1F7A0];
	_ =	sdelay $0x4  }
0x2a7: {  	v59 =	vsub.f32 v0, v1;
	v0 =	vld [tilespmem:s21+$0x87E0];
	_ =	sdelay $0x3  }
0x2a8: {  	v1 =	vld [tilespmem:$0x1F7D0]  }
0x2a9: {  	[tilespmem:$0x1FEF0] =	vst v0;
	v0 =	vld [tilespmem:$0x1F7C0];
	_ =	sdelay $0x3  }
0x2aa: {  	v43 =	vld [tilespmem:s21+$0x5E0]  }
0x2ab: {  	v62 =	vsub.f32 v0, v1;
	v0 =	vld [tilespmem:$0x1F7E0];
	_ =	sdelay $0x4  }
0x2ac: {  	v43 =	vsub.f32 v0, v43;
	v0 =	vld [tilespmem:s21+$0x83E0];
	_ =	sdelay $0x3  }
0x2ad: {  	v1 =	vld [tilespmem:$0x1F800]  }
0x2ae: {  	[tilespmem:$0x1FF00] =	vst v0;
	v0 =	vld [tilespmem:$0x1F7F0];
	_ =	sdelay $0x3  }
0x2af: {  	v44 =	vld [tilespmem:s21+$0x85F0]  }
0x2b0: {  	v27 =	vsub.f32 v39, v27;
	v39 =	vmax.f32 v63, v21;
	v63 =	vsub.f32 v0, v1;
	v0 =	vld [tilespmem:$0x1F810];
	_ =	sdelay $0x3  }
0x2b1: {  	v1 =	vld [tilespmem:$0x1F830]  }
0x2b2: {  	v44 =	vsub.f32 v0, v44;
	v0 =	vld [tilespmem:$0x1F820];
	_ =	sdelay $0x4  }
0x2b3: {  	v21 =	vsub.f32 v0, v1;
	v0 =	vld [tilespmem:s21+$0x3F0];
	_ =	sdelay $0x3  }
0x2b4: {  	v1 =	vld [tilespmem:$0x1F850]  }
0x2b5: {  	[tilespmem:$0x1FF10] =	vst v0;
	v0 =	vld [tilespmem:$0x1F840];
	_ =	sdelay $0x3  }
0x2b6: {  	v47 =	vld [tilespmem:s21+$0x610]  }
0x2b7: {  	v49 =	vmax.f32 v22, v27;
	v22 =	vsub.f32 v0, v1;
	v0 =	vld [tilespmem:$0x1F860];
	_ =	sdelay $0x4  }
0x2b8: {  	v47 =	vsub.f32 v0, v47;
	v0 =	vld [tilespmem:s21+$0x87F0];
	_ =	sdelay $0x1  }
0x2b9: {  	v40 =	vld [tilespmem:s21+$0x1C0]  }
0x2ba: {  	v28 =	vld [tilespmem:s21+$0x85C0]  }
0x2bb: {  	v1 =	vld [tilespmem:$0x1F880]  }
0x2bc: {  	[tilespmem:$0x1FF20] =	vst v0;
	v0 =	vld [tilespmem:$0x1F870];
	_ =	sdelay $0x4  }
0x2bd: {  	v28 =	vsub.f32 v40, v28;
	v40 =	vmax.f32 v23, v53;
	v23 =	vsub.f32 v0, v1;
	v0 =	vld [tilespmem:s21+$0x400];
	_ =	sdelay $0x3  }
0x2be: {  	v1 =	vld [tilespmem:$0x1F8A0]  }
0x2bf: {  	[tilespmem:$0x1FF30] =	vst v0;
	v0 =	vld [tilespmem:$0x1F890];
	_ =	sdelay $0x4  }
0x2c0: {  	v24 =	vsub.f32 v0, v1;
	v0 =	vld [tilespmem:s21+$0x8800];
	_ =	sdelay $0x3  }
0x2c1: {  	v1 =	vld [tilespmem:$0x1F8C0]  }
0x2c2: {  	[tilespmem:$0x1FF40] =	vst v0;
	v0 =	vld [tilespmem:$0x1F8B0];
	_ =	sdelay $0x4  }
0x2c3: {  	v25 =	vsub.f32 v0, v1;
	v0 =	vld [tilespmem:$0x1F8D0]  }
0x2c4: {  	v1 =	vld [tilespmem:$0x1F8E0];
	_ =	sdelay $0x4  }
0x2c5: {  	v26 =	vsub.f32 v0, v1;
	v0 =	vld [tilespmem:s21+$0x8400];
	_ =	sdelay $0x3  }
0x2c6: {  	v1 =	vld [tilespmem:$0x1F900]  }
0x2c7: {  	[tilespmem:$0x1FF50] =	vst v0;
	v0 =	vld [tilespmem:$0x1F8F0];
	_ =	sdelay $0x2  }
0x2c8: {  	v31 =	vld [tilespmem:s21+$0x1D0]  }
0x2c9: {  	v29 =	vld [tilespmem:s21+$0x85D0]  }
0x2ca: {  	v48 =	vmax.f32 v54, v28;
	v28 =	vsub.f32 v0, v1;
	v0 =	vld [tilespmem:$0x1F910]  }
0x2cb: {  	v1 =	vld [tilespmem:$0x1F920];
	_ =	sdelay $0x2  }
0x2cc: {  	v29 =	vsub.f32 v31, v29;
	_ =	sdelay $0x1  }
0x2cd: {  	v42 =	vmax.f32 v56, v29;
	v29 =	vsub.f32 v0, v1;
	v0 =	vld [tilespmem:$0x1F930]  }
0x2ce: {  	v1 =	vld [tilespmem:$0x1F940];
	_ =	sdelay $0x4  }
0x2cf: {  	v31 =	vsub.f32 v0, v1;
	v0 =	vld [tilespmem:s21+$0x410];
	_ =	sdelay $0x3  }
0x2d0: {  	v1 =	vld [tilespmem:$0x1F960]  }
0x2d1: {  	[tilespmem:$0x1FF60] =	vst v0;
	v0 =	vld [tilespmem:$0x1F950];
	_ =	sdelay $0x4  }
0x2d2: {  	v53 =	vmax.f32 v35, v21;
	v35 =	vsub.f32 v0, v1;
	v0 =	vld [tilespmem:s21+$0x8810];
	_ =	sdelay $0x1  }
0x2d3: {  	v61 =	vld [tilespmem:s21+$0x8200]  }
0x2d4: {  	v46 =	vld [tilespmem:s21+$0x600]  }
0x2d5: {  	v60 =	vld [tilespmem:s21+$0x260]  }
0x2d6: {  	[tilespmem:$0x1FF70] =	vst v0;
	v0 =	vld [tilespmem:$0x1F970];
	_ =	sdelay $0x2  }
0x2d7: {  	v46 =	vsub.f32 v61, v46  }
0x2d8: {  	v1 =	vld [tilespmem:$0x1F990]  }
0x2d9: {  	v46 =	vmax.f32 v36, v46;
	v36 =	vsub.f32 v60, v0;
	v0 =	vld [tilespmem:$0x1F980];
	_ =	sdelay $0x4  }
0x2da: {  	v52 =	vmax.f32 v37, v22;
	v37 =	vsub.f32 v0, v1;
	v0 =	vld [tilespmem:s21+$0x8410];
	_ =	sdelay $0x3  }
0x2db: {  	v1 =	vld [tilespmem:$0x1F9B0]  }
0x2dc: {  	[tilespmem:$0x1FF80] =	vst v0;
	v0 =	vld [tilespmem:$0x1F9A0];
	_ =	sdelay $0x4  }
0x2dd: {  	v47 =	vmax.f32 v38, v47;
	v38 =	vsub.f32 v0, v1;
	v0 =	vld [tilespmem:$0x1F9C0]  }
0x2de: {  	v1 =	vld [tilespmem:$0x1F9D0];
	_ =	sdelay $0x4  }
0x2df: {  	v51 =	vmax.f32 v57, v58;
	v57 =	vsub.f32 v0, v1;
	v0 =	vld [tilespmem:s21+$0x810];
	_ =	sdelay $0x3  }
0x2e0: {  	v1 =	vld [tilespmem:$0x1F9F0]  }
0x2e1: {  	[tilespmem:$0x1FF90] =	vst v0;
	v0 =	vld [tilespmem:$0x1F9E0];
	_ =	sdelay $0x4  }
0x2e2: {  	v44 =	vmax.f32 v63, v44;
	v63 =	vsub.f32 v0, v1;
	v0 =	vld [tilespmem:s21+$0x420];
	_ =	sdelay $0x3  }
0x2e3: {  	v1 =	vld [tilespmem:$0x1FA10]  }
0x2e4: {  	[tilespmem:$0x1FFA0] =	vst v0;
	v0 =	vld [tilespmem:$0x1FA00];
	_ =	sdelay $0x4  }
0x2e5: {  	v21 =	vsub.f32 v0, v1;
	v0 =	vld [tilespmem:s21+$0x8820];
	_ =	sdelay $0x3  }
0x2e6: {  	v2 =	vld [tilespmem:s21+$0x8290]  }
0x2e7: {  	[tilespmem:$0x1FFB0] =	vst v0;
	v0 =	vld [tilespmem:$0x1FA20];
	_ =	sdelay $0x3  }
0x2e8: {  	v1 =	vld [tilespmem:$0x1FA40]  }
0x2e9: {  	v22 =	vsub.f32 v2, v0;
	v0 =	vld [tilespmem:$0x1FA30];
	_ =	sdelay $0x4  }
0x2ea: {  	v2 =	vsub.f32 v0, v1;
	v0 =	vld [tilespmem:s21+$0x8420];
	_ =	sdelay $0x3  }
0x2eb: {  	v1 =	vld [tilespmem:$0x1FA60]  }
0x2ec: {  	[tilespmem:$0x1FFC0] =	vst v0;
	v0 =	vld [tilespmem:$0x1FA50];
	_ =	sdelay $0x4  }
0x2ed: {  	v45 =	vmax.f32 v45, v23;
	v23 =	vsub.f32 v0, v1;
	v0 =	vld [tilespmem:$0x1FA70]  }
0x2ee: {  	v1 =	vld [tilespmem:$0x1FA80];
	_ =	sdelay $0x3  }
0x2ef: {  	v19 =	vld [tilespmem:$0x1FAA0]  }
0x2f0: {  	v0 =	vsub.f32 v0, v1;
	v1 =	vld [tilespmem:$0x1FA90];
	_ =	sdelay $0x2  }
0x2f1: {  	v49 =	vmax.f32 v49, v25  }
0x2f2: {  	v52 =	vmax.f32 v52, v21;
	v21 =	vmax.f32 v49, v0;
	v0 =	vld [tilespmem:$0x1FAB0]  }
0x2f3: {  	v27 =	vmax.f32 v39, v24;
	v24 =	vsub.f32 v1, v19;
	v1 =	vld [tilespmem:$0x1FAC0];
	_ =	sdelay $0x2  }
0x2f4: {  	v32 =	vld [tilespmem:s21+$0x1E0]  }
0x2f5: {  	v30 =	vld [tilespmem:s21+$0x85E0]  }
0x2f6: {  	v25 =	vsub.f32 v0, v1;
	v0 =	vld [tilespmem:$0x1FAD0]  }
0x2f7: {  	v1 =	vld [tilespmem:$0x1FAE0];
	_ =	sdelay $0x4  }
0x2f8: {  	v32 =	vsub.f32 v32, v30;
	v30 =	vmax.f32 v40, v26;
	v26 =	vsub.f32 v0, v1;
	v0 =	vld [tilespmem:$0x1FAF0]  }
0x2f9: {  	v1 =	vld [tilespmem:$0x1FB00];
	_ =	sdelay $0x3  }
0x2fa: {  	v19 =	vld [tilespmem:$0x1FB20]  }
0x2fb: {  	v1 =	vsub.f32 v0, v1;
	v0 =	vld [tilespmem:$0x1FB10];
	_ =	sdelay $0x4  }
0x2fc: {  	v56 =	vmax.f32 v27, v23;
	v27 =	vsub.f32 v0, v19;
	v0 =	vld [tilespmem:$0x1FB30]  }
0x2fd: {  	v19 =	vld [tilespmem:$0x1FB40];
	_ =	sdelay $0x3  }
0x2fe: {  	v20 =	vld [tilespmem:$0x1FB60];
	v42 =	vmax.f32 v42, v31  }
0x2ff: {  	v0 =	vsub.f32 v0, v19;
	v19 =	vmax.f32 v42, v1;
	v1 =	vld [tilespmem:$0x1FB50];
	_ =	sdelay $0x1  }
0x300: {  	v50 =	vmax.f32 v59, v32  }
0x301: {  	v50 =	vmax.f32 v50, v36  }
0x302: {  	v2 =	vmax.f32 v45, v2;
	v45 =	vmax.f32 v30, v24;
	v24 =	vmax.f32 v50, v0;
	v0 =	vld [tilespmem:$0x1FB70]  }
0x303: {  	v48 =	vmax.f32 v48, v28;
	v28 =	vsub.f32 v1, v20;
	v1 =	vld [tilespmem:$0x1FB80];
	_ =	sdelay $0x3  }
0x304: {  	v41 =	vmax.f32 v55, v41  }
0x305: {  	v33 =	vmax.f32 v41, v29;
	v29 =	vsub.f32 v0, v1;
	v0 =	vld [tilespmem:$0x1FB90]  }
0x306: {  	v1 =	vld [tilespmem:$0x1FBA0];
	_ =	sdelay $0x4  }
0x307: {  	v30 =	vsub.f32 v0, v1;
	v0 =	vld [tilespmem:$0x1FBB0]  }
0x308: {  	v1 =	vld [tilespmem:$0x1FBC0];
	_ =	sdelay $0x3  }
0x309: {  	v20 =	vld [tilespmem:$0x1FBE0]  }
0x30a: {  	v0 =	vsub.f32 v0, v1;
	v1 =	vld [tilespmem:$0x1FBD0];
	_ =	sdelay $0x4  }
0x30b: {  	v31 =	vsub.f32 v1, v20;
	v1 =	vld [tilespmem:$0x1FBF0]  }
0x30c: {  	v20 =	vld [tilespmem:$0x1FC00];
	_ =	sdelay $0x3  }
0x30d: {  	v46 =	vmax.f32 v46, v63;
	v54 =	vmax.f32 v33, v26;
	v33 =	vld [tilespmem:$0x1FC20]  }
0x30e: {  	v1 =	vsub.f32 v1, v20;
	v20 =	vmax.f32 v46, v0;
	v0 =	vld [tilespmem:$0x1FC10];
	_ =	sdelay $0x2  }
0x30f: {  	v47 =	vmax.f32 v47, v22  }
0x310: {  	v26 =	vmax.f32 v47, v1;
	v1 =	vld [tilespmem:$0x1FC40]  }
0x311: {  	v51 =	vmax.f32 v51, v35;
	v35 =	vsub.f32 v0, v33;
	v0 =	vld [tilespmem:$0x1FC30];
	_ =	sdelay $0x4  }
0x312: {  	v36 =	vsub.f32 v0, v1;
	v0 =	vld [tilespmem:$0x1FC50]  }
0x313: {  	v1 =	vld [tilespmem:$0x1FC60];
	_ =	sdelay $0x3  }
0x314: {  	v43 =	vmax.f32 v62, v43  }
0x315: {  	v43 =	vmax.f32 v43, v37;
	v37 =	vsub.f32 v0, v1;
	v0 =	vld [tilespmem:$0x1FC70]  }
0x316: {  	v1 =	vld [tilespmem:$0x1FC80];
	_ =	sdelay $0x3  }
0x317: {  	v22 =	vmax.f32 v2, v35;
	v2 =	vld [tilespmem:$0x1FCA0]  }
0x318: {  	v0 =	vsub.f32 v0, v1;
	v1 =	vld [tilespmem:$0x1FC90];
	_ =	sdelay $0x4  }
0x319: {  	v44 =	vmax.f32 v44, v38;
	v38 =	vsub.f32 v1, v2;
	v1 =	vld [tilespmem:$0x1FCB0]  }
0x31a: {  	v2 =	vld [tilespmem:$0x1FCC0];
	_ =	sdelay $0x3  }
0x31b: {  	v46 =	vld [tilespmem:$0x1FCE0]  }
0x31c: {  	v1 =	vsub.f32 v1, v2;
	v2 =	vmax.f32 v45, v0;
	v0 =	vld [tilespmem:$0x1FCD0];
	_ =	sdelay $0x3  }
0x31d: {  	v42 =	vmax.f32 v43, v28;
	v28 =	vmax.f32 v54, v1;
	v1 =	vld [tilespmem:$0x1FD00]  }
0x31e: {  	v48 =	vmax.f32 v48, v25;
	v25 =	vsub.f32 v0, v46;
	v0 =	vld [tilespmem:$0x1FCF0];
	_ =	sdelay $0x4  }
0x31f: {  	v49 =	vmax.f32 v51, v27;
	v27 =	vsub.f32 v0, v1;
	v0 =	vld [tilespmem:$0x1FD10]  }
0x320: {  	v1 =	vld [tilespmem:$0x1FD20];
	_ =	sdelay $0x4  }
0x321: {  	v44 =	vmax.f32 v44, v29;
	v29 =	vsub.f32 v0, v1;
	v0 =	vld [tilespmem:$0x1FD30]  }
0x322: {  	v1 =	vld [tilespmem:$0x1FD40];
	_ =	sdelay $0x3  }
0x323: {  	v23 =	vmax.f32 v19, v25;
	v19 =	vld [tilespmem:$0x1FD60]  }
0x324: {  	v0 =	vsub.f32 v0, v1;
	v1 =	vld [tilespmem:$0x1FD50];
	_ =	sdelay $0x3  }
0x325: {  	v53 =	vmax.f32 v53, v57  }
0x326: {  	v43 =	vmax.f32 v53, v30;
	v30 =	vsub.f32 v1, v19;
	v1 =	vld [tilespmem:$0x1FD70]  }
0x327: {  	v19 =	vld [tilespmem:$0x1FD80];
	_ =	sdelay $0x3  }
0x328: {  	v50 =	vmax.f32 v52, v31;
	v31 =	vld [tilespmem:$0x1FDA0]  }
0x329: {  	v1 =	vsub.f32 v1, v19;
	v19 =	vmax.f32 v42, v0;
	v0 =	vld [tilespmem:$0x1FD90];
	_ =	sdelay $0x3  }
0x32a: {  	v44 =	vmax.f32 v44, v30;
	v30 =	vmax.f32 v43, v1;
	v1 =	vld [tilespmem:$0x1FDC0]  }
0x32b: {  	v33 =	vsub.f32 v0, v31;
	v0 =	vld [tilespmem:$0x1FDB0];
	_ =	sdelay $0x4  }
0x32c: {  	v35 =	vsub.f32 v0, v1;
	v0 =	vld [tilespmem:$0x1FDD0]  }
0x32d: {  	v1 =	vld [tilespmem:$0x1FDE0];
	_ =	sdelay $0x3  }
0x32e: {  	v25 =	vmax.f32 v20, v33;
	v20 =	vld [tilespmem:$0x1FE10]  }
0x32f: {  	v24 =	vmax.f32 v24, v29;
	v29 =	vsub.f32 v0, v1;
	v1 =	vld [tilespmem:$0x1FE00];
	_ =	sdelay $0x2  }
0x330: {  	v34 =	vld [tilespmem:s21+$0x3A0]  }
0x331: {  	v0 =	vld [tilespmem:$0x1FDF0]  }
0x332: {  	v31 =	vsub.f32 v1, v20;
	v1 =	vld [tilespmem:$0x1FE20]  }
0x333: {  	v20 =	vld [tilespmem:$0x1FE30];
	_ =	sdelay $0x2  }
0x334: {  	v0 =	vsub.f32 v34, v0  }
0x335: {  	v26 =	vmax.f32 v26, v29;
	v29 =	vld [tilespmem:$0x1FE50]  }
0x336: {  	v1 =	vsub.f32 v1, v20;
	v20 =	vmax.f32 v22, v0;
	v0 =	vld [tilespmem:$0x1FE40];
	_ =	sdelay $0x4  }
0x337: {  	v21 =	vmax.f32 v21, v37;
	v22 =	vsub.f32 v0, v29;
	v0 =	vld [tilespmem:$0x1FE60]  }
0x338: {  	v29 =	vmax.f32 v21, v1;
	v1 =	vld [tilespmem:$0x1FE70];
	_ =	sdelay $0x1  }
0x339: {  	v61 =	vld [tilespmem:s21+$0x8830]  }
0x33a: {  	v55 =	vld [tilespmem:s21+$0x8440]  }
0x33b: {  	v58 =	vld [tilespmem:s21+$0x440];
	v47 =	vmax.f32 v56, v36  }
0x33c: {  	v47 =	vmax.f32 v47, v31;
	v31 =	vsub.f32 v0, v1;
	v0 =	vld [tilespmem:$0x1FE80]  }
0x33d: {  	v1 =	vld [tilespmem:$0x1FE90]  }
0x33e: {  	v32 =	vld [tilespmem:s21+$0x7E0]  }
0x33f: {  	v59 =	vld [tilespmem:s21+$0x830]  }
0x340: {  	v62 =	vld [tilespmem:s21+$0x430]  }
0x341: {  	v39 =	vld [tilespmem:s21+$0x800]  }
0x342: {  	v49 =	vmax.f32 v49, v27;
	v27 =	vmax.f32 v2, v22;
	v22 =	vsub.f32 v0, v1;
	v0 =	vld [tilespmem:$0x1FEA0]  }
0x343: {  	v1 =	vld [tilespmem:$0x1FEB0]  }
0x344: {  	v60 =	vld [tilespmem:s21+$0x8430]  }
0x345: {  	v40 =	vld [tilespmem:s21+$0x850]  }
0x346: {  	v41 =	vld [tilespmem:s21+$0x8450]  }
0x347: {  	v2 =	vld [tilespmem:$0x1FED0]  }
0x348: {  	v0 =	vsub.f32 v0, v1;
	v1 =	vld [tilespmem:$0x1FEC0]  }
0x349: {  	v59 =	vsub.f32 v60, v59;
	v60 =	vld [tilespmem:s21+$0x4B0]  }
0x34a: {  	v51 =	vld [tilespmem:s21+$0x840]  }
0x34b: {  	v57 =	vld [tilespmem:s21+$0x8840]  }
0x34c: {  	v63 =	vld [tilespmem:s21+$0x820];
	v48 =	vmax.f32 v48, v38  }
0x34d: {  	v21 =	vmax.f32 v48, v31;
	v48 =	vsub.f32 v1, v2;
	v1 =	vld [tilespmem:$0x1FEE0]  }
0x34e: {  	v2 =	vld [tilespmem:$0x1FEF0]  }
0x34f: {  	v51 =	vsub.f32 v55, v51;
	v55 =	vld [tilespmem:s21+$0x88B0]  }
0x350: {  	v53 =	vld [tilespmem:s21+$0x450]  }
0x351: {  	v52 =	vld [tilespmem:s21+$0x8850]  }
0x352: {  	v56 =	vld [tilespmem:s21+$0x8860]  }
0x353: {  	v1 =	vsub.f32 v1, v2;
	v2 =	vmax.f32 v23, v0;
	v0 =	vld [tilespmem:$0x1FF00]  }
0x354: {  	v36 =	vld [tilespmem:s21+$0x480]  }
0x355: {  	v37 =	vld [tilespmem:s21+$0x860]  }
0x356: {  	v38 =	vld [tilespmem:s21+$0x8460]  }
0x357: {  	v22 =	vmax.f32 v28, v22;
	v28 =	vmax.f32 v24, v1;
	v1 =	vld [tilespmem:$0x1FF20]  }
0x358: {  	v23 =	vsub.f32 v0, v32;
	v0 =	vld [tilespmem:$0x1FF10]  }
0x359: {  	v45 =	vld [tilespmem:s21+$0x470]  }
0x35a: {  	v54 =	vld [tilespmem:s21+$0x8870]  }
0x35b: {  	v46 =	vld [tilespmem:s21+$0x460]  }
0x35c: {  	v42 =	vld [tilespmem:s21+$0x8480]  }
0x35d: {  	v24 =	vsub.f32 v0, v1;
	v0 =	vld [tilespmem:$0x1FF30]  }
0x35e: {  	v1 =	vld [tilespmem:$0x1FF40]  }
0x35f: {  	v33 =	vld [tilespmem:s21+$0x8490]  }
0x360: {  	v43 =	vmax.f32 v50, v35;
	v35 =	vld [tilespmem:s21+$0x8880]  }
0x361: {  	v50 =	vld [tilespmem:s21+$0x880]  }
0x362: {  	v34 =	vld [tilespmem:s21+$0x490]  }
0x363: {  	v19 =	vmax.f32 v19, v23;
	v23 =	vsub.f32 v0, v1;
	v0 =	vld [tilespmem:$0x1FF50]  }
0x364: {  	v27 =	vmax.f32 v27, v59;
	v59 =	vsub.f32 v46, v56;
	v46 =	vld [tilespmem:s21+$0x84C0]  }
0x365: {  	v31 =	vld [tilespmem:s21+$0x8890]  }
0x366: {  	v22 =	vmax.f32 v22, v51;
	v51 =	vld [tilespmem:s21+$0x8D0]  }
0x367: {  	v1 =	vld [tilespmem:$0x1FF60]  }
0x368: {  	v23 =	vmax.f32 v30, v23;
	v30 =	vld [tilespmem:$0x1FFB0];
	v0 =	vsub.f32 v0, v39  }
0x369: {  	v39 =	vmax.f32 v44, v24;
	v44 =	vld [tilespmem:$0x1FF70]  }
0x36a: {  	v0 =	vmax.f32 v25, v0;
	v25 =	vld [tilespmem:$0x1FFA0]  }
0x36b: {  	v48 =	vmax.f32 v49, v48;
	v49 =	vld [tilespmem:s21+$0x890]  }
0x36c: {  	v32 =	vld [tilespmem:s21+$0x4A0]  }
0x36d: {  	v24 =	vld [tilespmem:$0x1FF90]  }
0x36e: {  	v40 =	vsub.f32 v41, v40;
	v44 =	vsub.f32 v1, v44;
	v1 =	vld [tilespmem:$0x1FF80]  }
0x36f: {  	v37 =	vsub.f32 v38, v37;
	v25 =	vsub.f32 v25, v30;
	v30 =	vld [tilespmem:s21+$0x84A0]  }
0x370: {  	v45 =	vsub.f32 v45, v54;
	v35 =	vsub.f32 v36, v35;
	v43 =	vmax.f32 v43, v44;
	v44 =	vld [tilespmem:$0x1FFC0]  }
0x371: {  	v20 =	vmax.f32 v20, v25;
	v25 =	vsub.f32 v62, v61;
	v62 =	vsub.f32 v58, v57;
	v57 =	vld [tilespmem:s21+$0x84B0]  }
0x372: {  	v31 =	vsub.f32 v34, v31;
	v40 =	vmax.f32 v48, v40;
	v33 =	vsub.f32 v33, v49;
	v58 =	vld [tilespmem:s21+$0x8B0]  }
0x373: {  	v28 =	vmax.f32 v28, v59;
	v23 =	vmax.f32 v23, v35;
	v61 =	vld [tilespmem:s21+$0x4C0];
	v1 =	vsub.f32 v1, v24  }
0x374: {  	v23 =	vmax.f32 v23, $0.0e+00;
	v24 =	vld [tilespmem:s21+$0x88A0];
	v21 =	vmax.f32 v21, v62;
	v62 =	vsub.f32 v42, v50  }
0x375: {  	v1 =	vmax.f32 v26, v1;
	v26 =	vsub.f32 v44, v63;
	v44 =	vld [tilespmem:s21+$0x8A0];
	v63 =	vsub.f32 v53, v52  }
0x376: {  	v19 =	vmax.f32 v19, v37;
	v18 =	vadd.f32 v23, v18;
	v50 =	vld [tilespmem:s21+$0x84D0];
	v0 =	vmax.f32 v0, v62  }
0x377: {  	v1 =	vmax.f32 v1, v33;
	v2 =	vmax.f32 v2, v63;
	v63 =	vld [tilespmem:s21+$0x88C0];
	v0 =	vmax.f32 v0, $0.0e+00  }
0x378: {  	v26 =	vmax.f32 v47, v26;
	v47 =	vld [tilespmem:s21+$0x8C0];
	v14 =	vadd.f32 v0, v14;
	v0 =	vmax.f32 v43, v31  }
0x379: {  	v56 =	vld [tilespmem:s21+$0x8E0];
	v54 =	vsub.f32 v57, v58;
	v24 =	vsub.f32 v32, v24;
	v0 =	vmax.f32 v0, $0.0e+00  }
0x37a: {  	v48 =	vld [tilespmem:s21+$0x4D0];
	v17 =	vadd.f32 v0, v17;
	v0 =	vmax.f32 v1, $0.0e+00;
	v1 =	vsub.f32 v30, v44  }
0x37b: {  	v49 =	vld [tilespmem:s21+$0x88D0];
	v25 =	vmax.f32 v29, v25;
	v62 =	vsub.f32 v50, v51;
	v12 =	vadd.f32 v0, v12  }
0x37c: {  	v53 =	vld [tilespmem:s21+$0x4E0];
	v0 =	vmax.f32 v20, v24;
	v20 =	vsub.f32 v60, v55;
	v1 =	vmax.f32 v26, v1  }
0x37d: {  	v55 =	vld [tilespmem:s21+$0x88E0];
	v0 =	vmax.f32 v0, $0.0e+00;
	v57 =	vsub.f32 v61, v63;
	v58 =	vsub.f32 v46, v47  }
0x37e: {  	v59 =	vld [tilespmem:s21+$0x4F0];
	v16 =	vadd.f32 v0, v16;
	v0 =	vmax.f32 v1, $0.0e+00;
	v1 =	vmax.f32 v25, v20  }
0x37f: {  	v20 =	vld [tilespmem:s21+$0x84E0];
	v10 =	vadd.f32 v0, v10;
	v0 =	vmax.f32 v1, $0.0e+00;
	v1 =	vmax.f32 v27, v54  }
0x380: {  	v61 =	vsub.f32 v48, v49;
	v1 =	vmax.f32 v1, $0.0e+00;
	v15 =	vadd.f32 v0, v15;
	v0 =	vld [tilespmem:s21+$0x88F0]  }
0x381: {  	v60 =	vmax.f32 v22, v58;
	v8 =	vadd.f32 v1, v8;
	v1 =	vmax.f32 v21, v57  }
0x382: {  	v21 =	vmax.f32 v60, $0.0e+00;
	v63 =	vsub.f32 v53, v55;
	v1 =	vmax.f32 v1, $0.0e+00  }
0x383: {  	s20 =	sadd.s32 $0x1, s20;
	v29 =	vmax.f32 v39, v45;
	v6 =	vadd.f32 v21, v6;
	v13 =	vadd.f32 v1, v13  }
0x384: {  	p0 =	sne.s32 s20, $0x10;
	v1 =	vmax.f32 v2, v61;
	v2 =	vmax.f32 v40, v62;
	v20 =	vsub.f32 v20, v56  }
.Ltmp1:
0x385: {  	v1 =	vmax.f32 v1, $0.0e+00;
	v2 =	vmax.f32 v2, $0.0e+00;
	v0 =	vsub.f32 v59, v0;
	(pc) =	sbr.rel @p0 .LBB2_2-.Ltmp1, $4  }
0x386: {  	v11 =	vadd.f32 v1, v11;
	v5 =	vadd.f32 v2, v5;
	v1 =	vmax.f32 v28, v63  }
0x387: {  	v2 =	vmax.f32 v19, v20;
	v1 =	vmax.f32 v1, $0.0e+00;
	v0 =	vmax.f32 v29, v0  }
0x388: {  	v9 =	vadd.f32 v1, v9;
	v1 =	vmax.f32 v2, $0.0e+00;
	v0 =	vmax.f32 v0, $0.0e+00  }
0x389: {  	v4 =	vadd.f32 v1, v4;
	v7 =	vadd.f32 v0, v7  }
0x38a: {  	[tilespmem:$0x10100] =	vst v18  }
0x38b: {  	[tilespmem:$0x10180] =	vst v14  }
0x38c: {  	[tilespmem:$0x10110] =	vst v17  }
0x38d: {  	[tilespmem:$0x10190] =	vst v12  }
0x38e: {  	[tilespmem:$0x10120] =	vst v16  }
0x38f: {  	[tilespmem:$0x101A0] =	vst v10  }
0x390: {  	[tilespmem:$0x10130] =	vst v15  }
0x391: {  	[tilespmem:$0x101B0] =	vst v8  }
0x392: {  	[tilespmem:$0x10140] =	vst v13  }
0x393: {  	[tilespmem:$0x101C0] =	vst v6  }
0x394: {  	[tilespmem:$0x10150] =	vst v11  }
0x395: {  	[tilespmem:$0x101D0] =	vst v5  }
0x396: {  	[tilespmem:$0x10160] =	vst v9  }
0x397: {  	[tilespmem:$0x101F0] =	vst v3  }
0x398: {  	[tilespmem:$0x101E0] =	vst v4  }
0x399: {  	s20 =	simm.s32 $0x0;
	s21 =	rddreg [dreg:$0x3];
	s22 =	simm.s32 $0x10100;
	[tilespmem:$0x10170] =	vst v7  }
0x39a: {  	[hbm4b:s21+s20] =	stream.linear.scatter [tilespmem:s22], [sflag:$0x2], $0x80, $0x38;
	[tilespmem:$0x10200] =	vst v63  }
0x39b: {  	_ =	swait.ge [sflag:s11], $0x80  }
0x39c: {  	[sflag:s11] =	ssyncset.done $0x0  }
0x39d: {  	s23 =	simm.s32 $0x10180;
	s22 =	rddreg [dreg:$0x4];
	[sflag:s11] =	ssyncadd.s32 $0xFFFFFF80  }
0x39e: {  	[hbm4b:s22+s20] =	stream.linear.scatter [tilespmem:s23], [sflag:$0x2], $0x80, $0x38;
	[tilespmem:$0x10200] =	vst v63  }
0x39f: {  	_ =	swait.ge [sflag:s11], $0x80  }
0x3a0: {  	s22 =	rddreg [dreg:$0x6]  }
0x3a1: {  	s23 =	rddreg [dreg:$0x5];
	s21 =	sadd.s32 $0x1, s22  }
0x3a2: {  	p0 =	sne.s32 s21, s23  }
.Ltmp2:
0x3a3: {  	_ = 	snop;
	(pc) =	sbr.rel @p0 .LBB2_1-.Ltmp2, $3  }
0x3a4: {  	_ =	sdelay $0x1  }
0x3a5: {  	[sflag:s11] =	ssyncset.done $0x0  }
0x3a6: {  	[sflag:s11] =	ssyncadd.s32 $0xFFFFFF80  }
0x3a7: {  	_ =	sfence.sel $0x180000  }
0x3a8: {  	[bflag:$0x0] =	sbarrier.arrive $0xFFFF  }
0x3a9: {  	_ =	strace $0x90000047  }
0x3aa: {  	s0 =	stileid.u32;
	[bflag:$0x2] =	sbarrier.arrive $0xFFFF  }
0x3ab: {  	p0 =	sne.s32 s0, $0x0;
	s0 =	rddreg [dreg:$0x2]  }
0x3ac: {  	s0 =	sadd.s32 @!p0 $0x100000, s0  }
0x3ad: {  	[sflag:s0] =	ssyncadd.tile.s32 @!p0 $0x1;
	_ =	shalt  }
.Lfunc_end2:
_tile_overlayer_lowered:
.L_overlay_start_2:
0x3ae: {  	(tag) =	ssettag $0x2  }
0x3af: {  	s0 =	rddreg [dreg:$0x0];
	s2 =	stileid.u32  }
0x3b0: {  	s1 =	rddreg [dreg:$0x1];
	p0 =	sne.s32 s2, $0x0  }
0x3b1: {  	s3 =	rddreg [dreg:$0x2];
	[bflag:$0x3] =	sbarrier.arrive $0xFFFF;
	s2 =	simm.s32 @!p0 $0x1C02  }
0x3b2: {  	[timem:s3], [sflag:s2] =	dma.local @!p0 [hbm:s0], s1  }
0x3b3: {  	s0 =	simm.s32 @!p0 $0x2  }
0x3b4: {  	_ =	swait.ge @!p0 [sflag:s0], s1  }
0x3b5: {  	s1 =	ssub.s32 @!p0 $0x0, s1;
	[sflag:s0] =	ssyncset.done @!p0 $0x0  }
0x3b6: {  	[sflag:s0] =	ssyncadd.s32 @!p0 s1  }
0x3b7: {  	[bflag:$0x3] =	sbarrier.arrive $0xFFFF  }
0x3b8: {  	_ =	shalt  }

</sc_bundles>
